<compile_context>
chip_gen: v7x
topology: tpu7x:2x2x1
jax: 0.10.2.dev20260603
libtpu: 0.0.44.dev20260713+nightly
codegen_flags: <defaults>
</compile_context>

<pallas_src>
import jax
import jax.numpy as jnp
from jax import lax
from jax.experimental import pallas as pl
from jax.experimental.pallas import tpu as pltpu
from jax.experimental.pallas import tpu_sc as plsc

N_FIELDS = 26
VOCAB = 100000
EMBED_DIM = 32
BATCH = 16384

TOTAL = BATCH * N_FIELDS
NUM_CORES = 2
NUM_SUBCORES = 16
NW = NUM_CORES * NUM_SUBCORES
B_PER_W = BATCH // NW
SUB = 128
N_SUB = B_PER_W // SUB
ROWS_PER_SUB = SUB * N_FIELDS
N_OSTREAM = N_FIELDS
L = 16


def _body(xt_hbm, tab_hbm, out_hbm, xv, oidx, rows_v, gsem, osem):
    wid = lax.axis_index("s") * NUM_CORES + lax.axis_index("c")
    b0 = wid * B_PER_W

    pltpu.sync_copy(xt_hbm.at[:, pl.ds(b0, B_PER_W)], xv)

    def sbody(s, _):
        sb = b0 + s * SUB

        def obody(f, _):
            for t in range(8):
                j = t * 16 + lax.iota(jnp.int32, 16)
                oidx[f, pl.ds(t * 16, 16)] = (sb + j) * N_FIELDS + f
            return 0

        lax.fori_loop(0, N_OSTREAM, obody, 0)

        gathers = []
        for f in range(N_FIELDS):
            gathers.append(
                pltpu.async_copy(
                    tab_hbm.at[f].at[xv.at[f, pl.ds(s * SUB, SUB)]],
                    rows_v.at[pl.ds(f * SUB, SUB)],
                    gsem,
                )
            )
        for g in gathers:
            g.wait()
        scatters = []
        for k in range(N_OSTREAM):
            scatters.append(
                pltpu.async_copy(
                    rows_v.at[pl.ds(k * SUB, SUB)],
                    out_hbm.at[oidx.at[k]],
                    osem,
                )
            )
        for sc in scatters:
            sc.wait()
        return 0

    lax.fori_loop(0, N_SUB, sbody, 0)


@jax.jit
def _embed(xt, tables):
    mesh = plsc.VectorSubcoreMesh(core_axis_name="c", subcore_axis_name="s")
    return pl.kernel(
        _body,
        out_type=jax.ShapeDtypeStruct((TOTAL, EMBED_DIM), jnp.float32),
        mesh=mesh,
        scratch_types=[
            pltpu.VMEM((N_FIELDS, B_PER_W), jnp.int32),
            pltpu.VMEM((N_OSTREAM, 128), jnp.int32),
            pltpu.VMEM((ROWS_PER_SUB, EMBED_DIM), jnp.float32),
            pltpu.SemaphoreType.DMA,
            pltpu.SemaphoreType.DMA,
        ],
        compiler_params=pltpu.CompilerParams(use_tc_tiling_on_sc=False),
    )(xt, tables)


def kernel(x, tables):
    xt = x.astype(jnp.int32).T
    out = _embed(xt, tables)
    return out.reshape(BATCH, N_FIELDS, EMBED_DIM)

# --- scband reference (transcript-rebuilt; emitter-appended) ---
"""Pipeline reference for scband-features-embedding-82042465288596 (READ-ONLY COPY).

The authoritative reference and input builder live on the scoring server;
editing this copy changes nothing except your own understanding.
"""

import jax, jax.numpy as jnp
import numpy as np

N_FIELDS = 26
VOCAB = 100000
EMBED_DIM = 32
BATCH = 16384


def setup_inputs(seed: int = 0) -> dict:
    key = jax.random.key(seed)
    kx, kt = jax.random.split(key)
    x = jax.random.randint(kx, (BATCH, N_FIELDS), 0, VOCAB).astype(jnp.int64)
    # Xavier uniform init per nn.init.xavier_uniform_: bound = sqrt(6/(fan_in+fan_out))
    bound = float(np.sqrt(6.0 / (VOCAB + EMBED_DIM)))
    tables = jax.random.uniform(kt, (N_FIELDS, VOCAB, EMBED_DIM), dtype=jnp.float32, minval=-bound, maxval=bound)
    return {"x": x, "tables": tables}


def reference(x, tables):
    # torch.stack([self.embedding[i](x[:, i]) for i in range(x.shape[1])], dim=1)
    n_fields = x.shape[1]
    outs = [jnp.take(tables[i], x[:, i], axis=0) for i in range(n_fields)]
    return jnp.stack(outs, axis=1)  # [B, n_fields, embed_dim]

if __name__ == "__main__":
    import jax
    _d = setup_inputs()
    print(jax.jit(kernel)(*tuple(_d.values())))

</pallas_src>

<mosaic_0001>
#map = affine_map<(d0, d1) -> (0, 0)>
#map1 = affine_map<(d0, d1) -> (0, 0, 0)>
module attributes {stable_mosaic.version = 14 : i64} {
  func.func @_body(%arg0: i32, %arg1: i32, %arg2: memref<26x16384xi32, #tpu.memory_space<hbm>>, %arg3: memref<26x100000x32xf32, #tpu.memory_space<hbm>>, %arg4: memref<425984x32xf32, #tpu.memory_space<hbm>>, %arg5: memref<26x512xi32, #tpu.memory_space<vmem>>, %arg6: memref<26x128xi32, #tpu.memory_space<vmem>>, %arg7: memref<3328x32xf32, #tpu.memory_space<vmem>>, %arg8: memref<!tpu.dma_semaphore, #tpu.memory_space<semaphore_mem>>, %arg9: memref<!tpu.dma_semaphore, #tpu.memory_space<semaphore_mem>>) attributes {dimension_semantics = [#tpu.dimension_semantics<core_parallel>, #tpu.dimension_semantics<subcore_parallel>], iteration_bounds = array<i64: 2, 16>, scalar_prefetch = 0 : i64, scratch_operands = 5 : i64, tpu.core_type = #tpu.core_type<sc_vector_subcore>, window_params = [{transform_indices = #map}, {transform_indices = #map1}, {transform_indices = #map}]} {
    %mul3A = arith.constant 2 : i32
    %mul3A_0 = arith.muli %arg1, %mul3A : i32
    %add3A = arith.addi %mul3A_0, %arg0 : i32
    %mul3A_1 = arith.constant 512 : i32
    %mul3A_2 = arith.muli %add3A, %mul3A_1 : i32
    "tpu.region"() ({
      %run_scoped3A = tpu.sem_alloc : memref<!tpu.dma_semaphore, #tpu.memory_space<semaphore_mem>>
      %dma_start3A = arith.constant 0 : i32
      %dma_start3A_9 = tpu.memref_slice %arg2[%dma_start3A, %mul3A_2] : memref<26x16384xi32, #tpu.memory_space<hbm>> -> memref<26x512xi32, #tpu.memory_space<hbm>>
      %dma_start3A_10 = arith.constant 0 : i32
      %dma_start3A_11 = tpu.memref_slice %arg2[%dma_start3A_10, %mul3A_2] : memref<26x16384xi32, #tpu.memory_space<hbm>> -> memref<26x512xi32, #tpu.memory_space<hbm>>
      tpu.enqueue_dma source(%dma_start3A_11 : memref<26x512xi32, #tpu.memory_space<hbm>>) target(%arg5 : memref<26x512xi32, #tpu.memory_space<vmem>>) target_semaphore(%run_scoped3A : memref<!tpu.dma_semaphore, #tpu.memory_space<semaphore_mem>>)
      %dma_wait3A = arith.constant 0 : i32
      %dma_wait3A_12 = tpu.memref_slice %arg2[%dma_wait3A, %mul3A_2] : memref<26x16384xi32, #tpu.memory_space<hbm>> -> memref<26x512xi32, #tpu.memory_space<hbm>>
      %dma_wait3A_13 = arith.constant 0 : i32
      %dma_wait3A_14 = tpu.memref_slice %arg2[%dma_wait3A_13, %mul3A_2] : memref<26x16384xi32, #tpu.memory_space<hbm>> -> memref<26x512xi32, #tpu.memory_space<hbm>>
      tpu.wait_dma2 semaphore(%run_scoped3A : memref<!tpu.dma_semaphore, #tpu.memory_space<semaphore_mem>>) src(%dma_wait3A_14 : memref<26x512xi32, #tpu.memory_space<hbm>>) dst(%arg5 : memref<26x512xi32, #tpu.memory_space<vmem>>)
      tpu.yield
    }) : () -> ()
    %scan3A = arith.constant 0 : i32
    %scan3A_3 = arith.constant 0 : i32
    %scan3A_4 = arith.constant 4 : i32
    %scan3A_5 = arith.addi %scan3A_3, %scan3A_4 : i32
    %scan3A_6 = arith.constant 1 : i32
    %scan3A_7 = scf.for %scan3A_9 = %scan3A_3 to %scan3A_5 step %scan3A_6 iter_args(%scan3A_10 = %scan3A) -> (i32)  : i32 {
      %mul3A_11 = arith.constant 128 : i32
      %mul3A_12 = arith.muli %scan3A_9, %mul3A_11 : i32
      %add3A_13 = arith.addi %mul3A_2, %mul3A_12 : i32
      %scan3A_14 = arith.constant 0 : i32
      %scan3A_15 = arith.constant 0 : i32
      %scan3A_16 = arith.constant 26 : i32
      %scan3A_17 = arith.addi %scan3A_15, %scan3A_16 : i32
      %scan3A_18 = arith.constant 1 : i32
      %scan3A_19 = scf.for %scan3A_1320 = %scan3A_15 to %scan3A_17 step %scan3A_18 iter_args(%scan3A_1321 = %scan3A_14) -> (i32)  : i32 {
        %iota3A = tpu.iota {dimensions = array<i32: 0>} : vector<16xi32>
        %add3A_1322 = arith.constant 0 : i32
        %add3A_1323 = vector.broadcast %add3A_1322 : i32 to vector<16xi32>
        %add3A_1324 = arith.addi %add3A_1323, %iota3A : vector<16xi32>
        %add3A_1325 = vector.broadcast %add3A_13 : i32 to vector<16xi32>
        %add3A_1326 = arith.addi %add3A_1325, %add3A_1324 : vector<16xi32>
        %mul3A_1327 = arith.constant 26 : i32
        %mul3A_1328 = vector.broadcast %mul3A_1327 : i32 to vector<16xi32>
        %mul3A_1329 = arith.muli %add3A_1326, %mul3A_1328 : vector<16xi32>
        %add3A_1330 = vector.broadcast %scan3A_1320 : i32 to vector<16xi32>
        %add3A_1331 = arith.addi %mul3A_1329, %add3A_1330 : vector<16xi32>
        %swap3A = arith.index_cast %scan3A_1320 : i32 to index
        %swap3A_1332 = arith.constant 0 : index
        %swap3A_1333 = tpu.vector_load %arg6[%swap3A, %swap3A_1332] {strides = array<i32>} : memref<26x128xi32, #tpu.memory_space<vmem>>, vector<1x16xi32>,
        %swap3A_1334 = vector.shape_cast %swap3A_1333 : vector<1x16xi32> to vector<16xi32>
        %swap3A_1335 = vector.shape_cast %add3A_1331 : vector<16xi32> to vector<1x16xi32>
        tpu.vector_store %arg6[%swap3A, %swap3A_1332], %swap3A_1335 {strides = array<i32>} : memref<26x128xi32, #tpu.memory_space<vmem>>, vector<1x16xi32>,
        %iota3A_1336 = tpu.iota {dimensions = array<i32: 0>} : vector<16xi32>
        %add3A_1337 = arith.constant 16 : i32
        %add3A_1338 = vector.broadcast %add3A_1337 : i32 to vector<16xi32>
        %add3A_1339 = arith.addi %add3A_1338, %iota3A_1336 : vector<16xi32>
        %add3A_1340 = vector.broadcast %add3A_13 : i32 to vector<16xi32>
        %add3A_1341 = arith.addi %add3A_1340, %add3A_1339 : vector<16xi32>
        %mul3A_1342 = arith.constant 26 : i32
        %mul3A_1343 = vector.broadcast %mul3A_1342 : i32 to vector<16xi32>
        %mul3A_1344 = arith.muli %add3A_1341, %mul3A_1343 : vector<16xi32>
        %add3A_1345 = vector.broadcast %scan3A_1320 : i32 to vector<16xi32>
        %add3A_1346 = arith.addi %mul3A_1344, %add3A_1345 : vector<16xi32>
        %swap3A_1347 = arith.index_cast %scan3A_1320 : i32 to index
        %swap3A_1348 = arith.constant 16 : index
        %swap3A_1349 = tpu.vector_load %arg6[%swap3A_1347, %swap3A_1348] {strides = array<i32>} : memref<26x128xi32, #tpu.memory_space<vmem>>, vector<1x16xi32>,
        %swap3A_1350 = vector.shape_cast %swap3A_1349 : vector<1x16xi32> to vector<16xi32>
        %swap3A_1351 = vector.shape_cast %add3A_1346 : vector<16xi32> to vector<1x16xi32>
        tpu.vector_store %arg6[%swap3A_1347, %swap3A_1348], %swap3A_1351 {strides = array<i32>} : memref<26x128xi32, #tpu.memory_space<vmem>>, vector<1x16xi32>,
        %iota3A_1352 = tpu.iota {dimensions = array<i32: 0>} : vector<16xi32>
        %add3A_1353 = arith.constant 32 : i32
        %add3A_1354 = vector.broadcast %add3A_1353 : i32 to vector<16xi32>
        %add3A_1355 = arith.addi %add3A_1354, %iota3A_1352 : vector<16xi32>
        %add3A_1356 = vector.broadcast %add3A_13 : i32 to vector<16xi32>
        %add3A_1357 = arith.addi %add3A_1356, %add3A_1355 : vector<16xi32>
        %mul3A_1358 = arith.constant 26 : i32
        %mul3A_1359 = vector.broadcast %mul3A_1358 : i32 to vector<16xi32>
        %mul3A_1360 = arith.muli %add3A_1357, %mul3A_1359 : vector<16xi32>
        %add3A_1361 = vector.broadcast %scan3A_1320 : i32 to vector<16xi32>
        %add3A_1362 = arith.addi %mul3A_1360, %add3A_1361 : vector<16xi32>
        %swap3A_1363 = arith.index_cast %scan3A_1320 : i32 to index
        %swap3A_1364 = arith.constant 32 : index
        %swap3A_1365 = tpu.vector_load %arg6[%swap3A_1363, %swap3A_1364] {strides = array<i32>} : memref<26x128xi32, #tpu.memory_space<vmem>>, vector<1x16xi32>,
        %swap3A_1366 = vector.shape_cast %swap3A_1365 : vector<1x16xi32> to vector<16xi32>
        %swap3A_1367 = vector.shape_cast %add3A_1362 : vector<16xi32> to vector<1x16xi32>
        tpu.vector_store %arg6[%swap3A_1363, %swap3A_1364], %swap3A_1367 {strides = array<i32>} : memref<26x128xi32, #tpu.memory_space<vmem>>, vector<1x16xi32>,
        %iota3A_1368 = tpu.iota {dimensions = array<i32: 0>} : vector<16xi32>
        %add3A_1369 = arith.constant 48 : i32
        %add3A_1370 = vector.broadcast %add3A_1369 : i32 to vector<16xi32>
        %add3A_1371 = arith.addi %add3A_1370, %iota3A_1368 : vector<16xi32>
        %add3A_1372 = vector.broadcast %add3A_13 : i32 to vector<16xi32>
        %add3A_1373 = arith.addi %add3A_1372, %add3A_1371 : vector<16xi32>
        %mul3A_1374 = arith.constant 26 : i32
        %mul3A_1375 = vector.broadcast %mul3A_1374 : i32 to vector<16xi32>
        %mul3A_1376 = arith.muli %add3A_1373, %mul3A_1375 : vector<16xi32>
        %add3A_1377 = vector.broadcast %scan3A_1320 : i32 to vector<16xi32>
        %add3A_1378 = arith.addi %mul3A_1376, %add3A_1377 : vector<16xi32>
        %swap3A_1379 = arith.index_cast %scan3A_1320 : i32 to index
        %swap3A_1380 = arith.constant 48 : index
        %swap3A_1381 = tpu.vector_load %arg6[%swap3A_1379, %swap3A_1380] {strides = array<i32>} : memref<26x128xi32, #tpu.memory_space<vmem>>, vector<1x16xi32>,
        %swap3A_1382 = vector.shape_cast %swap3A_1381 : vector<1x16xi32> to vector<16xi32>
        %swap3A_1383 = vector.shape_cast %add3A_1378 : vector<16xi32> to vector<1x16xi32>
        tpu.vector_store %arg6[%swap3A_1379, %swap3A_1380], %swap3A_1383 {strides = array<i32>} : memref<26x128xi32, #tpu.memory_space<vmem>>, vector<1x16xi32>,
        %iota3A_1384 = tpu.iota {dimensions = array<i32: 0>} : vector<16xi32>
        %add3A_1385 = arith.constant 64 : i32
        %add3A_1386 = vector.broadcast %add3A_1385 : i32 to vector<16xi32>
        %add3A_1387 = arith.addi %add3A_1386, %iota3A_1384 : vector<16xi32>
        %add3A_1388 = vector.broadcast %add3A_13 : i32 to vector<16xi32>
        %add3A_1389 = arith.addi %add3A_1388, %add3A_1387 : vector<16xi32>
        %mul3A_1390 = arith.constant 26 : i32
        %mul3A_1391 = vector.broadcast %mul3A_1390 : i32 to vector<16xi32>
        %mul3A_1392 = arith.muli %add3A_1389, %mul3A_1391 : vector<16xi32>
        %add3A_1393 = vector.broadcast %scan3A_1320 : i32 to vector<16xi32>
        %add3A_1394 = arith.addi %mul3A_1392, %add3A_1393 : vector<16xi32>
        %swap3A_1395 = arith.index_cast %scan3A_1320 : i32 to index
        %swap3A_1396 = arith.constant 64 : index
        %swap3A_1397 = tpu.vector_load %arg6[%swap3A_1395, %swap3A_1396] {strides = array<i32>} : memref<26x128xi32, #tpu.memory_space<vmem>>, vector<1x16xi32>,
        %swap3A_1398 = vector.shape_cast %swap3A_1397 : vector<1x16xi32> to vector<16xi32>
        %swap3A_1399 = vector.shape_cast %add3A_1394 : vector<16xi32> to vector<1x16xi32>
        tpu.vector_store %arg6[%swap3A_1395, %swap3A_1396], %swap3A_1399 {strides = array<i32>} : memref<26x128xi32, #tpu.memory_space<vmem>>, vector<1x16xi32>,
        %iota3A_1400 = tpu.iota {dimensions = array<i32: 0>} : vector<16xi32>
        %add3A_1401 = arith.constant 80 : i32
        %add3A_1402 = vector.broadcast %add3A_1401 : i32 to vector<16xi32>
        %add3A_1403 = arith.addi %add3A_1402, %iota3A_1400 : vector<16xi32>
        %add3A_1404 = vector.broadcast %add3A_13 : i32 to vector<16xi32>
        %add3A_1405 = arith.addi %add3A_1404, %add3A_1403 : vector<16xi32>
        %mul3A_1406 = arith.constant 26 : i32
        %mul3A_1407 = vector.broadcast %mul3A_1406 : i32 to vector<16xi32>
        %mul3A_1408 = arith.muli %add3A_1405, %mul3A_1407 : vector<16xi32>
        %add3A_1409 = vector.broadcast %scan3A_1320 : i32 to vector<16xi32>
        %add3A_1410 = arith.addi %mul3A_1408, %add3A_1409 : vector<16xi32>
        %swap3A_1411 = arith.index_cast %scan3A_1320 : i32 to index
        %swap3A_1412 = arith.constant 80 : index
        %swap3A_1413 = tpu.vector_load %arg6[%swap3A_1411, %swap3A_1412] {strides = array<i32>} : memref<26x128xi32, #tpu.memory_space<vmem>>, vector<1x16xi32>,
        %swap3A_1414 = vector.shape_cast %swap3A_1413 : vector<1x16xi32> to vector<16xi32>
        %swap3A_1415 = vector.shape_cast %add3A_1410 : vector<16xi32> to vector<1x16xi32>
        tpu.vector_store %arg6[%swap3A_1411, %swap3A_1412], %swap3A_1415 {strides = array<i32>} : memref<26x128xi32, #tpu.memory_space<vmem>>, vector<1x16xi32>,
        %iota3A_1416 = tpu.iota {dimensions = array<i32: 0>} : vector<16xi32>
        %add3A_1417 = arith.constant 96 : i32
        %add3A_1418 = vector.broadcast %add3A_1417 : i32 to vector<16xi32>
        %add3A_1419 = arith.addi %add3A_1418, %iota3A_1416 : vector<16xi32>
        %add3A_1420 = vector.broadcast %add3A_13 : i32 to vector<16xi32>
        %add3A_1421 = arith.addi %add3A_1420, %add3A_1419 : vector<16xi32>
        %mul3A_1422 = arith.constant 26 : i32
        %mul3A_1423 = vector.broadcast %mul3A_1422 : i32 to vector<16xi32>
        %mul3A_1424 = arith.muli %add3A_1421, %mul3A_1423 : vector<16xi32>
        %add3A_1425 = vector.broadcast %scan3A_1320 : i32 to vector<16xi32>
        %add3A_1426 = arith.addi %mul3A_1424, %add3A_1425 : vector<16xi32>
        %swap3A_1427 = arith.index_cast %scan3A_1320 : i32 to index
        %swap3A_1428 = arith.constant 96 : index
        %swap3A_1429 = tpu.vector_load %arg6[%swap3A_1427, %swap3A_1428] {strides = array<i32>} : memref<26x128xi32, #tpu.memory_space<vmem>>, vector<1x16xi32>,
        %swap3A_1430 = vector.shape_cast %swap3A_1429 : vector<1x16xi32> to vector<16xi32>
        %swap3A_1431 = vector.shape_cast %add3A_1426 : vector<16xi32> to vector<1x16xi32>
        tpu.vector_store %arg6[%swap3A_1427, %swap3A_1428], %swap3A_1431 {strides = array<i32>} : memref<26x128xi32, #tpu.memory_space<vmem>>, vector<1x16xi32>,
        %iota3A_1432 = tpu.iota {dimensions = array<i32: 0>} : vector<16xi32>
        %add3A_1433 = arith.constant 112 : i32
        %add3A_1434 = vector.broadcast %add3A_1433 : i32 to vector<16xi32>
        %add3A_1435 = arith.addi %add3A_1434, %iota3A_1432 : vector<16xi32>
        %add3A_1436 = vector.broadcast %add3A_13 : i32 to vector<16xi32>
        %add3A_1437 = arith.addi %add3A_1436, %add3A_1435 : vector<16xi32>
        %mul3A_1438 = arith.constant 26 : i32
        %mul3A_1439 = vector.broadcast %mul3A_1438 : i32 to vector<16xi32>
        %mul3A_1440 = arith.muli %add3A_1437, %mul3A_1439 : vector<16xi32>
        %add3A_1441 = vector.broadcast %scan3A_1320 : i32 to vector<16xi32>
        %add3A_1442 = arith.addi %mul3A_1440, %add3A_1441 : vector<16xi32>
        %swap3A_1443 = arith.index_cast %scan3A_1320 : i32 to index
        %swap3A_1444 = arith.constant 112 : index
        %swap3A_1445 = tpu.vector_load %arg6[%swap3A_1443, %swap3A_1444] {strides = array<i32>} : memref<26x128xi32, #tpu.memory_space<vmem>>, vector<1x16xi32>,
        %swap3A_1446 = vector.shape_cast %swap3A_1445 : vector<1x16xi32> to vector<16xi32>
        %swap3A_1447 = vector.shape_cast %add3A_1442 : vector<16xi32> to vector<1x16xi32>
        tpu.vector_store %arg6[%swap3A_1443, %swap3A_1444], %swap3A_1447 {strides = array<i32>} : memref<26x128xi32, #tpu.memory_space<vmem>>, vector<1x16xi32>,
        %scan3A_1448 = arith.constant 0 : i32
        scf.yield %scan3A_1448 : i32
      }
      %scan3A_20 = arith.constant 26 : i32
      %mul3A_21 = arith.constant 128 : i32
      %mul3A_22 = arith.muli %scan3A_9, %mul3A_21 : i32
      %dma_start3A = arith.constant 0 : i32
      %dma_start3A_23 = arith.constant 0 : i32
      %dma_start3A_24 = arith.constant 0 : i32
      %dma_start3A_25 = arith.constant 0 : i32
      %dma_start3A_26 = tpu.memref_slice %arg7[%dma_start3A_24, %dma_start3A_25] : memref<3328x32xf32, #tpu.memory_space<vmem>> -> memref<128x32xf32, #tpu.memory_space<vmem>>
      %dma_start3A_27 = tpu.memref_slice %arg5[%dma_start3A_23, %mul3A_22] : memref<26x512xi32, #tpu.memory_space<vmem>> -> memref<1x128xi32, #tpu.memory_space<vmem>>
      %dma_start3A_28 = tpu.memref_squeeze %dma_start3A_27 : memref<1x128xi32, #tpu.memory_space<vmem>> -> memref<128xi32, #tpu.memory_space<vmem>>
      %dma_start3A_29 = arith.constant 0 : i32
      %dma_start3A_30 = arith.constant 0 : i32
      %dma_start3A_31 = tpu.memref_slice %arg3[%dma_start3A, %dma_start3A_29, %dma_start3A_30] : memref<26x100000x32xf32, #tpu.memory_space<hbm>> -> memref<1x100000x32xf32, #tpu.memory_space<hbm>>
      %dma_start3A_32 = tpu.memref_squeeze %dma_start3A_31 : memref<1x100000x32xf32, #tpu.memory_space<hbm>> -> memref<100000x32xf32, #tpu.memory_space<hbm>>
      %dma_start3A_33 = arith.constant 0 : i32
      %dma_start3A_34 = arith.constant 0 : i32
      %dma_start3A_35 = tpu.memref_slice %dma_start3A_32[%dma_start3A_33, %dma_start3A_34] : memref<100000x32xf32, #tpu.memory_space<hbm>> -> memref<100000x32xf32, #tpu.memory_space<hbm>>
      tpu.enqueue_indirect_dma source(%dma_start3A_35 : memref<100000x32xf32, #tpu.memory_space<hbm>>) target(%dma_start3A_26 : memref<128x32xf32, #tpu.memory_space<vmem>>) offsets(%dma_start3A_28 : memref<128xi32, #tpu.memory_space<vmem>>) semaphore(%arg8 : memref<!tpu.dma_semaphore, #tpu.memory_space<semaphore_mem>>)
      %mul3A_36 = arith.constant 128 : i32
      %mul3A_37 = arith.muli %scan3A_9, %mul3A_36 : i32
      %dma_start3A_38 = arith.constant 1 : i32
      %dma_start3A_39 = arith.constant 1 : i32
      %dma_start3A_40 = arith.constant 128 : i32
      %dma_start3A_41 = arith.constant 0 : i32
      %dma_start3A_42 = tpu.memref_slice %arg7[%dma_start3A_40, %dma_start3A_41] : memref<3328x32xf32, #tpu.memory_space<vmem>> -> memref<128x32xf32, #tpu.memory_space<vmem>>
      %dma_start3A_43 = tpu.memref_slice %arg5[%dma_start3A_39, %mul3A_37] : memref<26x512xi32, #tpu.memory_space<vmem>> -> memref<1x128xi32, #tpu.memory_space<vmem>>
      %dma_start3A_44 = tpu.memref_squeeze %dma_start3A_43 : memref<1x128xi32, #tpu.memory_space<vmem>> -> memref<128xi32, #tpu.memory_space<vmem>>
      %dma_start3A_45 = arith.constant 0 : i32
      %dma_start3A_46 = arith.constant 0 : i32
      %dma_start3A_47 = tpu.memref_slice %arg3[%dma_start3A_38, %dma_start3A_45, %dma_start3A_46] : memref<26x100000x32xf32, #tpu.memory_space<hbm>> -> memref<1x100000x32xf32, #tpu.memory_space<hbm>>
      %dma_start3A_48 = tpu.memref_squeeze %dma_start3A_47 : memref<1x100000x32xf32, #tpu.memory_space<hbm>> -> memref<100000x32xf32, #tpu.memory_space<hbm>>
      %dma_start3A_49 = arith.constant 0 : i32
      %dma_start3A_50 = arith.constant 0 : i32
      %dma_start3A_51 = tpu.memref_slice %dma_start3A_48[%dma_start3A_49, %dma_start3A_50] : memref<100000x32xf32, #tpu.memory_space<hbm>> -> memref<100000x32xf32, #tpu.memory_space<hbm>>
      tpu.enqueue_indirect_dma source(%dma_start3A_51 : memref<100000x32xf32, #tpu.memory_space<hbm>>) target(%dma_start3A_42 : memref<128x32xf32, #tpu.memory_space<vmem>>) offsets(%dma_start3A_44 : memref<128xi32, #tpu.memory_space<vmem>>) semaphore(%arg8 : memref<!tpu.dma_semaphore, #tpu.memory_space<semaphore_mem>>)
      %mul3A_52 = arith.constant 128 : i32
      %mul3A_53 = arith.muli %scan3A_9, %mul3A_52 : i32
      %dma_start3A_54 = arith.constant 2 : i32
      %dma_start3A_55 = arith.constant 2 : i32
      %dma_start3A_56 = arith.constant 256 : i32
      %dma_start3A_57 = arith.constant 0 : i32
      %dma_start3A_58 = tpu.memref_slice %arg7[%dma_start3A_56, %dma_start3A_57] : memref<3328x32xf32, #tpu.memory_space<vmem>> -> memref<128x32xf32, #tpu.memory_space<vmem>>
      %dma_start3A_59 = tpu.memref_slice %arg5[%dma_start3A_55, %mul3A_53] : memref<26x512xi32, #tpu.memory_space<vmem>> -> memref<1x128xi32, #tpu.memory_space<vmem>>
      %dma_start3A_60 = tpu.memref_squeeze %dma_start3A_59 : memref<1x128xi32, #tpu.memory_space<vmem>> -> memref<128xi32, #tpu.memory_space<vmem>>
      %dma_start3A_61 = arith.constant 0 : i32
      %dma_start3A_62 = arith.constant 0 : i32
      %dma_start3A_63 = tpu.memref_slice %arg3[%dma_start3A_54, %dma_start3A_61, %dma_start3A_62] : memref<26x100000x32xf32, #tpu.memory_space<hbm>> -> memref<1x100000x32xf32, #tpu.memory_space<hbm>>
      %dma_start3A_64 = tpu.memref_squeeze %dma_start3A_63 : memref<1x100000x32xf32, #tpu.memory_space<hbm>> -> memref<100000x32xf32, #tpu.memory_space<hbm>>
      %dma_start3A_65 = arith.constant 0 : i32
      %dma_start3A_66 = arith.constant 0 : i32
      %dma_start3A_67 = tpu.memref_slice %dma_start3A_64[%dma_start3A_65, %dma_start3A_66] : memref<100000x32xf32, #tpu.memory_space<hbm>> -> memref<100000x32xf32, #tpu.memory_space<hbm>>
      tpu.enqueue_indirect_dma source(%dma_start3A_67 : memref<100000x32xf32, #tpu.memory_space<hbm>>) target(%dma_start3A_58 : memref<128x32xf32, #tpu.memory_space<vmem>>) offsets(%dma_start3A_60 : memref<128xi32, #tpu.memory_space<vmem>>) semaphore(%arg8 : memref<!tpu.dma_semaphore, #tpu.memory_space<semaphore_mem>>)
      %mul3A_68 = arith.constant 128 : i32
      %mul3A_69 = arith.muli %scan3A_9, %mul3A_68 : i32
      %dma_start3A_70 = arith.constant 3 : i32
      %dma_start3A_71 = arith.constant 3 : i32
      %dma_start3A_72 = arith.constant 384 : i32
      %dma_start3A_73 = arith.constant 0 : i32
      %dma_start3A_74 = tpu.memref_slice %arg7[%dma_start3A_72, %dma_start3A_73] : memref<3328x32xf32, #tpu.memory_space<vmem>> -> memref<128x32xf32, #tpu.memory_space<vmem>>
      %dma_start3A_75 = tpu.memref_slice %arg5[%dma_start3A_71, %mul3A_69] : memref<26x512xi32, #tpu.memory_space<vmem>> -> memref<1x128xi32, #tpu.memory_space<vmem>>
      %dma_start3A_76 = tpu.memref_squeeze %dma_start3A_75 : memref<1x128xi32, #tpu.memory_space<vmem>> -> memref<128xi32, #tpu.memory_space<vmem>>
      %dma_start3A_77 = arith.constant 0 : i32
      %dma_start3A_78 = arith.constant 0 : i32
      %dma_start3A_79 = tpu.memref_slice %arg3[%dma_start3A_70, %dma_start3A_77, %dma_start3A_78] : memref<26x100000x32xf32, #tpu.memory_space<hbm>> -> memref<1x100000x32xf32, #tpu.memory_space<hbm>>
      %dma_start3A_80 = tpu.memref_squeeze %dma_start3A_79 : memref<1x100000x32xf32, #tpu.memory_space<hbm>> -> memref<100000x32xf32, #tpu.memory_space<hbm>>
      %dma_start3A_81 = arith.constant 0 : i32
      %dma_start3A_82 = arith.constant 0 : i32
      %dma_start3A_83 = tpu.memref_slice %dma_start3A_80[%dma_start3A_81, %dma_start3A_82] : memref<100000x32xf32, #tpu.memory_space<hbm>> -> memref<100000x32xf32, #tpu.memory_space<hbm>>
      tpu.enqueue_indirect_dma source(%dma_start3A_83 : memref<100000x32xf32, #tpu.memory_space<hbm>>) target(%dma_start3A_74 : memref<128x32xf32, #tpu.memory_space<vmem>>) offsets(%dma_start3A_76 : memref<128xi32, #tpu.memory_space<vmem>>) semaphore(%arg8 : memref<!tpu.dma_semaphore, #tpu.memory_space<semaphore_mem>>)
      %mul3A_84 = arith.constant 128 : i32
      %mul3A_85 = arith.muli %scan3A_9, %mul3A_84 : i32
      %dma_start3A_86 = arith.constant 4 : i32
      %dma_start3A_87 = arith.constant 4 : i32
      %dma_start3A_88 = arith.constant 512 : i32
      %dma_start3A_89 = arith.constant 0 : i32
      %dma_start3A_90 = tpu.memref_slice %arg7[%dma_start3A_88, %dma_start3A_89] : memref<3328x32xf32, #tpu.memory_space<vmem>> -> memref<128x32xf32, #tpu.memory_space<vmem>>
      %dma_start3A_91 = tpu.memref_slice %arg5[%dma_start3A_87, %mul3A_85] : memref<26x512xi32, #tpu.memory_space<vmem>> -> memref<1x128xi32, #tpu.memory_space<vmem>>
      %dma_start3A_92 = tpu.memref_squeeze %dma_start3A_91 : memref<1x128xi32, #tpu.memory_space<vmem>> -> memref<128xi32, #tpu.memory_space<vmem>>
      %dma_start3A_93 = arith.constant 0 : i32
      %dma_start3A_94 = arith.constant 0 : i32
      %dma_start3A_95 = tpu.memref_slice %arg3[%dma_start3A_86, %dma_start3A_93, %dma_start3A_94] : memref<26x100000x32xf32, #tpu.memory_space<hbm>> -> memref<1x100000x32xf32, #tpu.memory_space<hbm>>
      %dma_start3A_96 = tpu.memref_squeeze %dma_start3A_95 : memref<1x100000x32xf32, #tpu.memory_space<hbm>> -> memref<100000x32xf32, #tpu.memory_space<hbm>>
      %dma_start3A_97 = arith.constant 0 : i32
      %dma_start3A_98 = arith.constant 0 : i32
      %dma_start3A_99 = tpu.memref_slice %dma_start3A_96[%dma_start3A_97, %dma_start3A_98] : memref<100000x32xf32, #tpu.memory_space<hbm>> -> memref<100000x32xf32, #tpu.memory_space<hbm>>
      tpu.enqueue_indirect_dma source(%dma_start3A_99 : memref<100000x32xf32, #tpu.memory_space<hbm>>) target(%dma_start3A_90 : memref<128x32xf32, #tpu.memory_space<vmem>>) offsets(%dma_start3A_92 : memref<128xi32, #tpu.memory_space<vmem>>) semaphore(%arg8 : memref<!tpu.dma_semaphore, #tpu.memory_space<semaphore_mem>>)
      %mul3A_100 = arith.constant 128 : i32
      %mul3A_101 = arith.muli %scan3A_9, %mul3A_100 : i32
      %dma_start3A_102 = arith.constant 5 : i32
      %dma_start3A_103 = arith.constant 5 : i32
      %dma_start3A_104 = arith.constant 640 : i32
      %dma_start3A_105 = arith.constant 0 : i32
      %dma_start3A_106 = tpu.memref_slice %arg7[%dma_start3A_104, %dma_start3A_105] : memref<3328x32xf32, #tpu.memory_space<vmem>> -> memref<128x32xf32, #tpu.memory_space<vmem>>
      %dma_start3A_107 = tpu.memref_slice %arg5[%dma_start3A_103, %mul3A_101] : memref<26x512xi32, #tpu.memory_space<vmem>> -> memref<1x128xi32, #tpu.memory_space<vmem>>
      %dma_start3A_108 = tpu.memref_squeeze %dma_start3A_107 : memref<1x128xi32, #tpu.memory_space<vmem>> -> memref<128xi32, #tpu.memory_space<vmem>>
      %dma_start3A_109 = arith.constant 0 : i32
      %dma_start3A_110 = arith.constant 0 : i32
      %dma_start3A_111 = tpu.memref_slice %arg3[%dma_start3A_102, %dma_start3A_109, %dma_start3A_110] : memref<26x100000x32xf32, #tpu.memory_space<hbm>> -> memref<1x100000x32xf32, #tpu.memory_space<hbm>>
      %dma_start3A_112 = tpu.memref_squeeze %dma_start3A_111 : memref<1x100000x32xf32, #tpu.memory_space<hbm>> -> memref<100000x32xf32, #tpu.memory_space<hbm>>
      %dma_start3A_113 = arith.constant 0 : i32
      %dma_start3A_114 = arith.constant 0 : i32
      %dma_start3A_115 = tpu.memref_slice %dma_start3A_112[%dma_start3A_113, %dma_start3A_114] : memref<100000x32xf32, #tpu.memory_space<hbm>> -> memref<100000x32xf32, #tpu.memory_space<hbm>>
      tpu.enqueue_indirect_dma source(%dma_start3A_115 : memref<100000x32xf32, #tpu.memory_space<hbm>>) target(%dma_start3A_106 : memref<128x32xf32, #tpu.memory_space<vmem>>) offsets(%dma_start3A_108 : memref<128xi32, #tpu.memory_space<vmem>>) semaphore(%arg8 : memref<!tpu.dma_semaphore, #tpu.memory_space<semaphore_mem>>)
      %mul3A_116 = arith.constant 128 : i32
      %mul3A_117 = arith.muli %scan3A_9, %mul3A_116 : i32
      %dma_start3A_118 = arith.constant 6 : i32
      %dma_start3A_119 = arith.constant 6 : i32
      %dma_start3A_120 = arith.constant 768 : i32
      %dma_start3A_121 = arith.constant 0 : i32
      %dma_start3A_122 = tpu.memref_slice %arg7[%dma_start3A_120, %dma_start3A_121] : memref<3328x32xf32, #tpu.memory_space<vmem>> -> memref<128x32xf32, #tpu.memory_space<vmem>>
      %dma_start3A_123 = tpu.memref_slice %arg5[%dma_start3A_119, %mul3A_117] : memref<26x512xi32, #tpu.memory_space<vmem>> -> memref<1x128xi32, #tpu.memory_space<vmem>>
      %dma_start3A_124 = tpu.memref_squeeze %dma_start3A_123 : memref<1x128xi32, #tpu.memory_space<vmem>> -> memref<128xi32, #tpu.memory_space<vmem>>
      %dma_start3A_125 = arith.constant 0 : i32
      %dma_start3A_126 = arith.constant 0 : i32
      %dma_start3A_127 = tpu.memref_slice %arg3[%dma_start3A_118, %dma_start3A_125, %dma_start3A_126] : memref<26x100000x32xf32, #tpu.memory_space<hbm>> -> memref<1x100000x32xf32, #tpu.memory_space<hbm>>
      %dma_start3A_128 = tpu.memref_squeeze %dma_start3A_127 : memref<1x100000x32xf32, #tpu.memory_space<hbm>> -> memref<100000x32xf32, #tpu.memory_space<hbm>>
      %dma_start3A_129 = arith.constant 0 : i32
      %dma_start3A_130 = arith.constant 0 : i32
      %dma_start3A_131 = tpu.memref_slice %dma_start3A_128[%dma_start3A_129, %dma_start3A_130] : memref<100000x32xf32, #tpu.memory_space<hbm>> -> memref<100000x32xf32, #tpu.memory_space<hbm>>
      tpu.enqueue_indirect_dma source(%dma_start3A_131 : memref<100000x32xf32, #tpu.memory_space<hbm>>) target(%dma_start3A_122 : memref<128x32xf32, #tpu.memory_space<vmem>>) offsets(%dma_start3A_124 : memref<128xi32, #tpu.memory_space<vmem>>) semaphore(%arg8 : memref<!tpu.dma_semaphore, #tpu.memory_space<semaphore_mem>>)
      %mul3A_132 = arith.constant 128 : i32
      %mul3A_133 = arith.muli %scan3A_9, %mul3A_132 : i32
      %dma_start3A_134 = arith.constant 7 : i32
      %dma_start3A_135 = arith.constant 7 : i32
      %dma_start3A_136 = arith.constant 896 : i32
      %dma_start3A_137 = arith.constant 0 : i32
      %dma_start3A_138 = tpu.memref_slice %arg7[%dma_start3A_136, %dma_start3A_137] : memref<3328x32xf32, #tpu.memory_space<vmem>> -> memref<128x32xf32, #tpu.memory_space<vmem>>
      %dma_start3A_139 = tpu.memref_slice %arg5[%dma_start3A_135, %mul3A_133] : memref<26x512xi32, #tpu.memory_space<vmem>> -> memref<1x128xi32, #tpu.memory_space<vmem>>
      %dma_start3A_140 = tpu.memref_squeeze %dma_start3A_139 : memref<1x128xi32, #tpu.memory_space<vmem>> -> memref<128xi32, #tpu.memory_space<vmem>>
      %dma_start3A_141 = arith.constant 0 : i32
      %dma_start3A_142 = arith.constant 0 : i32
      %dma_start3A_143 = tpu.memref_slice %arg3[%dma_start3A_134, %dma_start3A_141, %dma_start3A_142] : memref<26x100000x32xf32, #tpu.memory_space<hbm>> -> memref<1x100000x32xf32, #tpu.memory_space<hbm>>
      %dma_start3A_144 = tpu.memref_squeeze %dma_start3A_143 : memref<1x100000x32xf32, #tpu.memory_space<hbm>> -> memref<100000x32xf32, #tpu.memory_space<hbm>>
      %dma_start3A_145 = arith.constant 0 : i32
      %dma_start3A_146 = arith.constant 0 : i32
      %dma_start3A_147 = tpu.memref_slice %dma_start3A_144[%dma_start3A_145, %dma_start3A_146] : memref<100000x32xf32, #tpu.memory_space<hbm>> -> memref<100000x32xf32, #tpu.memory_space<hbm>>
      tpu.enqueue_indirect_dma source(%dma_start3A_147 : memref<100000x32xf32, #tpu.memory_space<hbm>>) target(%dma_start3A_138 : memref<128x32xf32, #tpu.memory_space<vmem>>) offsets(%dma_start3A_140 : memref<128xi32, #tpu.memory_space<vmem>>) semaphore(%arg8 : memref<!tpu.dma_semaphore, #tpu.memory_space<semaphore_mem>>)
      %mul3A_148 = arith.constant 128 : i32
      %mul3A_149 = arith.muli %scan3A_9, %mul3A_148 : i32
      %dma_start3A_150 = arith.constant 8 : i32
      %dma_start3A_151 = arith.constant 8 : i32
      %dma_start3A_152 = arith.constant 1024 : i32
      %dma_start3A_153 = arith.constant 0 : i32
      %dma_start3A_154 = tpu.memref_slice %arg7[%dma_start3A_152, %dma_start3A_153] : memref<3328x32xf32, #tpu.memory_space<vmem>> -> memref<128x32xf32, #tpu.memory_space<vmem>>
      %dma_start3A_155 = tpu.memref_slice %arg5[%dma_start3A_151, %mul3A_149] : memref<26x512xi32, #tpu.memory_space<vmem>> -> memref<1x128xi32, #tpu.memory_space<vmem>>
      %dma_start3A_156 = tpu.memref_squeeze %dma_start3A_155 : memref<1x128xi32, #tpu.memory_space<vmem>> -> memref<128xi32, #tpu.memory_space<vmem>>
      %dma_start3A_157 = arith.constant 0 : i32
      %dma_start3A_158 = arith.constant 0 : i32
      %dma_start3A_159 = tpu.memref_slice %arg3[%dma_start3A_150, %dma_start3A_157, %dma_start3A_158] : memref<26x100000x32xf32, #tpu.memory_space<hbm>> -> memref<1x100000x32xf32, #tpu.memory_space<hbm>>
      %dma_start3A_160 = tpu.memref_squeeze %dma_start3A_159 : memref<1x100000x32xf32, #tpu.memory_space<hbm>> -> memref<100000x32xf32, #tpu.memory_space<hbm>>
      %dma_start3A_161 = arith.constant 0 : i32
      %dma_start3A_162 = arith.constant 0 : i32
      %dma_start3A_163 = tpu.memref_slice %dma_start3A_160[%dma_start3A_161, %dma_start3A_162] : memref<100000x32xf32, #tpu.memory_space<hbm>> -> memref<100000x32xf32, #tpu.memory_space<hbm>>
      tpu.enqueue_indirect_dma source(%dma_start3A_163 : memref<100000x32xf32, #tpu.memory_space<hbm>>) target(%dma_start3A_154 : memref<128x32xf32, #tpu.memory_space<vmem>>) offsets(%dma_start3A_156 : memref<128xi32, #tpu.memory_space<vmem>>) semaphore(%arg8 : memref<!tpu.dma_semaphore, #tpu.memory_space<semaphore_mem>>)
      %mul3A_164 = arith.constant 128 : i32
      %mul3A_165 = arith.muli %scan3A_9, %mul3A_164 : i32
      %dma_start3A_166 = arith.constant 9 : i32
      %dma_start3A_167 = arith.constant 9 : i32
      %dma_start3A_168 = arith.constant 1152 : i32
      %dma_start3A_169 = arith.constant 0 : i32
      %dma_start3A_170 = tpu.memref_slice %arg7[%dma_start3A_168, %dma_start3A_169] : memref<3328x32xf32, #tpu.memory_space<vmem>> -> memref<128x32xf32, #tpu.memory_space<vmem>>
      %dma_start3A_171 = tpu.memref_slice %arg5[%dma_start3A_167, %mul3A_165] : memref<26x512xi32, #tpu.memory_space<vmem>> -> memref<1x128xi32, #tpu.memory_space<vmem>>
      %dma_start3A_172 = tpu.memref_squeeze %dma_start3A_171 : memref<1x128xi32, #tpu.memory_space<vmem>> -> memref<128xi32, #tpu.memory_space<vmem>>
      %dma_start3A_173 = arith.constant 0 : i32
      %dma_start3A_174 = arith.constant 0 : i32
      %dma_start3A_175 = tpu.memref_slice %arg3[%dma_start3A_166, %dma_start3A_173, %dma_start3A_174] : memref<26x100000x32xf32, #tpu.memory_space<hbm>> -> memref<1x100000x32xf32, #tpu.memory_space<hbm>>
      %dma_start3A_176 = tpu.memref_squeeze %dma_start3A_175 : memref<1x100000x32xf32, #tpu.memory_space<hbm>> -> memref<100000x32xf32, #tpu.memory_space<hbm>>
      %dma_start3A_177 = arith.constant 0 : i32
      %dma_start3A_178 = arith.constant 0 : i32
      %dma_start3A_179 = tpu.memref_slice %dma_start3A_176[%dma_start3A_177, %dma_start3A_178] : memref<100000x32xf32, #tpu.memory_space<hbm>> -> memref<100000x32xf32, #tpu.memory_space<hbm>>
      tpu.enqueue_indirect_dma source(%dma_start3A_179 : memref<100000x32xf32, #tpu.memory_space<hbm>>) target(%dma_start3A_170 : memref<128x32xf32, #tpu.memory_space<vmem>>) offsets(%dma_start3A_172 : memref<128xi32, #tpu.memory_space<vmem>>) semaphore(%arg8 : memref<!tpu.dma_semaphore, #tpu.memory_space<semaphore_mem>>)
      %mul3A_180 = arith.constant 128 : i32
      %mul3A_181 = arith.muli %scan3A_9, %mul3A_180 : i32
      %dma_start3A_182 = arith.constant 10 : i32
      %dma_start3A_183 = arith.constant 10 : i32
      %dma_start3A_184 = arith.constant 1280 : i32
      %dma_start3A_185 = arith.constant 0 : i32
      %dma_start3A_186 = tpu.memref_slice %arg7[%dma_start3A_184, %dma_start3A_185] : memref<3328x32xf32, #tpu.memory_space<vmem>> -> memref<128x32xf32, #tpu.memory_space<vmem>>
      %dma_start3A_187 = tpu.memref_slice %arg5[%dma_start3A_183, %mul3A_181] : memref<26x512xi32, #tpu.memory_space<vmem>> -> memref<1x128xi32, #tpu.memory_space<vmem>>
      %dma_start3A_188 = tpu.memref_squeeze %dma_start3A_187 : memref<1x128xi32, #tpu.memory_space<vmem>> -> memref<128xi32, #tpu.memory_space<vmem>>
      %dma_start3A_189 = arith.constant 0 : i32
      %dma_start3A_190 = arith.constant 0 : i32
      %dma_start3A_191 = tpu.memref_slice %arg3[%dma_start3A_182, %dma_start3A_189, %dma_start3A_190] : memref<26x100000x32xf32, #tpu.memory_space<hbm>> -> memref<1x100000x32xf32, #tpu.memory_space<hbm>>
      %dma_start3A_192 = tpu.memref_squeeze %dma_start3A_191 : memref<1x100000x32xf32, #tpu.memory_space<hbm>> -> memref<100000x32xf32, #tpu.memory_space<hbm>>
      %dma_start3A_193 = arith.constant 0 : i32
      %dma_start3A_194 = arith.constant 0 : i32
      %dma_start3A_195 = tpu.memref_slice %dma_start3A_192[%dma_start3A_193, %dma_start3A_194] : memref<100000x32xf32, #tpu.memory_space<hbm>> -> memref<100000x32xf32, #tpu.memory_space<hbm>>
      tpu.enqueue_indirect_dma source(%dma_start3A_195 : memref<100000x32xf32, #tpu.memory_space<hbm>>) target(%dma_start3A_186 : memref<128x32xf32, #tpu.memory_space<vmem>>) offsets(%dma_start3A_188 : memref<128xi32, #tpu.memory_space<vmem>>) semaphore(%arg8 : memref<!tpu.dma_semaphore, #tpu.memory_space<semaphore_mem>>)
      %mul3A_196 = arith.constant 128 : i32
      %mul3A_197 = arith.muli %scan3A_9, %mul3A_196 : i32
      %dma_start3A_198 = arith.constant 11 : i32
      %dma_start3A_199 = arith.constant 11 : i32
      %dma_start3A_200 = arith.constant 1408 : i32
      %dma_start3A_201 = arith.constant 0 : i32
      %dma_start3A_202 = tpu.memref_slice %arg7[%dma_start3A_200, %dma_start3A_201] : memref<3328x32xf32, #tpu.memory_space<vmem>> -> memref<128x32xf32, #tpu.memory_space<vmem>>
      %dma_start3A_203 = tpu.memref_slice %arg5[%dma_start3A_199, %mul3A_197] : memref<26x512xi32, #tpu.memory_space<vmem>> -> memref<1x128xi32, #tpu.memory_space<vmem>>
      %dma_start3A_204 = tpu.memref_squeeze %dma_start3A_203 : memref<1x128xi32, #tpu.memory_space<vmem>> -> memref<128xi32, #tpu.memory_space<vmem>>
      %dma_start3A_205 = arith.constant 0 : i32
      %dma_start3A_206 = arith.constant 0 : i32
      %dma_start3A_207 = tpu.memref_slice %arg3[%dma_start3A_198, %dma_start3A_205, %dma_start3A_206] : memref<26x100000x32xf32, #tpu.memory_space<hbm>> -> memref<1x100000x32xf32, #tpu.memory_space<hbm>>
      %dma_start3A_208 = tpu.memref_squeeze %dma_start3A_207 : memref<1x100000x32xf32, #tpu.memory_space<hbm>> -> memref<100000x32xf32, #tpu.memory_space<hbm>>
      %dma_start3A_209 = arith.constant 0 : i32
      %dma_start3A_210 = arith.constant 0 : i32
      %dma_start3A_211 = tpu.memref_slice %dma_start3A_208[%dma_start3A_209, %dma_start3A_210] : memref<100000x32xf32, #tpu.memory_space<hbm>> -> memref<100000x32xf32, #tpu.memory_space<hbm>>
      tpu.enqueue_indirect_dma source(%dma_start3A_211 : memref<100000x32xf32, #tpu.memory_space<hbm>>) target(%dma_start3A_202 : memref<128x32xf32, #tpu.memory_space<vmem>>) offsets(%dma_start3A_204 : memref<128xi32, #tpu.memory_space<vmem>>) semaphore(%arg8 : memref<!tpu.dma_semaphore, #tpu.memory_space<semaphore_mem>>)
      %mul3A_212 = arith.constant 128 : i32
      %mul3A_213 = arith.muli %scan3A_9, %mul3A_212 : i32
      %dma_start3A_214 = arith.constant 12 : i32
      %dma_start3A_215 = arith.constant 12 : i32
      %dma_start3A_216 = arith.constant 1536 : i32
      %dma_start3A_217 = arith.constant 0 : i32
      %dma_start3A_218 = tpu.memref_slice %arg7[%dma_start3A_216, %dma_start3A_217] : memref<3328x32xf32, #tpu.memory_space<vmem>> -> memref<128x32xf32, #tpu.memory_space<vmem>>
      %dma_start3A_219 = tpu.memref_slice %arg5[%dma_start3A_215, %mul3A_213] : memref<26x512xi32, #tpu.memory_space<vmem>> -> memref<1x128xi32, #tpu.memory_space<vmem>>
      %dma_start3A_220 = tpu.memref_squeeze %dma_start3A_219 : memref<1x128xi32, #tpu.memory_space<vmem>> -> memref<128xi32, #tpu.memory_space<vmem>>
      %dma_start3A_221 = arith.constant 0 : i32
      %dma_start3A_222 = arith.constant 0 : i32
      %dma_start3A_223 = tpu.memref_slice %arg3[%dma_start3A_214, %dma_start3A_221, %dma_start3A_222] : memref<26x100000x32xf32, #tpu.memory_space<hbm>> -> memref<1x100000x32xf32, #tpu.memory_space<hbm>>
      %dma_start3A_224 = tpu.memref_squeeze %dma_start3A_223 : memref<1x100000x32xf32, #tpu.memory_space<hbm>> -> memref<100000x32xf32, #tpu.memory_space<hbm>>
      %dma_start3A_225 = arith.constant 0 : i32
      %dma_start3A_226 = arith.constant 0 : i32
      %dma_start3A_227 = tpu.memref_slice %dma_start3A_224[%dma_start3A_225, %dma_start3A_226] : memref<100000x32xf32, #tpu.memory_space<hbm>> -> memref<100000x32xf32, #tpu.memory_space<hbm>>
      tpu.enqueue_indirect_dma source(%dma_start3A_227 : memref<100000x32xf32, #tpu.memory_space<hbm>>) target(%dma_start3A_218 : memref<128x32xf32, #tpu.memory_space<vmem>>) offsets(%dma_start3A_220 : memref<128xi32, #tpu.memory_space<vmem>>) semaphore(%arg8 : memref<!tpu.dma_semaphore, #tpu.memory_space<semaphore_mem>>)
      %mul3A_228 = arith.constant 128 : i32
      %mul3A_229 = arith.muli %scan3A_9, %mul3A_228 : i32
      %dma_start3A_230 = arith.constant 13 : i32
      %dma_start3A_231 = arith.constant 13 : i32
      %dma_start3A_232 = arith.constant 1664 : i32
      %dma_start3A_233 = arith.constant 0 : i32
      %dma_start3A_234 = tpu.memref_slice %arg7[%dma_start3A_232, %dma_start3A_233] : memref<3328x32xf32, #tpu.memory_space<vmem>> -> memref<128x32xf32, #tpu.memory_space<vmem>>
      %dma_start3A_235 = tpu.memref_slice %arg5[%dma_start3A_231, %mul3A_229] : memref<26x512xi32, #tpu.memory_space<vmem>> -> memref<1x128xi32, #tpu.memory_space<vmem>>
      %dma_start3A_236 = tpu.memref_squeeze %dma_start3A_235 : memref<1x128xi32, #tpu.memory_space<vmem>> -> memref<128xi32, #tpu.memory_space<vmem>>
      %dma_start3A_237 = arith.constant 0 : i32
      %dma_start3A_238 = arith.constant 0 : i32
      %dma_start3A_239 = tpu.memref_slice %arg3[%dma_start3A_230, %dma_start3A_237, %dma_start3A_238] : memref<26x100000x32xf32, #tpu.memory_space<hbm>> -> memref<1x100000x32xf32, #tpu.memory_space<hbm>>
      %dma_start3A_240 = tpu.memref_squeeze %dma_start3A_239 : memref<1x100000x32xf32, #tpu.memory_space<hbm>> -> memref<100000x32xf32, #tpu.memory_space<hbm>>
      %dma_start3A_241 = arith.constant 0 : i32
      %dma_start3A_242 = arith.constant 0 : i32
      %dma_start3A_243 = tpu.memref_slice %dma_start3A_240[%dma_start3A_241, %dma_start3A_242] : memref<100000x32xf32, #tpu.memory_space<hbm>> -> memref<100000x32xf32, #tpu.memory_space<hbm>>
      tpu.enqueue_indirect_dma source(%dma_start3A_243 : memref<100000x32xf32, #tpu.memory_space<hbm>>) target(%dma_start3A_234 : memref<128x32xf32, #tpu.memory_space<vmem>>) offsets(%dma_start3A_236 : memref<128xi32, #tpu.memory_space<vmem>>) semaphore(%arg8 : memref<!tpu.dma_semaphore, #tpu.memory_space<semaphore_mem>>)
      %mul3A_244 = arith.constant 128 : i32
      %mul3A_245 = arith.muli %scan3A_9, %mul3A_244 : i32
      %dma_start3A_246 = arith.constant 14 : i32
      %dma_start3A_247 = arith.constant 14 : i32
      %dma_start3A_248 = arith.constant 1792 : i32
      %dma_start3A_249 = arith.constant 0 : i32
      %dma_start3A_250 = tpu.memref_slice %arg7[%dma_start3A_248, %dma_start3A_249] : memref<3328x32xf32, #tpu.memory_space<vmem>> -> memref<128x32xf32, #tpu.memory_space<vmem>>
      %dma_start3A_251 = tpu.memref_slice %arg5[%dma_start3A_247, %mul3A_245] : memref<26x512xi32, #tpu.memory_space<vmem>> -> memref<1x128xi32, #tpu.memory_space<vmem>>
      %dma_start3A_252 = tpu.memref_squeeze %dma_start3A_251 : memref<1x128xi32, #tpu.memory_space<vmem>> -> memref<128xi32, #tpu.memory_space<vmem>>
      %dma_start3A_253 = arith.constant 0 : i32
      %dma_start3A_254 = arith.constant 0 : i32
      %dma_start3A_255 = tpu.memref_slice %arg3[%dma_start3A_246, %dma_start3A_253, %dma_start3A_254] : memref<26x100000x32xf32, #tpu.memory_space<hbm>> -> memref<1x100000x32xf32, #tpu.memory_space<hbm>>
      %dma_start3A_256 = tpu.memref_squeeze %dma_start3A_255 : memref<1x100000x32xf32, #tpu.memory_space<hbm>> -> memref<100000x32xf32, #tpu.memory_space<hbm>>
      %dma_start3A_257 = arith.constant 0 : i32
      %dma_start3A_258 = arith.constant 0 : i32
      %dma_start3A_259 = tpu.memref_slice %dma_start3A_256[%dma_start3A_257, %dma_start3A_258] : memref<100000x32xf32, #tpu.memory_space<hbm>> -> memref<100000x32xf32, #tpu.memory_space<hbm>>
      tpu.enqueue_indirect_dma source(%dma_start3A_259 : memref<100000x32xf32, #tpu.memory_space<hbm>>) target(%dma_start3A_250 : memref<128x32xf32, #tpu.memory_space<vmem>>) offsets(%dma_start3A_252 : memref<128xi32, #tpu.memory_space<vmem>>) semaphore(%arg8 : memref<!tpu.dma_semaphore, #tpu.memory_space<semaphore_mem>>)
      %mul3A_260 = arith.constant 128 : i32
      %mul3A_261 = arith.muli %scan3A_9, %mul3A_260 : i32
      %dma_start3A_262 = arith.constant 15 : i32
      %dma_start3A_263 = arith.constant 15 : i32
      %dma_start3A_264 = arith.constant 1920 : i32
      %dma_start3A_265 = arith.constant 0 : i32
      %dma_start3A_266 = tpu.memref_slice %arg7[%dma_start3A_264, %dma_start3A_265] : memref<3328x32xf32, #tpu.memory_space<vmem>> -> memref<128x32xf32, #tpu.memory_space<vmem>>
      %dma_start3A_267 = tpu.memref_slice %arg5[%dma_start3A_263, %mul3A_261] : memref<26x512xi32, #tpu.memory_space<vmem>> -> memref<1x128xi32, #tpu.memory_space<vmem>>
      %dma_start3A_268 = tpu.memref_squeeze %dma_start3A_267 : memref<1x128xi32, #tpu.memory_space<vmem>> -> memref<128xi32, #tpu.memory_space<vmem>>
      %dma_start3A_269 = arith.constant 0 : i32
      %dma_start3A_270 = arith.constant 0 : i32
      %dma_start3A_271 = tpu.memref_slice %arg3[%dma_start3A_262, %dma_start3A_269, %dma_start3A_270] : memref<26x100000x32xf32, #tpu.memory_space<hbm>> -> memref<1x100000x32xf32, #tpu.memory_space<hbm>>
      %dma_start3A_272 = tpu.memref_squeeze %dma_start3A_271 : memref<1x100000x32xf32, #tpu.memory_space<hbm>> -> memref<100000x32xf32, #tpu.memory_space<hbm>>
      %dma_start3A_273 = arith.constant 0 : i32
      %dma_start3A_274 = arith.constant 0 : i32
      %dma_start3A_275 = tpu.memref_slice %dma_start3A_272[%dma_start3A_273, %dma_start3A_274] : memref<100000x32xf32, #tpu.memory_space<hbm>> -> memref<100000x32xf32, #tpu.memory_space<hbm>>
      tpu.enqueue_indirect_dma source(%dma_start3A_275 : memref<100000x32xf32, #tpu.memory_space<hbm>>) target(%dma_start3A_266 : memref<128x32xf32, #tpu.memory_space<vmem>>) offsets(%dma_start3A_268 : memref<128xi32, #tpu.memory_space<vmem>>) semaphore(%arg8 : memref<!tpu.dma_semaphore, #tpu.memory_space<semaphore_mem>>)
      %mul3A_276 = arith.constant 128 : i32
      %mul3A_277 = arith.muli %scan3A_9, %mul3A_276 : i32
      %dma_start3A_278 = arith.constant 16 : i32
      %dma_start3A_279 = arith.constant 16 : i32
      %dma_start3A_280 = arith.constant 2048 : i32
      %dma_start3A_281 = arith.constant 0 : i32
      %dma_start3A_282 = tpu.memref_slice %arg7[%dma_start3A_280, %dma_start3A_281] : memref<3328x32xf32, #tpu.memory_space<vmem>> -> memref<128x32xf32, #tpu.memory_space<vmem>>
      %dma_start3A_283 = tpu.memref_slice %arg5[%dma_start3A_279, %mul3A_277] : memref<26x512xi32, #tpu.memory_space<vmem>> -> memref<1x128xi32, #tpu.memory_space<vmem>>
      %dma_start3A_284 = tpu.memref_squeeze %dma_start3A_283 : memref<1x128xi32, #tpu.memory_space<vmem>> -> memref<128xi32, #tpu.memory_space<vmem>>
      %dma_start3A_285 = arith.constant 0 : i32
      %dma_start3A_286 = arith.constant 0 : i32
      %dma_start3A_287 = tpu.memref_slice %arg3[%dma_start3A_278, %dma_start3A_285, %dma_start3A_286] : memref<26x100000x32xf32, #tpu.memory_space<hbm>> -> memref<1x100000x32xf32, #tpu.memory_space<hbm>>
      %dma_start3A_288 = tpu.memref_squeeze %dma_start3A_287 : memref<1x100000x32xf32, #tpu.memory_space<hbm>> -> memref<100000x32xf32, #tpu.memory_space<hbm>>
      %dma_start3A_289 = arith.constant 0 : i32
      %dma_start3A_290 = arith.constant 0 : i32
      %dma_start3A_291 = tpu.memref_slice %dma_start3A_288[%dma_start3A_289, %dma_start3A_290] : memref<100000x32xf32, #tpu.memory_space<hbm>> -> memref<100000x32xf32, #tpu.memory_space<hbm>>
      tpu.enqueue_indirect_dma source(%dma_start3A_291 : memref<100000x32xf32, #tpu.memory_space<hbm>>) target(%dma_start3A_282 : memref<128x32xf32, #tpu.memory_space<vmem>>) offsets(%dma_start3A_284 : memref<128xi32, #tpu.memory_space<vmem>>) semaphore(%arg8 : memref<!tpu.dma_semaphore, #tpu.memory_space<semaphore_mem>>)
      %mul3A_292 = arith.constant 128 : i32
      %mul3A_293 = arith.muli %scan3A_9, %mul3A_292 : i32
      %dma_start3A_294 = arith.constant 17 : i32
      %dma_start3A_295 = arith.constant 17 : i32
      %dma_start3A_296 = arith.constant 2176 : i32
      %dma_start3A_297 = arith.constant 0 : i32
      %dma_start3A_298 = tpu.memref_slice %arg7[%dma_start3A_296, %dma_start3A_297] : memref<3328x32xf32, #tpu.memory_space<vmem>> -> memref<128x32xf32, #tpu.memory_space<vmem>>
      %dma_start3A_299 = tpu.memref_slice %arg5[%dma_start3A_295, %mul3A_293] : memref<26x512xi32, #tpu.memory_space<vmem>> -> memref<1x128xi32, #tpu.memory_space<vmem>>
      %dma_start3A_300 = tpu.memref_squeeze %dma_start3A_299 : memref<1x128xi32, #tpu.memory_space<vmem>> -> memref<128xi32, #tpu.memory_space<vmem>>
      %dma_start3A_301 = arith.constant 0 : i32
      %dma_start3A_302 = arith.constant 0 : i32
      %dma_start3A_303 = tpu.memref_slice %arg3[%dma_start3A_294, %dma_start3A_301, %dma_start3A_302] : memref<26x100000x32xf32, #tpu.memory_space<hbm>> -> memref<1x100000x32xf32, #tpu.memory_space<hbm>>
      %dma_start3A_304 = tpu.memref_squeeze %dma_start3A_303 : memref<1x100000x32xf32, #tpu.memory_space<hbm>> -> memref<100000x32xf32, #tpu.memory_space<hbm>>
      %dma_start3A_305 = arith.constant 0 : i32
      %dma_start3A_306 = arith.constant 0 : i32
      %dma_start3A_307 = tpu.memref_slice %dma_start3A_304[%dma_start3A_305, %dma_start3A_306] : memref<100000x32xf32, #tpu.memory_space<hbm>> -> memref<100000x32xf32, #tpu.memory_space<hbm>>
      tpu.enqueue_indirect_dma source(%dma_start3A_307 : memref<100000x32xf32, #tpu.memory_space<hbm>>) target(%dma_start3A_298 : memref<128x32xf32, #tpu.memory_space<vmem>>) offsets(%dma_start3A_300 : memref<128xi32, #tpu.memory_space<vmem>>) semaphore(%arg8 : memref<!tpu.dma_semaphore, #tpu.memory_space<semaphore_mem>>)
      %mul3A_308 = arith.constant 128 : i32
      %mul3A_309 = arith.muli %scan3A_9, %mul3A_308 : i32
      %dma_start3A_310 = arith.constant 18 : i32
      %dma_start3A_311 = arith.constant 18 : i32
      %dma_start3A_312 = arith.constant 2304 : i32
      %dma_start3A_313 = arith.constant 0 : i32
      %dma_start3A_314 = tpu.memref_slice %arg7[%dma_start3A_312, %dma_start3A_313] : memref<3328x32xf32, #tpu.memory_space<vmem>> -> memref<128x32xf32, #tpu.memory_space<vmem>>
      %dma_start3A_315 = tpu.memref_slice %arg5[%dma_start3A_311, %mul3A_309] : memref<26x512xi32, #tpu.memory_space<vmem>> -> memref<1x128xi32, #tpu.memory_space<vmem>>
      %dma_start3A_316 = tpu.memref_squeeze %dma_start3A_315 : memref<1x128xi32, #tpu.memory_space<vmem>> -> memref<128xi32, #tpu.memory_space<vmem>>
      %dma_start3A_317 = arith.constant 0 : i32
      %dma_start3A_318 = arith.constant 0 : i32
      %dma_start3A_319 = tpu.memref_slice %arg3[%dma_start3A_310, %dma_start3A_317, %dma_start3A_318] : memref<26x100000x32xf32, #tpu.memory_space<hbm>> -> memref<1x100000x32xf32, #tpu.memory_space<hbm>>
      %dma_start3A_320 = tpu.memref_squeeze %dma_start3A_319 : memref<1x100000x32xf32, #tpu.memory_space<hbm>> -> memref<100000x32xf32, #tpu.memory_space<hbm>>
      %dma_start3A_321 = arith.constant 0 : i32
      %dma_start3A_322 = arith.constant 0 : i32
      %dma_start3A_323 = tpu.memref_slice %dma_start3A_320[%dma_start3A_321, %dma_start3A_322] : memref<100000x32xf32, #tpu.memory_space<hbm>> -> memref<100000x32xf32, #tpu.memory_space<hbm>>
      tpu.enqueue_indirect_dma source(%dma_start3A_323 : memref<100000x32xf32, #tpu.memory_space<hbm>>) target(%dma_start3A_314 : memref<128x32xf32, #tpu.memory_space<vmem>>) offsets(%dma_start3A_316 : memref<128xi32, #tpu.memory_space<vmem>>) semaphore(%arg8 : memref<!tpu.dma_semaphore, #tpu.memory_space<semaphore_mem>>)
      %mul3A_324 = arith.constant 128 : i32
      %mul3A_325 = arith.muli %scan3A_9, %mul3A_324 : i32
      %dma_start3A_326 = arith.constant 19 : i32
      %dma_start3A_327 = arith.constant 19 : i32
      %dma_start3A_328 = arith.constant 2432 : i32
      %dma_start3A_329 = arith.constant 0 : i32
      %dma_start3A_330 = tpu.memref_slice %arg7[%dma_start3A_328, %dma_start3A_329] : memref<3328x32xf32, #tpu.memory_space<vmem>> -> memref<128x32xf32, #tpu.memory_space<vmem>>
      %dma_start3A_331 = tpu.memref_slice %arg5[%dma_start3A_327, %mul3A_325] : memref<26x512xi32, #tpu.memory_space<vmem>> -> memref<1x128xi32, #tpu.memory_space<vmem>>
      %dma_start3A_332 = tpu.memref_squeeze %dma_start3A_331 : memref<1x128xi32, #tpu.memory_space<vmem>> -> memref<128xi32, #tpu.memory_space<vmem>>
      %dma_start3A_333 = arith.constant 0 : i32
      %dma_start3A_334 = arith.constant 0 : i32
      %dma_start3A_335 = tpu.memref_slice %arg3[%dma_start3A_326, %dma_start3A_333, %dma_start3A_334] : memref<26x100000x32xf32, #tpu.memory_space<hbm>> -> memref<1x100000x32xf32, #tpu.memory_space<hbm>>
      %dma_start3A_336 = tpu.memref_squeeze %dma_start3A_335 : memref<1x100000x32xf32, #tpu.memory_space<hbm>> -> memref<100000x32xf32, #tpu.memory_space<hbm>>
      %dma_start3A_337 = arith.constant 0 : i32
      %dma_start3A_338 = arith.constant 0 : i32
      %dma_start3A_339 = tpu.memref_slice %dma_start3A_336[%dma_start3A_337, %dma_start3A_338] : memref<100000x32xf32, #tpu.memory_space<hbm>> -> memref<100000x32xf32, #tpu.memory_space<hbm>>
      tpu.enqueue_indirect_dma source(%dma_start3A_339 : memref<100000x32xf32, #tpu.memory_space<hbm>>) target(%dma_start3A_330 : memref<128x32xf32, #tpu.memory_space<vmem>>) offsets(%dma_start3A_332 : memref<128xi32, #tpu.memory_space<vmem>>) semaphore(%arg8 : memref<!tpu.dma_semaphore, #tpu.memory_space<semaphore_mem>>)
      %mul3A_340 = arith.constant 128 : i32
      %mul3A_341 = arith.muli %scan3A_9, %mul3A_340 : i32
      %dma_start3A_342 = arith.constant 20 : i32
      %dma_start3A_343 = arith.constant 20 : i32
      %dma_start3A_344 = arith.constant 2560 : i32
      %dma_start3A_345 = arith.constant 0 : i32
      %dma_start3A_346 = tpu.memref_slice %arg7[%dma_start3A_344, %dma_start3A_345] : memref<3328x32xf32, #tpu.memory_space<vmem>> -> memref<128x32xf32, #tpu.memory_space<vmem>>
      %dma_start3A_347 = tpu.memref_slice %arg5[%dma_start3A_343, %mul3A_341] : memref<26x512xi32, #tpu.memory_space<vmem>> -> memref<1x128xi32, #tpu.memory_space<vmem>>
      %dma_start3A_348 = tpu.memref_squeeze %dma_start3A_347 : memref<1x128xi32, #tpu.memory_space<vmem>> -> memref<128xi32, #tpu.memory_space<vmem>>
      %dma_start3A_349 = arith.constant 0 : i32
      %dma_start3A_350 = arith.constant 0 : i32
      %dma_start3A_351 = tpu.memref_slice %arg3[%dma_start3A_342, %dma_start3A_349, %dma_start3A_350] : memref<26x100000x32xf32, #tpu.memory_space<hbm>> -> memref<1x100000x32xf32, #tpu.memory_space<hbm>>
      %dma_start3A_352 = tpu.memref_squeeze %dma_start3A_351 : memref<1x100000x32xf32, #tpu.memory_space<hbm>> -> memref<100000x32xf32, #tpu.memory_space<hbm>>
      %dma_start3A_353 = arith.constant 0 : i32
      %dma_start3A_354 = arith.constant 0 : i32
      %dma_start3A_355 = tpu.memref_slice %dma_start3A_352[%dma_start3A_353, %dma_start3A_354] : memref<100000x32xf32, #tpu.memory_space<hbm>> -> memref<100000x32xf32, #tpu.memory_space<hbm>>
      tpu.enqueue_indirect_dma source(%dma_start3A_355 : memref<100000x32xf32, #tpu.memory_space<hbm>>) target(%dma_start3A_346 : memref<128x32xf32, #tpu.memory_space<vmem>>) offsets(%dma_start3A_348 : memref<128xi32, #tpu.memory_space<vmem>>) semaphore(%arg8 : memref<!tpu.dma_semaphore, #tpu.memory_space<semaphore_mem>>)
      %mul3A_356 = arith.constant 128 : i32
      %mul3A_357 = arith.muli %scan3A_9, %mul3A_356 : i32
      %dma_start3A_358 = arith.constant 21 : i32
      %dma_start3A_359 = arith.constant 21 : i32
      %dma_start3A_360 = arith.constant 2688 : i32
      %dma_start3A_361 = arith.constant 0 : i32
      %dma_start3A_362 = tpu.memref_slice %arg7[%dma_start3A_360, %dma_start3A_361] : memref<3328x32xf32, #tpu.memory_space<vmem>> -> memref<128x32xf32, #tpu.memory_space<vmem>>
      %dma_start3A_363 = tpu.memref_slice %arg5[%dma_start3A_359, %mul3A_357] : memref<26x512xi32, #tpu.memory_space<vmem>> -> memref<1x128xi32, #tpu.memory_space<vmem>>
      %dma_start3A_364 = tpu.memref_squeeze %dma_start3A_363 : memref<1x128xi32, #tpu.memory_space<vmem>> -> memref<128xi32, #tpu.memory_space<vmem>>
      %dma_start3A_365 = arith.constant 0 : i32
      %dma_start3A_366 = arith.constant 0 : i32
      %dma_start3A_367 = tpu.memref_slice %arg3[%dma_start3A_358, %dma_start3A_365, %dma_start3A_366] : memref<26x100000x32xf32, #tpu.memory_space<hbm>> -> memref<1x100000x32xf32, #tpu.memory_space<hbm>>
      %dma_start3A_368 = tpu.memref_squeeze %dma_start3A_367 : memref<1x100000x32xf32, #tpu.memory_space<hbm>> -> memref<100000x32xf32, #tpu.memory_space<hbm>>
      %dma_start3A_369 = arith.constant 0 : i32
      %dma_start3A_370 = arith.constant 0 : i32
      %dma_start3A_371 = tpu.memref_slice %dma_start3A_368[%dma_start3A_369, %dma_start3A_370] : memref<100000x32xf32, #tpu.memory_space<hbm>> -> memref<100000x32xf32, #tpu.memory_space<hbm>>
      tpu.enqueue_indirect_dma source(%dma_start3A_371 : memref<100000x32xf32, #tpu.memory_space<hbm>>) target(%dma_start3A_362 : memref<128x32xf32, #tpu.memory_space<vmem>>) offsets(%dma_start3A_364 : memref<128xi32, #tpu.memory_space<vmem>>) semaphore(%arg8 : memref<!tpu.dma_semaphore, #tpu.memory_space<semaphore_mem>>)
      %mul3A_372 = arith.constant 128 : i32
      %mul3A_373 = arith.muli %scan3A_9, %mul3A_372 : i32
      %dma_start3A_374 = arith.constant 22 : i32
      %dma_start3A_375 = arith.constant 22 : i32
      %dma_start3A_376 = arith.constant 2816 : i32
      %dma_start3A_377 = arith.constant 0 : i32
      %dma_start3A_378 = tpu.memref_slice %arg7[%dma_start3A_376, %dma_start3A_377] : memref<3328x32xf32, #tpu.memory_space<vmem>> -> memref<128x32xf32, #tpu.memory_space<vmem>>
      %dma_start3A_379 = tpu.memref_slice %arg5[%dma_start3A_375, %mul3A_373] : memref<26x512xi32, #tpu.memory_space<vmem>> -> memref<1x128xi32, #tpu.memory_space<vmem>>
      %dma_start3A_380 = tpu.memref_squeeze %dma_start3A_379 : memref<1x128xi32, #tpu.memory_space<vmem>> -> memref<128xi32, #tpu.memory_space<vmem>>
      %dma_start3A_381 = arith.constant 0 : i32
      %dma_start3A_382 = arith.constant 0 : i32
      %dma_start3A_383 = tpu.memref_slice %arg3[%dma_start3A_374, %dma_start3A_381, %dma_start3A_382] : memref<26x100000x32xf32, #tpu.memory_space<hbm>> -> memref<1x100000x32xf32, #tpu.memory_space<hbm>>
      %dma_start3A_384 = tpu.memref_squeeze %dma_start3A_383 : memref<1x100000x32xf32, #tpu.memory_space<hbm>> -> memref<100000x32xf32, #tpu.memory_space<hbm>>
      %dma_start3A_385 = arith.constant 0 : i32
      %dma_start3A_386 = arith.constant 0 : i32
      %dma_start3A_387 = tpu.memref_slice %dma_start3A_384[%dma_start3A_385, %dma_start3A_386] : memref<100000x32xf32, #tpu.memory_space<hbm>> -> memref<100000x32xf32, #tpu.memory_space<hbm>>
      tpu.enqueue_indirect_dma source(%dma_start3A_387 : memref<100000x32xf32, #tpu.memory_space<hbm>>) target(%dma_start3A_378 : memref<128x32xf32, #tpu.memory_space<vmem>>) offsets(%dma_start3A_380 : memref<128xi32, #tpu.memory_space<vmem>>) semaphore(%arg8 : memref<!tpu.dma_semaphore, #tpu.memory_space<semaphore_mem>>)
      %mul3A_388 = arith.constant 128 : i32
      %mul3A_389 = arith.muli %scan3A_9, %mul3A_388 : i32
      %dma_start3A_390 = arith.constant 23 : i32
      %dma_start3A_391 = arith.constant 23 : i32
      %dma_start3A_392 = arith.constant 2944 : i32
      %dma_start3A_393 = arith.constant 0 : i32
      %dma_start3A_394 = tpu.memref_slice %arg7[%dma_start3A_392, %dma_start3A_393] : memref<3328x32xf32, #tpu.memory_space<vmem>> -> memref<128x32xf32, #tpu.memory_space<vmem>>
      %dma_start3A_395 = tpu.memref_slice %arg5[%dma_start3A_391, %mul3A_389] : memref<26x512xi32, #tpu.memory_space<vmem>> -> memref<1x128xi32, #tpu.memory_space<vmem>>
      %dma_start3A_396 = tpu.memref_squeeze %dma_start3A_395 : memref<1x128xi32, #tpu.memory_space<vmem>> -> memref<128xi32, #tpu.memory_space<vmem>>
      %dma_start3A_397 = arith.constant 0 : i32
      %dma_start3A_398 = arith.constant 0 : i32
      %dma_start3A_399 = tpu.memref_slice %arg3[%dma_start3A_390, %dma_start3A_397, %dma_start3A_398] : memref<26x100000x32xf32, #tpu.memory_space<hbm>> -> memref<1x100000x32xf32, #tpu.memory_space<hbm>>
      %dma_start3A_400 = tpu.memref_squeeze %dma_start3A_399 : memref<1x100000x32xf32, #tpu.memory_space<hbm>> -> memref<100000x32xf32, #tpu.memory_space<hbm>>
      %dma_start3A_401 = arith.constant 0 : i32
      %dma_start3A_402 = arith.constant 0 : i32
      %dma_start3A_403 = tpu.memref_slice %dma_start3A_400[%dma_start3A_401, %dma_start3A_402] : memref<100000x32xf32, #tpu.memory_space<hbm>> -> memref<100000x32xf32, #tpu.memory_space<hbm>>
      tpu.enqueue_indirect_dma source(%dma_start3A_403 : memref<100000x32xf32, #tpu.memory_space<hbm>>) target(%dma_start3A_394 : memref<128x32xf32, #tpu.memory_space<vmem>>) offsets(%dma_start3A_396 : memref<128xi32, #tpu.memory_space<vmem>>) semaphore(%arg8 : memref<!tpu.dma_semaphore, #tpu.memory_space<semaphore_mem>>)
      %mul3A_404 = arith.constant 128 : i32
      %mul3A_405 = arith.muli %scan3A_9, %mul3A_404 : i32
      %dma_start3A_406 = arith.constant 24 : i32
      %dma_start3A_407 = arith.constant 24 : i32
      %dma_start3A_408 = arith.constant 3072 : i32
      %dma_start3A_409 = arith.constant 0 : i32
      %dma_start3A_410 = tpu.memref_slice %arg7[%dma_start3A_408, %dma_start3A_409] : memref<3328x32xf32, #tpu.memory_space<vmem>> -> memref<128x32xf32, #tpu.memory_space<vmem>>
      %dma_start3A_411 = tpu.memref_slice %arg5[%dma_start3A_407, %mul3A_405] : memref<26x512xi32, #tpu.memory_space<vmem>> -> memref<1x128xi32, #tpu.memory_space<vmem>>
      %dma_start3A_412 = tpu.memref_squeeze %dma_start3A_411 : memref<1x128xi32, #tpu.memory_space<vmem>> -> memref<128xi32, #tpu.memory_space<vmem>>
      %dma_start3A_413 = arith.constant 0 : i32
      %dma_start3A_414 = arith.constant 0 : i32
      %dma_start3A_415 = tpu.memref_slice %arg3[%dma_start3A_406, %dma_start3A_413, %dma_start3A_414] : memref<26x100000x32xf32, #tpu.memory_space<hbm>> -> memref<1x100000x32xf32, #tpu.memory_space<hbm>>
      %dma_start3A_416 = tpu.memref_squeeze %dma_start3A_415 : memref<1x100000x32xf32, #tpu.memory_space<hbm>> -> memref<100000x32xf32, #tpu.memory_space<hbm>>
      %dma_start3A_417 = arith.constant 0 : i32
      %dma_start3A_418 = arith.constant 0 : i32
      %dma_start3A_419 = tpu.memref_slice %dma_start3A_416[%dma_start3A_417, %dma_start3A_418] : memref<100000x32xf32, #tpu.memory_space<hbm>> -> memref<100000x32xf32, #tpu.memory_space<hbm>>
      tpu.enqueue_indirect_dma source(%dma_start3A_419 : memref<100000x32xf32, #tpu.memory_space<hbm>>) target(%dma_start3A_410 : memref<128x32xf32, #tpu.memory_space<vmem>>) offsets(%dma_start3A_412 : memref<128xi32, #tpu.memory_space<vmem>>) semaphore(%arg8 : memref<!tpu.dma_semaphore, #tpu.memory_space<semaphore_mem>>)
      %mul3A_420 = arith.constant 128 : i32
      %mul3A_421 = arith.muli %scan3A_9, %mul3A_420 : i32
      %dma_start3A_422 = arith.constant 25 : i32
      %dma_start3A_423 = arith.constant 25 : i32
      %dma_start3A_424 = arith.constant 3200 : i32
      %dma_start3A_425 = arith.constant 0 : i32
      %dma_start3A_426 = tpu.memref_slice %arg7[%dma_start3A_424, %dma_start3A_425] : memref<3328x32xf32, #tpu.memory_space<vmem>> -> memref<128x32xf32, #tpu.memory_space<vmem>>
      %dma_start3A_427 = tpu.memref_slice %arg5[%dma_start3A_423, %mul3A_421] : memref<26x512xi32, #tpu.memory_space<vmem>> -> memref<1x128xi32, #tpu.memory_space<vmem>>
      %dma_start3A_428 = tpu.memref_squeeze %dma_start3A_427 : memref<1x128xi32, #tpu.memory_space<vmem>> -> memref<128xi32, #tpu.memory_space<vmem>>
      %dma_start3A_429 = arith.constant 0 : i32
      %dma_start3A_430 = arith.constant 0 : i32
      %dma_start3A_431 = tpu.memref_slice %arg3[%dma_start3A_422, %dma_start3A_429, %dma_start3A_430] : memref<26x100000x32xf32, #tpu.memory_space<hbm>> -> memref<1x100000x32xf32, #tpu.memory_space<hbm>>
      %dma_start3A_432 = tpu.memref_squeeze %dma_start3A_431 : memref<1x100000x32xf32, #tpu.memory_space<hbm>> -> memref<100000x32xf32, #tpu.memory_space<hbm>>
      %dma_start3A_433 = arith.constant 0 : i32
      %dma_start3A_434 = arith.constant 0 : i32
      %dma_start3A_435 = tpu.memref_slice %dma_start3A_432[%dma_start3A_433, %dma_start3A_434] : memref<100000x32xf32, #tpu.memory_space<hbm>> -> memref<100000x32xf32, #tpu.memory_space<hbm>>
      tpu.enqueue_indirect_dma source(%dma_start3A_435 : memref<100000x32xf32, #tpu.memory_space<hbm>>) target(%dma_start3A_426 : memref<128x32xf32, #tpu.memory_space<vmem>>) offsets(%dma_start3A_428 : memref<128xi32, #tpu.memory_space<vmem>>) semaphore(%arg8 : memref<!tpu.dma_semaphore, #tpu.memory_space<semaphore_mem>>)
      %dma_wait3A = arith.constant 0 : i32
      %dma_wait3A_436 = arith.constant 0 : i32
      %dma_wait3A_437 = arith.constant 0 : i32
      %dma_wait3A_438 = arith.constant 0 : i32
      %dma_wait3A_439 = tpu.memref_slice %arg7[%dma_wait3A_437, %dma_wait3A_438] : memref<3328x32xf32, #tpu.memory_space<vmem>> -> memref<128x32xf32, #tpu.memory_space<vmem>>
      %dma_wait3A_440 = tpu.memref_slice %arg5[%dma_wait3A_436, %mul3A_22] : memref<26x512xi32, #tpu.memory_space<vmem>> -> memref<1x128xi32, #tpu.memory_space<vmem>>
      %dma_wait3A_441 = tpu.memref_squeeze %dma_wait3A_440 : memref<1x128xi32, #tpu.memory_space<vmem>> -> memref<128xi32, #tpu.memory_space<vmem>>
      %dma_wait3A_442 = arith.constant 0 : i32
      %dma_wait3A_443 = arith.constant 0 : i32
      %dma_wait3A_444 = tpu.memref_slice %arg3[%dma_wait3A, %dma_wait3A_442, %dma_wait3A_443] : memref<26x100000x32xf32, #tpu.memory_space<hbm>> -> memref<1x100000x32xf32, #tpu.memory_space<hbm>>
      %dma_wait3A_445 = tpu.memref_squeeze %dma_wait3A_444 : memref<1x100000x32xf32, #tpu.memory_space<hbm>> -> memref<100000x32xf32, #tpu.memory_space<hbm>>
      %dma_wait3A_446 = arith.constant 0 : i32
      %dma_wait3A_447 = arith.constant 0 : i32
      %dma_wait3A_448 = tpu.memref_slice %dma_wait3A_445[%dma_wait3A_446, %dma_wait3A_447] : memref<100000x32xf32, #tpu.memory_space<hbm>> -> memref<100000x32xf32, #tpu.memory_space<hbm>>
      tpu.wait_indirect_dma semaphore(%arg8 : memref<!tpu.dma_semaphore, #tpu.memory_space<semaphore_mem>>) src(%dma_wait3A_448 : memref<100000x32xf32, #tpu.memory_space<hbm>>) dst(%dma_wait3A_439 : memref<128x32xf32, #tpu.memory_space<vmem>>)
      %dma_wait3A_449 = arith.constant 1 : i32
      %dma_wait3A_450 = arith.constant 1 : i32
      %dma_wait3A_451 = arith.constant 128 : i32
      %dma_wait3A_452 = arith.constant 0 : i32
      %dma_wait3A_453 = tpu.memref_slice %arg7[%dma_wait3A_451, %dma_wait3A_452] : memref<3328x32xf32, #tpu.memory_space<vmem>> -> memref<128x32xf32, #tpu.memory_space<vmem>>
      %dma_wait3A_454 = tpu.memref_slice %arg5[%dma_wait3A_450, %mul3A_37] : memref<26x512xi32, #tpu.memory_space<vmem>> -> memref<1x128xi32, #tpu.memory_space<vmem>>
      %dma_wait3A_455 = tpu.memref_squeeze %dma_wait3A_454 : memref<1x128xi32, #tpu.memory_space<vmem>> -> memref<128xi32, #tpu.memory_space<vmem>>
      %dma_wait3A_456 = arith.constant 0 : i32
      %dma_wait3A_457 = arith.constant 0 : i32
      %dma_wait3A_458 = tpu.memref_slice %arg3[%dma_wait3A_449, %dma_wait3A_456, %dma_wait3A_457] : memref<26x100000x32xf32, #tpu.memory_space<hbm>> -> memref<1x100000x32xf32, #tpu.memory_space<hbm>>
      %dma_wait3A_459 = tpu.memref_squeeze %dma_wait3A_458 : memref<1x100000x32xf32, #tpu.memory_space<hbm>> -> memref<100000x32xf32, #tpu.memory_space<hbm>>
      %dma_wait3A_460 = arith.constant 0 : i32
      %dma_wait3A_461 = arith.constant 0 : i32
      %dma_wait3A_462 = tpu.memref_slice %dma_wait3A_459[%dma_wait3A_460, %dma_wait3A_461] : memref<100000x32xf32, #tpu.memory_space<hbm>> -> memref<100000x32xf32, #tpu.memory_space<hbm>>
      tpu.wait_indirect_dma semaphore(%arg8 : memref<!tpu.dma_semaphore, #tpu.memory_space<semaphore_mem>>) src(%dma_wait3A_462 : memref<100000x32xf32, #tpu.memory_space<hbm>>) dst(%dma_wait3A_453 : memref<128x32xf32, #tpu.memory_space<vmem>>)
      %dma_wait3A_463 = arith.constant 2 : i32
      %dma_wait3A_464 = arith.constant 2 : i32
      %dma_wait3A_465 = arith.constant 256 : i32
      %dma_wait3A_466 = arith.constant 0 : i32
      %dma_wait3A_467 = tpu.memref_slice %arg7[%dma_wait3A_465, %dma_wait3A_466] : memref<3328x32xf32, #tpu.memory_space<vmem>> -> memref<128x32xf32, #tpu.memory_space<vmem>>
      %dma_wait3A_468 = tpu.memref_slice %arg5[%dma_wait3A_464, %mul3A_53] : memref<26x512xi32, #tpu.memory_space<vmem>> -> memref<1x128xi32, #tpu.memory_space<vmem>>
      %dma_wait3A_469 = tpu.memref_squeeze %dma_wait3A_468 : memref<1x128xi32, #tpu.memory_space<vmem>> -> memref<128xi32, #tpu.memory_space<vmem>>
      %dma_wait3A_470 = arith.constant 0 : i32
      %dma_wait3A_471 = arith.constant 0 : i32
      %dma_wait3A_472 = tpu.memref_slice %arg3[%dma_wait3A_463, %dma_wait3A_470, %dma_wait3A_471] : memref<26x100000x32xf32, #tpu.memory_space<hbm>> -> memref<1x100000x32xf32, #tpu.memory_space<hbm>>
      %dma_wait3A_473 = tpu.memref_squeeze %dma_wait3A_472 : memref<1x100000x32xf32, #tpu.memory_space<hbm>> -> memref<100000x32xf32, #tpu.memory_space<hbm>>
      %dma_wait3A_474 = arith.constant 0 : i32
      %dma_wait3A_475 = arith.constant 0 : i32
      %dma_wait3A_476 = tpu.memref_slice %dma_wait3A_473[%dma_wait3A_474, %dma_wait3A_475] : memref<100000x32xf32, #tpu.memory_space<hbm>> -> memref<100000x32xf32, #tpu.memory_space<hbm>>
      tpu.wait_indirect_dma semaphore(%arg8 : memref<!tpu.dma_semaphore, #tpu.memory_space<semaphore_mem>>) src(%dma_wait3A_476 : memref<100000x32xf32, #tpu.memory_space<hbm>>) dst(%dma_wait3A_467 : memref<128x32xf32, #tpu.memory_space<vmem>>)
      %dma_wait3A_477 = arith.constant 3 : i32
      %dma_wait3A_478 = arith.constant 3 : i32
      %dma_wait3A_479 = arith.constant 384 : i32
      %dma_wait3A_480 = arith.constant 0 : i32
      %dma_wait3A_481 = tpu.memref_slice %arg7[%dma_wait3A_479, %dma_wait3A_480] : memref<3328x32xf32, #tpu.memory_space<vmem>> -> memref<128x32xf32, #tpu.memory_space<vmem>>
      %dma_wait3A_482 = tpu.memref_slice %arg5[%dma_wait3A_478, %mul3A_69] : memref<26x512xi32, #tpu.memory_space<vmem>> -> memref<1x128xi32, #tpu.memory_space<vmem>>
      %dma_wait3A_483 = tpu.memref_squeeze %dma_wait3A_482 : memref<1x128xi32, #tpu.memory_space<vmem>> -> memref<128xi32, #tpu.memory_space<vmem>>
      %dma_wait3A_484 = arith.constant 0 : i32
      %dma_wait3A_485 = arith.constant 0 : i32
      %dma_wait3A_486 = tpu.memref_slice %arg3[%dma_wait3A_477, %dma_wait3A_484, %dma_wait3A_485] : memref<26x100000x32xf32, #tpu.memory_space<hbm>> -> memref<1x100000x32xf32, #tpu.memory_space<hbm>>
      %dma_wait3A_487 = tpu.memref_squeeze %dma_wait3A_486 : memref<1x100000x32xf32, #tpu.memory_space<hbm>> -> memref<100000x32xf32, #tpu.memory_space<hbm>>
      %dma_wait3A_488 = arith.constant 0 : i32
      %dma_wait3A_489 = arith.constant 0 : i32
      %dma_wait3A_490 = tpu.memref_slice %dma_wait3A_487[%dma_wait3A_488, %dma_wait3A_489] : memref<100000x32xf32, #tpu.memory_space<hbm>> -> memref<100000x32xf32, #tpu.memory_space<hbm>>
      tpu.wait_indirect_dma semaphore(%arg8 : memref<!tpu.dma_semaphore, #tpu.memory_space<semaphore_mem>>) src(%dma_wait3A_490 : memref<100000x32xf32, #tpu.memory_space<hbm>>) dst(%dma_wait3A_481 : memref<128x32xf32, #tpu.memory_space<vmem>>)
      %dma_wait3A_491 = arith.constant 4 : i32
      %dma_wait3A_492 = arith.constant 4 : i32
      %dma_wait3A_493 = arith.constant 512 : i32
      %dma_wait3A_494 = arith.constant 0 : i32
      %dma_wait3A_495 = tpu.memref_slice %arg7[%dma_wait3A_493, %dma_wait3A_494] : memref<3328x32xf32, #tpu.memory_space<vmem>> -> memref<128x32xf32, #tpu.memory_space<vmem>>
      %dma_wait3A_496 = tpu.memref_slice %arg5[%dma_wait3A_492, %mul3A_85] : memref<26x512xi32, #tpu.memory_space<vmem>> -> memref<1x128xi32, #tpu.memory_space<vmem>>
      %dma_wait3A_497 = tpu.memref_squeeze %dma_wait3A_496 : memref<1x128xi32, #tpu.memory_space<vmem>> -> memref<128xi32, #tpu.memory_space<vmem>>
      %dma_wait3A_498 = arith.constant 0 : i32
      %dma_wait3A_499 = arith.constant 0 : i32
      %dma_wait3A_500 = tpu.memref_slice %arg3[%dma_wait3A_491, %dma_wait3A_498, %dma_wait3A_499] : memref<26x100000x32xf32, #tpu.memory_space<hbm>> -> memref<1x100000x32xf32, #tpu.memory_space<hbm>>
      %dma_wait3A_501 = tpu.memref_squeeze %dma_wait3A_500 : memref<1x100000x32xf32, #tpu.memory_space<hbm>> -> memref<100000x32xf32, #tpu.memory_space<hbm>>
      %dma_wait3A_502 = arith.constant 0 : i32
      %dma_wait3A_503 = arith.constant 0 : i32
      %dma_wait3A_504 = tpu.memref_slice %dma_wait3A_501[%dma_wait3A_502, %dma_wait3A_503] : memref<100000x32xf32, #tpu.memory_space<hbm>> -> memref<100000x32xf32, #tpu.memory_space<hbm>>
      tpu.wait_indirect_dma semaphore(%arg8 : memref<!tpu.dma_semaphore, #tpu.memory_space<semaphore_mem>>) src(%dma_wait3A_504 : memref<100000x32xf32, #tpu.memory_space<hbm>>) dst(%dma_wait3A_495 : memref<128x32xf32, #tpu.memory_space<vmem>>)
      %dma_wait3A_505 = arith.constant 5 : i32
      %dma_wait3A_506 = arith.constant 5 : i32
      %dma_wait3A_507 = arith.constant 640 : i32
      %dma_wait3A_508 = arith.constant 0 : i32
      %dma_wait3A_509 = tpu.memref_slice %arg7[%dma_wait3A_507, %dma_wait3A_508] : memref<3328x32xf32, #tpu.memory_space<vmem>> -> memref<128x32xf32, #tpu.memory_space<vmem>>
      %dma_wait3A_510 = tpu.memref_slice %arg5[%dma_wait3A_506, %mul3A_101] : memref<26x512xi32, #tpu.memory_space<vmem>> -> memref<1x128xi32, #tpu.memory_space<vmem>>
      %dma_wait3A_511 = tpu.memref_squeeze %dma_wait3A_510 : memref<1x128xi32, #tpu.memory_space<vmem>> -> memref<128xi32, #tpu.memory_space<vmem>>
      %dma_wait3A_512 = arith.constant 0 : i32
      %dma_wait3A_513 = arith.constant 0 : i32
      %dma_wait3A_514 = tpu.memref_slice %arg3[%dma_wait3A_505, %dma_wait3A_512, %dma_wait3A_513] : memref<26x100000x32xf32, #tpu.memory_space<hbm>> -> memref<1x100000x32xf32, #tpu.memory_space<hbm>>
      %dma_wait3A_515 = tpu.memref_squeeze %dma_wait3A_514 : memref<1x100000x32xf32, #tpu.memory_space<hbm>> -> memref<100000x32xf32, #tpu.memory_space<hbm>>
      %dma_wait3A_516 = arith.constant 0 : i32
      %dma_wait3A_517 = arith.constant 0 : i32
      %dma_wait3A_518 = tpu.memref_slice %dma_wait3A_515[%dma_wait3A_516, %dma_wait3A_517] : memref<100000x32xf32, #tpu.memory_space<hbm>> -> memref<100000x32xf32, #tpu.memory_space<hbm>>
      tpu.wait_indirect_dma semaphore(%arg8 : memref<!tpu.dma_semaphore, #tpu.memory_space<semaphore_mem>>) src(%dma_wait3A_518 : memref<100000x32xf32, #tpu.memory_space<hbm>>) dst(%dma_wait3A_509 : memref<128x32xf32, #tpu.memory_space<vmem>>)
      %dma_wait3A_519 = arith.constant 6 : i32
      %dma_wait3A_520 = arith.constant 6 : i32
      %dma_wait3A_521 = arith.constant 768 : i32
      %dma_wait3A_522 = arith.constant 0 : i32
      %dma_wait3A_523 = tpu.memref_slice %arg7[%dma_wait3A_521, %dma_wait3A_522] : memref<3328x32xf32, #tpu.memory_space<vmem>> -> memref<128x32xf32, #tpu.memory_space<vmem>>
      %dma_wait3A_524 = tpu.memref_slice %arg5[%dma_wait3A_520, %mul3A_117] : memref<26x512xi32, #tpu.memory_space<vmem>> -> memref<1x128xi32, #tpu.memory_space<vmem>>
      %dma_wait3A_525 = tpu.memref_squeeze %dma_wait3A_524 : memref<1x128xi32, #tpu.memory_space<vmem>> -> memref<128xi32, #tpu.memory_space<vmem>>
      %dma_wait3A_526 = arith.constant 0 : i32
      %dma_wait3A_527 = arith.constant 0 : i32
      %dma_wait3A_528 = tpu.memref_slice %arg3[%dma_wait3A_519, %dma_wait3A_526, %dma_wait3A_527] : memref<26x100000x32xf32, #tpu.memory_space<hbm>> -> memref<1x100000x32xf32, #tpu.memory_space<hbm>>
      %dma_wait3A_529 = tpu.memref_squeeze %dma_wait3A_528 : memref<1x100000x32xf32, #tpu.memory_space<hbm>> -> memref<100000x32xf32, #tpu.memory_space<hbm>>
      %dma_wait3A_530 = arith.constant 0 : i32
      %dma_wait3A_531 = arith.constant 0 : i32
      %dma_wait3A_532 = tpu.memref_slice %dma_wait3A_529[%dma_wait3A_530, %dma_wait3A_531] : memref<100000x32xf32, #tpu.memory_space<hbm>> -> memref<100000x32xf32, #tpu.memory_space<hbm>>
      tpu.wait_indirect_dma semaphore(%arg8 : memref<!tpu.dma_semaphore, #tpu.memory_space<semaphore_mem>>) src(%dma_wait3A_532 : memref<100000x32xf32, #tpu.memory_space<hbm>>) dst(%dma_wait3A_523 : memref<128x32xf32, #tpu.memory_space<vmem>>)
      %dma_wait3A_533 = arith.constant 7 : i32
      %dma_wait3A_534 = arith.constant 7 : i32
      %dma_wait3A_535 = arith.constant 896 : i32
      %dma_wait3A_536 = arith.constant 0 : i32
      %dma_wait3A_537 = tpu.memref_slice %arg7[%dma_wait3A_535, %dma_wait3A_536] : memref<3328x32xf32, #tpu.memory_space<vmem>> -> memref<128x32xf32, #tpu.memory_space<vmem>>
      %dma_wait3A_538 = tpu.memref_slice %arg5[%dma_wait3A_534, %mul3A_133] : memref<26x512xi32, #tpu.memory_space<vmem>> -> memref<1x128xi32, #tpu.memory_space<vmem>>
      %dma_wait3A_539 = tpu.memref_squeeze %dma_wait3A_538 : memref<1x128xi32, #tpu.memory_space<vmem>> -> memref<128xi32, #tpu.memory_space<vmem>>
      %dma_wait3A_540 = arith.constant 0 : i32
      %dma_wait3A_541 = arith.constant 0 : i32
      %dma_wait3A_542 = tpu.memref_slice %arg3[%dma_wait3A_533, %dma_wait3A_540, %dma_wait3A_541] : memref<26x100000x32xf32, #tpu.memory_space<hbm>> -> memref<1x100000x32xf32, #tpu.memory_space<hbm>>
      %dma_wait3A_543 = tpu.memref_squeeze %dma_wait3A_542 : memref<1x100000x32xf32, #tpu.memory_space<hbm>> -> memref<100000x32xf32, #tpu.memory_space<hbm>>
      %dma_wait3A_544 = arith.constant 0 : i32
      %dma_wait3A_545 = arith.constant 0 : i32
      %dma_wait3A_546 = tpu.memref_slice %dma_wait3A_543[%dma_wait3A_544, %dma_wait3A_545] : memref<100000x32xf32, #tpu.memory_space<hbm>> -> memref<100000x32xf32, #tpu.memory_space<hbm>>
      tpu.wait_indirect_dma semaphore(%arg8 : memref<!tpu.dma_semaphore, #tpu.memory_space<semaphore_mem>>) src(%dma_wait3A_546 : memref<100000x32xf32, #tpu.memory_space<hbm>>) dst(%dma_wait3A_537 : memref<128x32xf32, #tpu.memory_space<vmem>>)
      %dma_wait3A_547 = arith.constant 8 : i32
      %dma_wait3A_548 = arith.constant 8 : i32
      %dma_wait3A_549 = arith.constant 1024 : i32
      %dma_wait3A_550 = arith.constant 0 : i32
      %dma_wait3A_551 = tpu.memref_slice %arg7[%dma_wait3A_549, %dma_wait3A_550] : memref<3328x32xf32, #tpu.memory_space<vmem>> -> memref<128x32xf32, #tpu.memory_space<vmem>>
      %dma_wait3A_552 = tpu.memref_slice %arg5[%dma_wait3A_548, %mul3A_149] : memref<26x512xi32, #tpu.memory_space<vmem>> -> memref<1x128xi32, #tpu.memory_space<vmem>>
      %dma_wait3A_553 = tpu.memref_squeeze %dma_wait3A_552 : memref<1x128xi32, #tpu.memory_space<vmem>> -> memref<128xi32, #tpu.memory_space<vmem>>
      %dma_wait3A_554 = arith.constant 0 : i32
      %dma_wait3A_555 = arith.constant 0 : i32
      %dma_wait3A_556 = tpu.memref_slice %arg3[%dma_wait3A_547, %dma_wait3A_554, %dma_wait3A_555] : memref<26x100000x32xf32, #tpu.memory_space<hbm>> -> memref<1x100000x32xf32, #tpu.memory_space<hbm>>
      %dma_wait3A_557 = tpu.memref_squeeze %dma_wait3A_556 : memref<1x100000x32xf32, #tpu.memory_space<hbm>> -> memref<100000x32xf32, #tpu.memory_space<hbm>>
      %dma_wait3A_558 = arith.constant 0 : i32
      %dma_wait3A_559 = arith.constant 0 : i32
      %dma_wait3A_560 = tpu.memref_slice %dma_wait3A_557[%dma_wait3A_558, %dma_wait3A_559] : memref<100000x32xf32, #tpu.memory_space<hbm>> -> memref<100000x32xf32, #tpu.memory_space<hbm>>
      tpu.wait_indirect_dma semaphore(%arg8 : memref<!tpu.dma_semaphore, #tpu.memory_space<semaphore_mem>>) src(%dma_wait3A_560 : memref<100000x32xf32, #tpu.memory_space<hbm>>) dst(%dma_wait3A_551 : memref<128x32xf32, #tpu.memory_space<vmem>>)
      %dma_wait3A_561 = arith.constant 9 : i32
      %dma_wait3A_562 = arith.constant 9 : i32
      %dma_wait3A_563 = arith.constant 1152 : i32
      %dma_wait3A_564 = arith.constant 0 : i32
      %dma_wait3A_565 = tpu.memref_slice %arg7[%dma_wait3A_563, %dma_wait3A_564] : memref<3328x32xf32, #tpu.memory_space<vmem>> -> memref<128x32xf32, #tpu.memory_space<vmem>>
      %dma_wait3A_566 = tpu.memref_slice %arg5[%dma_wait3A_562, %mul3A_165] : memref<26x512xi32, #tpu.memory_space<vmem>> -> memref<1x128xi32, #tpu.memory_space<vmem>>
      %dma_wait3A_567 = tpu.memref_squeeze %dma_wait3A_566 : memref<1x128xi32, #tpu.memory_space<vmem>> -> memref<128xi32, #tpu.memory_space<vmem>>
      %dma_wait3A_568 = arith.constant 0 : i32
      %dma_wait3A_569 = arith.constant 0 : i32
      %dma_wait3A_570 = tpu.memref_slice %arg3[%dma_wait3A_561, %dma_wait3A_568, %dma_wait3A_569] : memref<26x100000x32xf32, #tpu.memory_space<hbm>> -> memref<1x100000x32xf32, #tpu.memory_space<hbm>>
      %dma_wait3A_571 = tpu.memref_squeeze %dma_wait3A_570 : memref<1x100000x32xf32, #tpu.memory_space<hbm>> -> memref<100000x32xf32, #tpu.memory_space<hbm>>
      %dma_wait3A_572 = arith.constant 0 : i32
      %dma_wait3A_573 = arith.constant 0 : i32
      %dma_wait3A_574 = tpu.memref_slice %dma_wait3A_571[%dma_wait3A_572, %dma_wait3A_573] : memref<100000x32xf32, #tpu.memory_space<hbm>> -> memref<100000x32xf32, #tpu.memory_space<hbm>>
      tpu.wait_indirect_dma semaphore(%arg8 : memref<!tpu.dma_semaphore, #tpu.memory_space<semaphore_mem>>) src(%dma_wait3A_574 : memref<100000x32xf32, #tpu.memory_space<hbm>>) dst(%dma_wait3A_565 : memref<128x32xf32, #tpu.memory_space<vmem>>)
      %dma_wait3A_575 = arith.constant 10 : i32
      %dma_wait3A_576 = arith.constant 10 : i32
      %dma_wait3A_577 = arith.constant 1280 : i32
      %dma_wait3A_578 = arith.constant 0 : i32
      %dma_wait3A_579 = tpu.memref_slice %arg7[%dma_wait3A_577, %dma_wait3A_578] : memref<3328x32xf32, #tpu.memory_space<vmem>> -> memref<128x32xf32, #tpu.memory_space<vmem>>
      %dma_wait3A_580 = tpu.memref_slice %arg5[%dma_wait3A_576, %mul3A_181] : memref<26x512xi32, #tpu.memory_space<vmem>> -> memref<1x128xi32, #tpu.memory_space<vmem>>
      %dma_wait3A_581 = tpu.memref_squeeze %dma_wait3A_580 : memref<1x128xi32, #tpu.memory_space<vmem>> -> memref<128xi32, #tpu.memory_space<vmem>>
      %dma_wait3A_582 = arith.constant 0 : i32
      %dma_wait3A_583 = arith.constant 0 : i32
      %dma_wait3A_584 = tpu.memref_slice %arg3[%dma_wait3A_575, %dma_wait3A_582, %dma_wait3A_583] : memref<26x100000x32xf32, #tpu.memory_space<hbm>> -> memref<1x100000x32xf32, #tpu.memory_space<hbm>>
      %dma_wait3A_585 = tpu.memref_squeeze %dma_wait3A_584 : memref<1x100000x32xf32, #tpu.memory_space<hbm>> -> memref<100000x32xf32, #tpu.memory_space<hbm>>
      %dma_wait3A_586 = arith.constant 0 : i32
      %dma_wait3A_587 = arith.constant 0 : i32
      %dma_wait3A_588 = tpu.memref_slice %dma_wait3A_585[%dma_wait3A_586, %dma_wait3A_587] : memref<100000x32xf32, #tpu.memory_space<hbm>> -> memref<100000x32xf32, #tpu.memory_space<hbm>>
      tpu.wait_indirect_dma semaphore(%arg8 : memref<!tpu.dma_semaphore, #tpu.memory_space<semaphore_mem>>) src(%dma_wait3A_588 : memref<100000x32xf32, #tpu.memory_space<hbm>>) dst(%dma_wait3A_579 : memref<128x32xf32, #tpu.memory_space<vmem>>)
      %dma_wait3A_589 = arith.constant 11 : i32
      %dma_wait3A_590 = arith.constant 11 : i32
      %dma_wait3A_591 = arith.constant 1408 : i32
      %dma_wait3A_592 = arith.constant 0 : i32
      %dma_wait3A_593 = tpu.memref_slice %arg7[%dma_wait3A_591, %dma_wait3A_592] : memref<3328x32xf32, #tpu.memory_space<vmem>> -> memref<128x32xf32, #tpu.memory_space<vmem>>
      %dma_wait3A_594 = tpu.memref_slice %arg5[%dma_wait3A_590, %mul3A_197] : memref<26x512xi32, #tpu.memory_space<vmem>> -> memref<1x128xi32, #tpu.memory_space<vmem>>
      %dma_wait3A_595 = tpu.memref_squeeze %dma_wait3A_594 : memref<1x128xi32, #tpu.memory_space<vmem>> -> memref<128xi32, #tpu.memory_space<vmem>>
      %dma_wait3A_596 = arith.constant 0 : i32
      %dma_wait3A_597 = arith.constant 0 : i32
      %dma_wait3A_598 = tpu.memref_slice %arg3[%dma_wait3A_589, %dma_wait3A_596, %dma_wait3A_597] : memref<26x100000x32xf32, #tpu.memory_space<hbm>> -> memref<1x100000x32xf32, #tpu.memory_space<hbm>>
      %dma_wait3A_599 = tpu.memref_squeeze %dma_wait3A_598 : memref<1x100000x32xf32, #tpu.memory_space<hbm>> -> memref<100000x32xf32, #tpu.memory_space<hbm>>
      %dma_wait3A_600 = arith.constant 0 : i32
      %dma_wait3A_601 = arith.constant 0 : i32
      %dma_wait3A_602 = tpu.memref_slice %dma_wait3A_599[%dma_wait3A_600, %dma_wait3A_601] : memref<100000x32xf32, #tpu.memory_space<hbm>> -> memref<100000x32xf32, #tpu.memory_space<hbm>>
      tpu.wait_indirect_dma semaphore(%arg8 : memref<!tpu.dma_semaphore, #tpu.memory_space<semaphore_mem>>) src(%dma_wait3A_602 : memref<100000x32xf32, #tpu.memory_space<hbm>>) dst(%dma_wait3A_593 : memref<128x32xf32, #tpu.memory_space<vmem>>)
      %dma_wait3A_603 = arith.constant 12 : i32
      %dma_wait3A_604 = arith.constant 12 : i32
      %dma_wait3A_605 = arith.constant 1536 : i32
      %dma_wait3A_606 = arith.constant 0 : i32
      %dma_wait3A_607 = tpu.memref_slice %arg7[%dma_wait3A_605, %dma_wait3A_606] : memref<3328x32xf32, #tpu.memory_space<vmem>> -> memref<128x32xf32, #tpu.memory_space<vmem>>
      %dma_wait3A_608 = tpu.memref_slice %arg5[%dma_wait3A_604, %mul3A_213] : memref<26x512xi32, #tpu.memory_space<vmem>> -> memref<1x128xi32, #tpu.memory_space<vmem>>
      %dma_wait3A_609 = tpu.memref_squeeze %dma_wait3A_608 : memref<1x128xi32, #tpu.memory_space<vmem>> -> memref<128xi32, #tpu.memory_space<vmem>>
      %dma_wait3A_610 = arith.constant 0 : i32
      %dma_wait3A_611 = arith.constant 0 : i32
      %dma_wait3A_612 = tpu.memref_slice %arg3[%dma_wait3A_603, %dma_wait3A_610, %dma_wait3A_611] : memref<26x100000x32xf32, #tpu.memory_space<hbm>> -> memref<1x100000x32xf32, #tpu.memory_space<hbm>>
      %dma_wait3A_613 = tpu.memref_squeeze %dma_wait3A_612 : memref<1x100000x32xf32, #tpu.memory_space<hbm>> -> memref<100000x32xf32, #tpu.memory_space<hbm>>
      %dma_wait3A_614 = arith.constant 0 : i32
      %dma_wait3A_615 = arith.constant 0 : i32
      %dma_wait3A_616 = tpu.memref_slice %dma_wait3A_613[%dma_wait3A_614, %dma_wait3A_615] : memref<100000x32xf32, #tpu.memory_space<hbm>> -> memref<100000x32xf32, #tpu.memory_space<hbm>>
      tpu.wait_indirect_dma semaphore(%arg8 : memref<!tpu.dma_semaphore, #tpu.memory_space<semaphore_mem>>) src(%dma_wait3A_616 : memref<100000x32xf32, #tpu.memory_space<hbm>>) dst(%dma_wait3A_607 : memref<128x32xf32, #tpu.memory_space<vmem>>)
      %dma_wait3A_617 = arith.constant 13 : i32
      %dma_wait3A_618 = arith.constant 13 : i32
      %dma_wait3A_619 = arith.constant 1664 : i32
      %dma_wait3A_620 = arith.constant 0 : i32
      %dma_wait3A_621 = tpu.memref_slice %arg7[%dma_wait3A_619, %dma_wait3A_620] : memref<3328x32xf32, #tpu.memory_space<vmem>> -> memref<128x32xf32, #tpu.memory_space<vmem>>
      %dma_wait3A_622 = tpu.memref_slice %arg5[%dma_wait3A_618, %mul3A_229] : memref<26x512xi32, #tpu.memory_space<vmem>> -> memref<1x128xi32, #tpu.memory_space<vmem>>
      %dma_wait3A_623 = tpu.memref_squeeze %dma_wait3A_622 : memref<1x128xi32, #tpu.memory_space<vmem>> -> memref<128xi32, #tpu.memory_space<vmem>>
      %dma_wait3A_624 = arith.constant 0 : i32
      %dma_wait3A_625 = arith.constant 0 : i32
      %dma_wait3A_626 = tpu.memref_slice %arg3[%dma_wait3A_617, %dma_wait3A_624, %dma_wait3A_625] : memref<26x100000x32xf32, #tpu.memory_space<hbm>> -> memref<1x100000x32xf32, #tpu.memory_space<hbm>>
      %dma_wait3A_627 = tpu.memref_squeeze %dma_wait3A_626 : memref<1x100000x32xf32, #tpu.memory_space<hbm>> -> memref<100000x32xf32, #tpu.memory_space<hbm>>
      %dma_wait3A_628 = arith.constant 0 : i32
      %dma_wait3A_629 = arith.constant 0 : i32
      %dma_wait3A_630 = tpu.memref_slice %dma_wait3A_627[%dma_wait3A_628, %dma_wait3A_629] : memref<100000x32xf32, #tpu.memory_space<hbm>> -> memref<100000x32xf32, #tpu.memory_space<hbm>>
      tpu.wait_indirect_dma semaphore(%arg8 : memref<!tpu.dma_semaphore, #tpu.memory_space<semaphore_mem>>) src(%dma_wait3A_630 : memref<100000x32xf32, #tpu.memory_space<hbm>>) dst(%dma_wait3A_621 : memref<128x32xf32, #tpu.memory_space<vmem>>)
      %dma_wait3A_631 = arith.constant 14 : i32
      %dma_wait3A_632 = arith.constant 14 : i32
      %dma_wait3A_633 = arith.constant 1792 : i32
      %dma_wait3A_634 = arith.constant 0 : i32
      %dma_wait3A_635 = tpu.memref_slice %arg7[%dma_wait3A_633, %dma_wait3A_634] : memref<3328x32xf32, #tpu.memory_space<vmem>> -> memref<128x32xf32, #tpu.memory_space<vmem>>
      %dma_wait3A_636 = tpu.memref_slice %arg5[%dma_wait3A_632, %mul3A_245] : memref<26x512xi32, #tpu.memory_space<vmem>> -> memref<1x128xi32, #tpu.memory_space<vmem>>
      %dma_wait3A_637 = tpu.memref_squeeze %dma_wait3A_636 : memref<1x128xi32, #tpu.memory_space<vmem>> -> memref<128xi32, #tpu.memory_space<vmem>>
      %dma_wait3A_638 = arith.constant 0 : i32
      %dma_wait3A_639 = arith.constant 0 : i32
      %dma_wait3A_640 = tpu.memref_slice %arg3[%dma_wait3A_631, %dma_wait3A_638, %dma_wait3A_639] : memref<26x100000x32xf32, #tpu.memory_space<hbm>> -> memref<1x100000x32xf32, #tpu.memory_space<hbm>>
      %dma_wait3A_641 = tpu.memref_squeeze %dma_wait3A_640 : memref<1x100000x32xf32, #tpu.memory_space<hbm>> -> memref<100000x32xf32, #tpu.memory_space<hbm>>
      %dma_wait3A_642 = arith.constant 0 : i32
      %dma_wait3A_643 = arith.constant 0 : i32
      %dma_wait3A_644 = tpu.memref_slice %dma_wait3A_641[%dma_wait3A_642, %dma_wait3A_643] : memref<100000x32xf32, #tpu.memory_space<hbm>> -> memref<100000x32xf32, #tpu.memory_space<hbm>>
      tpu.wait_indirect_dma semaphore(%arg8 : memref<!tpu.dma_semaphore, #tpu.memory_space<semaphore_mem>>) src(%dma_wait3A_644 : memref<100000x32xf32, #tpu.memory_space<hbm>>) dst(%dma_wait3A_635 : memref<128x32xf32, #tpu.memory_space<vmem>>)
      %dma_wait3A_645 = arith.constant 15 : i32
      %dma_wait3A_646 = arith.constant 15 : i32
      %dma_wait3A_647 = arith.constant 1920 : i32
      %dma_wait3A_648 = arith.constant 0 : i32
      %dma_wait3A_649 = tpu.memref_slice %arg7[%dma_wait3A_647, %dma_wait3A_648] : memref<3328x32xf32, #tpu.memory_space<vmem>> -> memref<128x32xf32, #tpu.memory_space<vmem>>
      %dma_wait3A_650 = tpu.memref_slice %arg5[%dma_wait3A_646, %mul3A_261] : memref<26x512xi32, #tpu.memory_space<vmem>> -> memref<1x128xi32, #tpu.memory_space<vmem>>
      %dma_wait3A_651 = tpu.memref_squeeze %dma_wait3A_650 : memref<1x128xi32, #tpu.memory_space<vmem>> -> memref<128xi32, #tpu.memory_space<vmem>>
      %dma_wait3A_652 = arith.constant 0 : i32
      %dma_wait3A_653 = arith.constant 0 : i32
      %dma_wait3A_654 = tpu.memref_slice %arg3[%dma_wait3A_645, %dma_wait3A_652, %dma_wait3A_653] : memref<26x100000x32xf32, #tpu.memory_space<hbm>> -> memref<1x100000x32xf32, #tpu.memory_space<hbm>>
      %dma_wait3A_655 = tpu.memref_squeeze %dma_wait3A_654 : memref<1x100000x32xf32, #tpu.memory_space<hbm>> -> memref<100000x32xf32, #tpu.memory_space<hbm>>
      %dma_wait3A_656 = arith.constant 0 : i32
      %dma_wait3A_657 = arith.constant 0 : i32
      %dma_wait3A_658 = tpu.memref_slice %dma_wait3A_655[%dma_wait3A_656, %dma_wait3A_657] : memref<100000x32xf32, #tpu.memory_space<hbm>> -> memref<100000x32xf32, #tpu.memory_space<hbm>>
      tpu.wait_indirect_dma semaphore(%arg8 : memref<!tpu.dma_semaphore, #tpu.memory_space<semaphore_mem>>) src(%dma_wait3A_658 : memref<100000x32xf32, #tpu.memory_space<hbm>>) dst(%dma_wait3A_649 : memref<128x32xf32, #tpu.memory_space<vmem>>)
      %dma_wait3A_659 = arith.constant 16 : i32
      %dma_wait3A_660 = arith.constant 16 : i32
      %dma_wait3A_661 = arith.constant 2048 : i32
      %dma_wait3A_662 = arith.constant 0 : i32
      %dma_wait3A_663 = tpu.memref_slice %arg7[%dma_wait3A_661, %dma_wait3A_662] : memref<3328x32xf32, #tpu.memory_space<vmem>> -> memref<128x32xf32, #tpu.memory_space<vmem>>
      %dma_wait3A_664 = tpu.memref_slice %arg5[%dma_wait3A_660, %mul3A_277] : memref<26x512xi32, #tpu.memory_space<vmem>> -> memref<1x128xi32, #tpu.memory_space<vmem>>
      %dma_wait3A_665 = tpu.memref_squeeze %dma_wait3A_664 : memref<1x128xi32, #tpu.memory_space<vmem>> -> memref<128xi32, #tpu.memory_space<vmem>>
      %dma_wait3A_666 = arith.constant 0 : i32
      %dma_wait3A_667 = arith.constant 0 : i32
      %dma_wait3A_668 = tpu.memref_slice %arg3[%dma_wait3A_659, %dma_wait3A_666, %dma_wait3A_667] : memref<26x100000x32xf32, #tpu.memory_space<hbm>> -> memref<1x100000x32xf32, #tpu.memory_space<hbm>>
      %dma_wait3A_669 = tpu.memref_squeeze %dma_wait3A_668 : memref<1x100000x32xf32, #tpu.memory_space<hbm>> -> memref<100000x32xf32, #tpu.memory_space<hbm>>
      %dma_wait3A_670 = arith.constant 0 : i32
      %dma_wait3A_671 = arith.constant 0 : i32
      %dma_wait3A_672 = tpu.memref_slice %dma_wait3A_669[%dma_wait3A_670, %dma_wait3A_671] : memref<100000x32xf32, #tpu.memory_space<hbm>> -> memref<100000x32xf32, #tpu.memory_space<hbm>>
      tpu.wait_indirect_dma semaphore(%arg8 : memref<!tpu.dma_semaphore, #tpu.memory_space<semaphore_mem>>) src(%dma_wait3A_672 : memref<100000x32xf32, #tpu.memory_space<hbm>>) dst(%dma_wait3A_663 : memref<128x32xf32, #tpu.memory_space<vmem>>)
      %dma_wait3A_673 = arith.constant 17 : i32
      %dma_wait3A_674 = arith.constant 17 : i32
      %dma_wait3A_675 = arith.constant 2176 : i32
      %dma_wait3A_676 = arith.constant 0 : i32
      %dma_wait3A_677 = tpu.memref_slice %arg7[%dma_wait3A_675, %dma_wait3A_676] : memref<3328x32xf32, #tpu.memory_space<vmem>> -> memref<128x32xf32, #tpu.memory_space<vmem>>
      %dma_wait3A_678 = tpu.memref_slice %arg5[%dma_wait3A_674, %mul3A_293] : memref<26x512xi32, #tpu.memory_space<vmem>> -> memref<1x128xi32, #tpu.memory_space<vmem>>
      %dma_wait3A_679 = tpu.memref_squeeze %dma_wait3A_678 : memref<1x128xi32, #tpu.memory_space<vmem>> -> memref<128xi32, #tpu.memory_space<vmem>>
      %dma_wait3A_680 = arith.constant 0 : i32
      %dma_wait3A_681 = arith.constant 0 : i32
      %dma_wait3A_682 = tpu.memref_slice %arg3[%dma_wait3A_673, %dma_wait3A_680, %dma_wait3A_681] : memref<26x100000x32xf32, #tpu.memory_space<hbm>> -> memref<1x100000x32xf32, #tpu.memory_space<hbm>>
      %dma_wait3A_683 = tpu.memref_squeeze %dma_wait3A_682 : memref<1x100000x32xf32, #tpu.memory_space<hbm>> -> memref<100000x32xf32, #tpu.memory_space<hbm>>
      %dma_wait3A_684 = arith.constant 0 : i32
      %dma_wait3A_685 = arith.constant 0 : i32
      %dma_wait3A_686 = tpu.memref_slice %dma_wait3A_683[%dma_wait3A_684, %dma_wait3A_685] : memref<100000x32xf32, #tpu.memory_space<hbm>> -> memref<100000x32xf32, #tpu.memory_space<hbm>>
      tpu.wait_indirect_dma semaphore(%arg8 : memref<!tpu.dma_semaphore, #tpu.memory_space<semaphore_mem>>) src(%dma_wait3A_686 : memref<100000x32xf32, #tpu.memory_space<hbm>>) dst(%dma_wait3A_677 : memref<128x32xf32, #tpu.memory_space<vmem>>)
      %dma_wait3A_687 = arith.constant 18 : i32
      %dma_wait3A_688 = arith.constant 18 : i32
      %dma_wait3A_689 = arith.constant 2304 : i32
      %dma_wait3A_690 = arith.constant 0 : i32
      %dma_wait3A_691 = tpu.memref_slice %arg7[%dma_wait3A_689, %dma_wait3A_690] : memref<3328x32xf32, #tpu.memory_space<vmem>> -> memref<128x32xf32, #tpu.memory_space<vmem>>
      %dma_wait3A_692 = tpu.memref_slice %arg5[%dma_wait3A_688, %mul3A_309] : memref<26x512xi32, #tpu.memory_space<vmem>> -> memref<1x128xi32, #tpu.memory_space<vmem>>
      %dma_wait3A_693 = tpu.memref_squeeze %dma_wait3A_692 : memref<1x128xi32, #tpu.memory_space<vmem>> -> memref<128xi32, #tpu.memory_space<vmem>>
      %dma_wait3A_694 = arith.constant 0 : i32
      %dma_wait3A_695 = arith.constant 0 : i32
      %dma_wait3A_696 = tpu.memref_slice %arg3[%dma_wait3A_687, %dma_wait3A_694, %dma_wait3A_695] : memref<26x100000x32xf32, #tpu.memory_space<hbm>> -> memref<1x100000x32xf32, #tpu.memory_space<hbm>>
      %dma_wait3A_697 = tpu.memref_squeeze %dma_wait3A_696 : memref<1x100000x32xf32, #tpu.memory_space<hbm>> -> memref<100000x32xf32, #tpu.memory_space<hbm>>
      %dma_wait3A_698 = arith.constant 0 : i32
      %dma_wait3A_699 = arith.constant 0 : i32
      %dma_wait3A_700 = tpu.memref_slice %dma_wait3A_697[%dma_wait3A_698, %dma_wait3A_699] : memref<100000x32xf32, #tpu.memory_space<hbm>> -> memref<100000x32xf32, #tpu.memory_space<hbm>>
      tpu.wait_indirect_dma semaphore(%arg8 : memref<!tpu.dma_semaphore, #tpu.memory_space<semaphore_mem>>) src(%dma_wait3A_700 : memref<100000x32xf32, #tpu.memory_space<hbm>>) dst(%dma_wait3A_691 : memref<128x32xf32, #tpu.memory_space<vmem>>)
      %dma_wait3A_701 = arith.constant 19 : i32
      %dma_wait3A_702 = arith.constant 19 : i32
      %dma_wait3A_703 = arith.constant 2432 : i32
      %dma_wait3A_704 = arith.constant 0 : i32
      %dma_wait3A_705 = tpu.memref_slice %arg7[%dma_wait3A_703, %dma_wait3A_704] : memref<3328x32xf32, #tpu.memory_space<vmem>> -> memref<128x32xf32, #tpu.memory_space<vmem>>
      %dma_wait3A_706 = tpu.memref_slice %arg5[%dma_wait3A_702, %mul3A_325] : memref<26x512xi32, #tpu.memory_space<vmem>> -> memref<1x128xi32, #tpu.memory_space<vmem>>
      %dma_wait3A_707 = tpu.memref_squeeze %dma_wait3A_706 : memref<1x128xi32, #tpu.memory_space<vmem>> -> memref<128xi32, #tpu.memory_space<vmem>>
      %dma_wait3A_708 = arith.constant 0 : i32
      %dma_wait3A_709 = arith.constant 0 : i32
      %dma_wait3A_710 = tpu.memref_slice %arg3[%dma_wait3A_701, %dma_wait3A_708, %dma_wait3A_709] : memref<26x100000x32xf32, #tpu.memory_space<hbm>> -> memref<1x100000x32xf32, #tpu.memory_space<hbm>>
      %dma_wait3A_711 = tpu.memref_squeeze %dma_wait3A_710 : memref<1x100000x32xf32, #tpu.memory_space<hbm>> -> memref<100000x32xf32, #tpu.memory_space<hbm>>
      %dma_wait3A_712 = arith.constant 0 : i32
      %dma_wait3A_713 = arith.constant 0 : i32
      %dma_wait3A_714 = tpu.memref_slice %dma_wait3A_711[%dma_wait3A_712, %dma_wait3A_713] : memref<100000x32xf32, #tpu.memory_space<hbm>> -> memref<100000x32xf32, #tpu.memory_space<hbm>>
      tpu.wait_indirect_dma semaphore(%arg8 : memref<!tpu.dma_semaphore, #tpu.memory_space<semaphore_mem>>) src(%dma_wait3A_714 : memref<100000x32xf32, #tpu.memory_space<hbm>>) dst(%dma_wait3A_705 : memref<128x32xf32, #tpu.memory_space<vmem>>)
      %dma_wait3A_715 = arith.constant 20 : i32
      %dma_wait3A_716 = arith.constant 20 : i32
      %dma_wait3A_717 = arith.constant 2560 : i32
      %dma_wait3A_718 = arith.constant 0 : i32
      %dma_wait3A_719 = tpu.memref_slice %arg7[%dma_wait3A_717, %dma_wait3A_718] : memref<3328x32xf32, #tpu.memory_space<vmem>> -> memref<128x32xf32, #tpu.memory_space<vmem>>
      %dma_wait3A_720 = tpu.memref_slice %arg5[%dma_wait3A_716, %mul3A_341] : memref<26x512xi32, #tpu.memory_space<vmem>> -> memref<1x128xi32, #tpu.memory_space<vmem>>
      %dma_wait3A_721 = tpu.memref_squeeze %dma_wait3A_720 : memref<1x128xi32, #tpu.memory_space<vmem>> -> memref<128xi32, #tpu.memory_space<vmem>>
      %dma_wait3A_722 = arith.constant 0 : i32
      %dma_wait3A_723 = arith.constant 0 : i32
      %dma_wait3A_724 = tpu.memref_slice %arg3[%dma_wait3A_715, %dma_wait3A_722, %dma_wait3A_723] : memref<26x100000x32xf32, #tpu.memory_space<hbm>> -> memref<1x100000x32xf32, #tpu.memory_space<hbm>>
      %dma_wait3A_725 = tpu.memref_squeeze %dma_wait3A_724 : memref<1x100000x32xf32, #tpu.memory_space<hbm>> -> memref<100000x32xf32, #tpu.memory_space<hbm>>
      %dma_wait3A_726 = arith.constant 0 : i32
      %dma_wait3A_727 = arith.constant 0 : i32
      %dma_wait3A_728 = tpu.memref_slice %dma_wait3A_725[%dma_wait3A_726, %dma_wait3A_727] : memref<100000x32xf32, #tpu.memory_space<hbm>> -> memref<100000x32xf32, #tpu.memory_space<hbm>>
      tpu.wait_indirect_dma semaphore(%arg8 : memref<!tpu.dma_semaphore, #tpu.memory_space<semaphore_mem>>) src(%dma_wait3A_728 : memref<100000x32xf32, #tpu.memory_space<hbm>>) dst(%dma_wait3A_719 : memref<128x32xf32, #tpu.memory_space<vmem>>)
      %dma_wait3A_729 = arith.constant 21 : i32
      %dma_wait3A_730 = arith.constant 21 : i32
      %dma_wait3A_731 = arith.constant 2688 : i32
      %dma_wait3A_732 = arith.constant 0 : i32
      %dma_wait3A_733 = tpu.memref_slice %arg7[%dma_wait3A_731, %dma_wait3A_732] : memref<3328x32xf32, #tpu.memory_space<vmem>> -> memref<128x32xf32, #tpu.memory_space<vmem>>
      %dma_wait3A_734 = tpu.memref_slice %arg5[%dma_wait3A_730, %mul3A_357] : memref<26x512xi32, #tpu.memory_space<vmem>> -> memref<1x128xi32, #tpu.memory_space<vmem>>
      %dma_wait3A_735 = tpu.memref_squeeze %dma_wait3A_734 : memref<1x128xi32, #tpu.memory_space<vmem>> -> memref<128xi32, #tpu.memory_space<vmem>>
      %dma_wait3A_736 = arith.constant 0 : i32
      %dma_wait3A_737 = arith.constant 0 : i32
      %dma_wait3A_738 = tpu.memref_slice %arg3[%dma_wait3A_729, %dma_wait3A_736, %dma_wait3A_737] : memref<26x100000x32xf32, #tpu.memory_space<hbm>> -> memref<1x100000x32xf32, #tpu.memory_space<hbm>>
      %dma_wait3A_739 = tpu.memref_squeeze %dma_wait3A_738 : memref<1x100000x32xf32, #tpu.memory_space<hbm>> -> memref<100000x32xf32, #tpu.memory_space<hbm>>
      %dma_wait3A_740 = arith.constant 0 : i32
      %dma_wait3A_741 = arith.constant 0 : i32
      %dma_wait3A_742 = tpu.memref_slice %dma_wait3A_739[%dma_wait3A_740, %dma_wait3A_741] : memref<100000x32xf32, #tpu.memory_space<hbm>> -> memref<100000x32xf32, #tpu.memory_space<hbm>>
      tpu.wait_indirect_dma semaphore(%arg8 : memref<!tpu.dma_semaphore, #tpu.memory_space<semaphore_mem>>) src(%dma_wait3A_742 : memref<100000x32xf32, #tpu.memory_space<hbm>>) dst(%dma_wait3A_733 : memref<128x32xf32, #tpu.memory_space<vmem>>)
      %dma_wait3A_743 = arith.constant 22 : i32
      %dma_wait3A_744 = arith.constant 22 : i32
      %dma_wait3A_745 = arith.constant 2816 : i32
      %dma_wait3A_746 = arith.constant 0 : i32
      %dma_wait3A_747 = tpu.memref_slice %arg7[%dma_wait3A_745, %dma_wait3A_746] : memref<3328x32xf32, #tpu.memory_space<vmem>> -> memref<128x32xf32, #tpu.memory_space<vmem>>
      %dma_wait3A_748 = tpu.memref_slice %arg5[%dma_wait3A_744, %mul3A_373] : memref<26x512xi32, #tpu.memory_space<vmem>> -> memref<1x128xi32, #tpu.memory_space<vmem>>
      %dma_wait3A_749 = tpu.memref_squeeze %dma_wait3A_748 : memref<1x128xi32, #tpu.memory_space<vmem>> -> memref<128xi32, #tpu.memory_space<vmem>>
      %dma_wait3A_750 = arith.constant 0 : i32
      %dma_wait3A_751 = arith.constant 0 : i32
      %dma_wait3A_752 = tpu.memref_slice %arg3[%dma_wait3A_743, %dma_wait3A_750, %dma_wait3A_751] : memref<26x100000x32xf32, #tpu.memory_space<hbm>> -> memref<1x100000x32xf32, #tpu.memory_space<hbm>>
      %dma_wait3A_753 = tpu.memref_squeeze %dma_wait3A_752 : memref<1x100000x32xf32, #tpu.memory_space<hbm>> -> memref<100000x32xf32, #tpu.memory_space<hbm>>
      %dma_wait3A_754 = arith.constant 0 : i32
      %dma_wait3A_755 = arith.constant 0 : i32
      %dma_wait3A_756 = tpu.memref_slice %dma_wait3A_753[%dma_wait3A_754, %dma_wait3A_755] : memref<100000x32xf32, #tpu.memory_space<hbm>> -> memref<100000x32xf32, #tpu.memory_space<hbm>>
      tpu.wait_indirect_dma semaphore(%arg8 : memref<!tpu.dma_semaphore, #tpu.memory_space<semaphore_mem>>) src(%dma_wait3A_756 : memref<100000x32xf32, #tpu.memory_space<hbm>>) dst(%dma_wait3A_747 : memref<128x32xf32, #tpu.memory_space<vmem>>)
      %dma_wait3A_757 = arith.constant 23 : i32
      %dma_wait3A_758 = arith.constant 23 : i32
      %dma_wait3A_759 = arith.constant 2944 : i32
      %dma_wait3A_760 = arith.constant 0 : i32
      %dma_wait3A_761 = tpu.memref_slice %arg7[%dma_wait3A_759, %dma_wait3A_760] : memref<3328x32xf32, #tpu.memory_space<vmem>> -> memref<128x32xf32, #tpu.memory_space<vmem>>
      %dma_wait3A_762 = tpu.memref_slice %arg5[%dma_wait3A_758, %mul3A_389] : memref<26x512xi32, #tpu.memory_space<vmem>> -> memref<1x128xi32, #tpu.memory_space<vmem>>
      %dma_wait3A_763 = tpu.memref_squeeze %dma_wait3A_762 : memref<1x128xi32, #tpu.memory_space<vmem>> -> memref<128xi32, #tpu.memory_space<vmem>>
      %dma_wait3A_764 = arith.constant 0 : i32
      %dma_wait3A_765 = arith.constant 0 : i32
      %dma_wait3A_766 = tpu.memref_slice %arg3[%dma_wait3A_757, %dma_wait3A_764, %dma_wait3A_765] : memref<26x100000x32xf32, #tpu.memory_space<hbm>> -> memref<1x100000x32xf32, #tpu.memory_space<hbm>>
      %dma_wait3A_767 = tpu.memref_squeeze %dma_wait3A_766 : memref<1x100000x32xf32, #tpu.memory_space<hbm>> -> memref<100000x32xf32, #tpu.memory_space<hbm>>
      %dma_wait3A_768 = arith.constant 0 : i32
      %dma_wait3A_769 = arith.constant 0 : i32
      %dma_wait3A_770 = tpu.memref_slice %dma_wait3A_767[%dma_wait3A_768, %dma_wait3A_769] : memref<100000x32xf32, #tpu.memory_space<hbm>> -> memref<100000x32xf32, #tpu.memory_space<hbm>>
      tpu.wait_indirect_dma semaphore(%arg8 : memref<!tpu.dma_semaphore, #tpu.memory_space<semaphore_mem>>) src(%dma_wait3A_770 : memref<100000x32xf32, #tpu.memory_space<hbm>>) dst(%dma_wait3A_761 : memref<128x32xf32, #tpu.memory_space<vmem>>)
      %dma_wait3A_771 = arith.constant 24 : i32
      %dma_wait3A_772 = arith.constant 24 : i32
      %dma_wait3A_773 = arith.constant 3072 : i32
      %dma_wait3A_774 = arith.constant 0 : i32
      %dma_wait3A_775 = tpu.memref_slice %arg7[%dma_wait3A_773, %dma_wait3A_774] : memref<3328x32xf32, #tpu.memory_space<vmem>> -> memref<128x32xf32, #tpu.memory_space<vmem>>
      %dma_wait3A_776 = tpu.memref_slice %arg5[%dma_wait3A_772, %mul3A_405] : memref<26x512xi32, #tpu.memory_space<vmem>> -> memref<1x128xi32, #tpu.memory_space<vmem>>
      %dma_wait3A_777 = tpu.memref_squeeze %dma_wait3A_776 : memref<1x128xi32, #tpu.memory_space<vmem>> -> memref<128xi32, #tpu.memory_space<vmem>>
      %dma_wait3A_778 = arith.constant 0 : i32
      %dma_wait3A_779 = arith.constant 0 : i32
      %dma_wait3A_780 = tpu.memref_slice %arg3[%dma_wait3A_771, %dma_wait3A_778, %dma_wait3A_779] : memref<26x100000x32xf32, #tpu.memory_space<hbm>> -> memref<1x100000x32xf32, #tpu.memory_space<hbm>>
      %dma_wait3A_781 = tpu.memref_squeeze %dma_wait3A_780 : memref<1x100000x32xf32, #tpu.memory_space<hbm>> -> memref<100000x32xf32, #tpu.memory_space<hbm>>
      %dma_wait3A_782 = arith.constant 0 : i32
      %dma_wait3A_783 = arith.constant 0 : i32
      %dma_wait3A_784 = tpu.memref_slice %dma_wait3A_781[%dma_wait3A_782, %dma_wait3A_783] : memref<100000x32xf32, #tpu.memory_space<hbm>> -> memref<100000x32xf32, #tpu.memory_space<hbm>>
      tpu.wait_indirect_dma semaphore(%arg8 : memref<!tpu.dma_semaphore, #tpu.memory_space<semaphore_mem>>) src(%dma_wait3A_784 : memref<100000x32xf32, #tpu.memory_space<hbm>>) dst(%dma_wait3A_775 : memref<128x32xf32, #tpu.memory_space<vmem>>)
      %dma_wait3A_785 = arith.constant 25 : i32
      %dma_wait3A_786 = arith.constant 25 : i32
      %dma_wait3A_787 = arith.constant 3200 : i32
      %dma_wait3A_788 = arith.constant 0 : i32
      %dma_wait3A_789 = tpu.memref_slice %arg7[%dma_wait3A_787, %dma_wait3A_788] : memref<3328x32xf32, #tpu.memory_space<vmem>> -> memref<128x32xf32, #tpu.memory_space<vmem>>
      %dma_wait3A_790 = tpu.memref_slice %arg5[%dma_wait3A_786, %mul3A_421] : memref<26x512xi32, #tpu.memory_space<vmem>> -> memref<1x128xi32, #tpu.memory_space<vmem>>
      %dma_wait3A_791 = tpu.memref_squeeze %dma_wait3A_790 : memref<1x128xi32, #tpu.memory_space<vmem>> -> memref<128xi32, #tpu.memory_space<vmem>>
      %dma_wait3A_792 = arith.constant 0 : i32
      %dma_wait3A_793 = arith.constant 0 : i32
      %dma_wait3A_794 = tpu.memref_slice %arg3[%dma_wait3A_785, %dma_wait3A_792, %dma_wait3A_793] : memref<26x100000x32xf32, #tpu.memory_space<hbm>> -> memref<1x100000x32xf32, #tpu.memory_space<hbm>>
      %dma_wait3A_795 = tpu.memref_squeeze %dma_wait3A_794 : memref<1x100000x32xf32, #tpu.memory_space<hbm>> -> memref<100000x32xf32, #tpu.memory_space<hbm>>
      %dma_wait3A_796 = arith.constant 0 : i32
      %dma_wait3A_797 = arith.constant 0 : i32
      %dma_wait3A_798 = tpu.memref_slice %dma_wait3A_795[%dma_wait3A_796, %dma_wait3A_797] : memref<100000x32xf32, #tpu.memory_space<hbm>> -> memref<100000x32xf32, #tpu.memory_space<hbm>>
      tpu.wait_indirect_dma semaphore(%arg8 : memref<!tpu.dma_semaphore, #tpu.memory_space<semaphore_mem>>) src(%dma_wait3A_798 : memref<100000x32xf32, #tpu.memory_space<hbm>>) dst(%dma_wait3A_789 : memref<128x32xf32, #tpu.memory_space<vmem>>)
      %dma_start3A_799 = arith.constant 0 : i32
      %dma_start3A_800 = arith.constant 0 : i32
      %dma_start3A_801 = arith.constant 0 : i32
      %dma_start3A_802 = tpu.memref_slice %arg7[%dma_start3A_800, %dma_start3A_801] : memref<3328x32xf32, #tpu.memory_space<vmem>> -> memref<128x32xf32, #tpu.memory_space<vmem>>
      %dma_start3A_803 = arith.constant 0 : i32
      %dma_start3A_804 = tpu.memref_slice %arg6[%dma_start3A_799, %dma_start3A_803] : memref<26x128xi32, #tpu.memory_space<vmem>> -> memref<1x128xi32, #tpu.memory_space<vmem>>
      %dma_start3A_805 = tpu.memref_squeeze %dma_start3A_804 : memref<1x128xi32, #tpu.memory_space<vmem>> -> memref<128xi32, #tpu.memory_space<vmem>>
      %dma_start3A_806 = arith.constant 0 : i32
      %dma_start3A_807 = arith.constant 0 : i32
      %dma_start3A_808 = tpu.memref_slice %arg4[%dma_start3A_806, %dma_start3A_807] : memref<425984x32xf32, #tpu.memory_space<hbm>> -> memref<425984x32xf32, #tpu.memory_space<hbm>>
      tpu.enqueue_indirect_dma source(%dma_start3A_802 : memref<128x32xf32, #tpu.memory_space<vmem>>) target(%dma_start3A_808 : memref<425984x32xf32, #tpu.memory_space<hbm>>) offsets(%dma_start3A_805 : memref<128xi32, #tpu.memory_space<vmem>>) semaphore(%arg9 : memref<!tpu.dma_semaphore, #tpu.memory_space<semaphore_mem>>)
      %dma_start3A_809 = arith.constant 1 : i32
      %dma_start3A_810 = arith.constant 128 : i32
      %dma_start3A_811 = arith.constant 0 : i32
      %dma_start3A_812 = tpu.memref_slice %arg7[%dma_start3A_810, %dma_start3A_811] : memref<3328x32xf32, #tpu.memory_space<vmem>> -> memref<128x32xf32, #tpu.memory_space<vmem>>
      %dma_start3A_813 = arith.constant 0 : i32
      %dma_start3A_814 = tpu.memref_slice %arg6[%dma_start3A_809, %dma_start3A_813] : memref<26x128xi32, #tpu.memory_space<vmem>> -> memref<1x128xi32, #tpu.memory_space<vmem>>
      %dma_start3A_815 = tpu.memref_squeeze %dma_start3A_814 : memref<1x128xi32, #tpu.memory_space<vmem>> -> memref<128xi32, #tpu.memory_space<vmem>>
      %dma_start3A_816 = arith.constant 0 : i32
      %dma_start3A_817 = arith.constant 0 : i32
      %dma_start3A_818 = tpu.memref_slice %arg4[%dma_start3A_816, %dma_start3A_817] : memref<425984x32xf32, #tpu.memory_space<hbm>> -> memref<425984x32xf32, #tpu.memory_space<hbm>>
      tpu.enqueue_indirect_dma source(%dma_start3A_812 : memref<128x32xf32, #tpu.memory_space<vmem>>) target(%dma_start3A_818 : memref<425984x32xf32, #tpu.memory_space<hbm>>) offsets(%dma_start3A_815 : memref<128xi32, #tpu.memory_space<vmem>>) semaphore(%arg9 : memref<!tpu.dma_semaphore, #tpu.memory_space<semaphore_mem>>)
      %dma_start3A_819 = arith.constant 2 : i32
      %dma_start3A_820 = arith.constant 256 : i32
      %dma_start3A_821 = arith.constant 0 : i32
      %dma_start3A_822 = tpu.memref_slice %arg7[%dma_start3A_820, %dma_start3A_821] : memref<3328x32xf32, #tpu.memory_space<vmem>> -> memref<128x32xf32, #tpu.memory_space<vmem>>
      %dma_start3A_823 = arith.constant 0 : i32
      %dma_start3A_824 = tpu.memref_slice %arg6[%dma_start3A_819, %dma_start3A_823] : memref<26x128xi32, #tpu.memory_space<vmem>> -> memref<1x128xi32, #tpu.memory_space<vmem>>
      %dma_start3A_825 = tpu.memref_squeeze %dma_start3A_824 : memref<1x128xi32, #tpu.memory_space<vmem>> -> memref<128xi32, #tpu.memory_space<vmem>>
      %dma_start3A_826 = arith.constant 0 : i32
      %dma_start3A_827 = arith.constant 0 : i32
      %dma_start3A_828 = tpu.memref_slice %arg4[%dma_start3A_826, %dma_start3A_827] : memref<425984x32xf32, #tpu.memory_space<hbm>> -> memref<425984x32xf32, #tpu.memory_space<hbm>>
      tpu.enqueue_indirect_dma source(%dma_start3A_822 : memref<128x32xf32, #tpu.memory_space<vmem>>) target(%dma_start3A_828 : memref<425984x32xf32, #tpu.memory_space<hbm>>) offsets(%dma_start3A_825 : memref<128xi32, #tpu.memory_space<vmem>>) semaphore(%arg9 : memref<!tpu.dma_semaphore, #tpu.memory_space<semaphore_mem>>)
      %dma_start3A_829 = arith.constant 3 : i32
      %dma_start3A_830 = arith.constant 384 : i32
      %dma_start3A_831 = arith.constant 0 : i32
      %dma_start3A_832 = tpu.memref_slice %arg7[%dma_start3A_830, %dma_start3A_831] : memref<3328x32xf32, #tpu.memory_space<vmem>> -> memref<128x32xf32, #tpu.memory_space<vmem>>
      %dma_start3A_833 = arith.constant 0 : i32
      %dma_start3A_834 = tpu.memref_slice %arg6[%dma_start3A_829, %dma_start3A_833] : memref<26x128xi32, #tpu.memory_space<vmem>> -> memref<1x128xi32, #tpu.memory_space<vmem>>
      %dma_start3A_835 = tpu.memref_squeeze %dma_start3A_834 : memref<1x128xi32, #tpu.memory_space<vmem>> -> memref<128xi32, #tpu.memory_space<vmem>>
      %dma_start3A_836 = arith.constant 0 : i32
      %dma_start3A_837 = arith.constant 0 : i32
      %dma_start3A_838 = tpu.memref_slice %arg4[%dma_start3A_836, %dma_start3A_837] : memref<425984x32xf32, #tpu.memory_space<hbm>> -> memref<425984x32xf32, #tpu.memory_space<hbm>>
      tpu.enqueue_indirect_dma source(%dma_start3A_832 : memref<128x32xf32, #tpu.memory_space<vmem>>) target(%dma_start3A_838 : memref<425984x32xf32, #tpu.memory_space<hbm>>) offsets(%dma_start3A_835 : memref<128xi32, #tpu.memory_space<vmem>>) semaphore(%arg9 : memref<!tpu.dma_semaphore, #tpu.memory_space<semaphore_mem>>)
      %dma_start3A_839 = arith.constant 4 : i32
      %dma_start3A_840 = arith.constant 512 : i32
      %dma_start3A_841 = arith.constant 0 : i32
      %dma_start3A_842 = tpu.memref_slice %arg7[%dma_start3A_840, %dma_start3A_841] : memref<3328x32xf32, #tpu.memory_space<vmem>> -> memref<128x32xf32, #tpu.memory_space<vmem>>
      %dma_start3A_843 = arith.constant 0 : i32
      %dma_start3A_844 = tpu.memref_slice %arg6[%dma_start3A_839, %dma_start3A_843] : memref<26x128xi32, #tpu.memory_space<vmem>> -> memref<1x128xi32, #tpu.memory_space<vmem>>
      %dma_start3A_845 = tpu.memref_squeeze %dma_start3A_844 : memref<1x128xi32, #tpu.memory_space<vmem>> -> memref<128xi32, #tpu.memory_space<vmem>>
      %dma_start3A_846 = arith.constant 0 : i32
      %dma_start3A_847 = arith.constant 0 : i32
      %dma_start3A_848 = tpu.memref_slice %arg4[%dma_start3A_846, %dma_start3A_847] : memref<425984x32xf32, #tpu.memory_space<hbm>> -> memref<425984x32xf32, #tpu.memory_space<hbm>>
      tpu.enqueue_indirect_dma source(%dma_start3A_842 : memref<128x32xf32, #tpu.memory_space<vmem>>) target(%dma_start3A_848 : memref<425984x32xf32, #tpu.memory_space<hbm>>) offsets(%dma_start3A_845 : memref<128xi32, #tpu.memory_space<vmem>>) semaphore(%arg9 : memref<!tpu.dma_semaphore, #tpu.memory_space<semaphore_mem>>)
      %dma_start3A_849 = arith.constant 5 : i32
      %dma_start3A_850 = arith.constant 640 : i32
      %dma_start3A_851 = arith.constant 0 : i32
      %dma_start3A_852 = tpu.memref_slice %arg7[%dma_start3A_850, %dma_start3A_851] : memref<3328x32xf32, #tpu.memory_space<vmem>> -> memref<128x32xf32, #tpu.memory_space<vmem>>
      %dma_start3A_853 = arith.constant 0 : i32
      %dma_start3A_854 = tpu.memref_slice %arg6[%dma_start3A_849, %dma_start3A_853] : memref<26x128xi32, #tpu.memory_space<vmem>> -> memref<1x128xi32, #tpu.memory_space<vmem>>
      %dma_start3A_855 = tpu.memref_squeeze %dma_start3A_854 : memref<1x128xi32, #tpu.memory_space<vmem>> -> memref<128xi32, #tpu.memory_space<vmem>>
      %dma_start3A_856 = arith.constant 0 : i32
      %dma_start3A_857 = arith.constant 0 : i32
      %dma_start3A_858 = tpu.memref_slice %arg4[%dma_start3A_856, %dma_start3A_857] : memref<425984x32xf32, #tpu.memory_space<hbm>> -> memref<425984x32xf32, #tpu.memory_space<hbm>>
      tpu.enqueue_indirect_dma source(%dma_start3A_852 : memref<128x32xf32, #tpu.memory_space<vmem>>) target(%dma_start3A_858 : memref<425984x32xf32, #tpu.memory_space<hbm>>) offsets(%dma_start3A_855 : memref<128xi32, #tpu.memory_space<vmem>>) semaphore(%arg9 : memref<!tpu.dma_semaphore, #tpu.memory_space<semaphore_mem>>)
      %dma_start3A_859 = arith.constant 6 : i32
      %dma_start3A_860 = arith.constant 768 : i32
      %dma_start3A_861 = arith.constant 0 : i32
      %dma_start3A_862 = tpu.memref_slice %arg7[%dma_start3A_860, %dma_start3A_861] : memref<3328x32xf32, #tpu.memory_space<vmem>> -> memref<128x32xf32, #tpu.memory_space<vmem>>
      %dma_start3A_863 = arith.constant 0 : i32
      %dma_start3A_864 = tpu.memref_slice %arg6[%dma_start3A_859, %dma_start3A_863] : memref<26x128xi32, #tpu.memory_space<vmem>> -> memref<1x128xi32, #tpu.memory_space<vmem>>
      %dma_start3A_865 = tpu.memref_squeeze %dma_start3A_864 : memref<1x128xi32, #tpu.memory_space<vmem>> -> memref<128xi32, #tpu.memory_space<vmem>>
      %dma_start3A_866 = arith.constant 0 : i32
      %dma_start3A_867 = arith.constant 0 : i32
      %dma_start3A_868 = tpu.memref_slice %arg4[%dma_start3A_866, %dma_start3A_867] : memref<425984x32xf32, #tpu.memory_space<hbm>> -> memref<425984x32xf32, #tpu.memory_space<hbm>>
      tpu.enqueue_indirect_dma source(%dma_start3A_862 : memref<128x32xf32, #tpu.memory_space<vmem>>) target(%dma_start3A_868 : memref<425984x32xf32, #tpu.memory_space<hbm>>) offsets(%dma_start3A_865 : memref<128xi32, #tpu.memory_space<vmem>>) semaphore(%arg9 : memref<!tpu.dma_semaphore, #tpu.memory_space<semaphore_mem>>)
      %dma_start3A_869 = arith.constant 7 : i32
      %dma_start3A_870 = arith.constant 896 : i32
      %dma_start3A_871 = arith.constant 0 : i32
      %dma_start3A_872 = tpu.memref_slice %arg7[%dma_start3A_870, %dma_start3A_871] : memref<3328x32xf32, #tpu.memory_space<vmem>> -> memref<128x32xf32, #tpu.memory_space<vmem>>
      %dma_start3A_873 = arith.constant 0 : i32
      %dma_start3A_874 = tpu.memref_slice %arg6[%dma_start3A_869, %dma_start3A_873] : memref<26x128xi32, #tpu.memory_space<vmem>> -> memref<1x128xi32, #tpu.memory_space<vmem>>
      %dma_start3A_875 = tpu.memref_squeeze %dma_start3A_874 : memref<1x128xi32, #tpu.memory_space<vmem>> -> memref<128xi32, #tpu.memory_space<vmem>>
      %dma_start3A_876 = arith.constant 0 : i32
      %dma_start3A_877 = arith.constant 0 : i32
      %dma_start3A_878 = tpu.memref_slice %arg4[%dma_start3A_876, %dma_start3A_877] : memref<425984x32xf32, #tpu.memory_space<hbm>> -> memref<425984x32xf32, #tpu.memory_space<hbm>>
      tpu.enqueue_indirect_dma source(%dma_start3A_872 : memref<128x32xf32, #tpu.memory_space<vmem>>) target(%dma_start3A_878 : memref<425984x32xf32, #tpu.memory_space<hbm>>) offsets(%dma_start3A_875 : memref<128xi32, #tpu.memory_space<vmem>>) semaphore(%arg9 : memref<!tpu.dma_semaphore, #tpu.memory_space<semaphore_mem>>)
      %dma_start3A_879 = arith.constant 8 : i32
      %dma_start3A_880 = arith.constant 1024 : i32
      %dma_start3A_881 = arith.constant 0 : i32
      %dma_start3A_882 = tpu.memref_slice %arg7[%dma_start3A_880, %dma_start3A_881] : memref<3328x32xf32, #tpu.memory_space<vmem>> -> memref<128x32xf32, #tpu.memory_space<vmem>>
      %dma_start3A_883 = arith.constant 0 : i32
      %dma_start3A_884 = tpu.memref_slice %arg6[%dma_start3A_879, %dma_start3A_883] : memref<26x128xi32, #tpu.memory_space<vmem>> -> memref<1x128xi32, #tpu.memory_space<vmem>>
      %dma_start3A_885 = tpu.memref_squeeze %dma_start3A_884 : memref<1x128xi32, #tpu.memory_space<vmem>> -> memref<128xi32, #tpu.memory_space<vmem>>
      %dma_start3A_886 = arith.constant 0 : i32
      %dma_start3A_887 = arith.constant 0 : i32
      %dma_start3A_888 = tpu.memref_slice %arg4[%dma_start3A_886, %dma_start3A_887] : memref<425984x32xf32, #tpu.memory_space<hbm>> -> memref<425984x32xf32, #tpu.memory_space<hbm>>
      tpu.enqueue_indirect_dma source(%dma_start3A_882 : memref<128x32xf32, #tpu.memory_space<vmem>>) target(%dma_start3A_888 : memref<425984x32xf32, #tpu.memory_space<hbm>>) offsets(%dma_start3A_885 : memref<128xi32, #tpu.memory_space<vmem>>) semaphore(%arg9 : memref<!tpu.dma_semaphore, #tpu.memory_space<semaphore_mem>>)
      %dma_start3A_889 = arith.constant 9 : i32
      %dma_start3A_890 = arith.constant 1152 : i32
      %dma_start3A_891 = arith.constant 0 : i32
      %dma_start3A_892 = tpu.memref_slice %arg7[%dma_start3A_890, %dma_start3A_891] : memref<3328x32xf32, #tpu.memory_space<vmem>> -> memref<128x32xf32, #tpu.memory_space<vmem>>
      %dma_start3A_893 = arith.constant 0 : i32
      %dma_start3A_894 = tpu.memref_slice %arg6[%dma_start3A_889, %dma_start3A_893] : memref<26x128xi32, #tpu.memory_space<vmem>> -> memref<1x128xi32, #tpu.memory_space<vmem>>
      %dma_start3A_895 = tpu.memref_squeeze %dma_start3A_894 : memref<1x128xi32, #tpu.memory_space<vmem>> -> memref<128xi32, #tpu.memory_space<vmem>>
      %dma_start3A_896 = arith.constant 0 : i32
      %dma_start3A_897 = arith.constant 0 : i32
      %dma_start3A_898 = tpu.memref_slice %arg4[%dma_start3A_896, %dma_start3A_897] : memref<425984x32xf32, #tpu.memory_space<hbm>> -> memref<425984x32xf32, #tpu.memory_space<hbm>>
      tpu.enqueue_indirect_dma source(%dma_start3A_892 : memref<128x32xf32, #tpu.memory_space<vmem>>) target(%dma_start3A_898 : memref<425984x32xf32, #tpu.memory_space<hbm>>) offsets(%dma_start3A_895 : memref<128xi32, #tpu.memory_space<vmem>>) semaphore(%arg9 : memref<!tpu.dma_semaphore, #tpu.memory_space<semaphore_mem>>)
      %dma_start3A_899 = arith.constant 10 : i32
      %dma_start3A_900 = arith.constant 1280 : i32
      %dma_start3A_901 = arith.constant 0 : i32
      %dma_start3A_902 = tpu.memref_slice %arg7[%dma_start3A_900, %dma_start3A_901] : memref<3328x32xf32, #tpu.memory_space<vmem>> -> memref<128x32xf32, #tpu.memory_space<vmem>>
      %dma_start3A_903 = arith.constant 0 : i32
      %dma_start3A_904 = tpu.memref_slice %arg6[%dma_start3A_899, %dma_start3A_903] : memref<26x128xi32, #tpu.memory_space<vmem>> -> memref<1x128xi32, #tpu.memory_space<vmem>>
      %dma_start3A_905 = tpu.memref_squeeze %dma_start3A_904 : memref<1x128xi32, #tpu.memory_space<vmem>> -> memref<128xi32, #tpu.memory_space<vmem>>
      %dma_start3A_906 = arith.constant 0 : i32
      %dma_start3A_907 = arith.constant 0 : i32
      %dma_start3A_908 = tpu.memref_slice %arg4[%dma_start3A_906, %dma_start3A_907] : memref<425984x32xf32, #tpu.memory_space<hbm>> -> memref<425984x32xf32, #tpu.memory_space<hbm>>
      tpu.enqueue_indirect_dma source(%dma_start3A_902 : memref<128x32xf32, #tpu.memory_space<vmem>>) target(%dma_start3A_908 : memref<425984x32xf32, #tpu.memory_space<hbm>>) offsets(%dma_start3A_905 : memref<128xi32, #tpu.memory_space<vmem>>) semaphore(%arg9 : memref<!tpu.dma_semaphore, #tpu.memory_space<semaphore_mem>>)
      %dma_start3A_909 = arith.constant 11 : i32
      %dma_start3A_910 = arith.constant 1408 : i32
      %dma_start3A_911 = arith.constant 0 : i32
      %dma_start3A_912 = tpu.memref_slice %arg7[%dma_start3A_910, %dma_start3A_911] : memref<3328x32xf32, #tpu.memory_space<vmem>> -> memref<128x32xf32, #tpu.memory_space<vmem>>
      %dma_start3A_913 = arith.constant 0 : i32
      %dma_start3A_914 = tpu.memref_slice %arg6[%dma_start3A_909, %dma_start3A_913] : memref<26x128xi32, #tpu.memory_space<vmem>> -> memref<1x128xi32, #tpu.memory_space<vmem>>
      %dma_start3A_915 = tpu.memref_squeeze %dma_start3A_914 : memref<1x128xi32, #tpu.memory_space<vmem>> -> memref<128xi32, #tpu.memory_space<vmem>>
      %dma_start3A_916 = arith.constant 0 : i32
      %dma_start3A_917 = arith.constant 0 : i32
      %dma_start3A_918 = tpu.memref_slice %arg4[%dma_start3A_916, %dma_start3A_917] : memref<425984x32xf32, #tpu.memory_space<hbm>> -> memref<425984x32xf32, #tpu.memory_space<hbm>>
      tpu.enqueue_indirect_dma source(%dma_start3A_912 : memref<128x32xf32, #tpu.memory_space<vmem>>) target(%dma_start3A_918 : memref<425984x32xf32, #tpu.memory_space<hbm>>) offsets(%dma_start3A_915 : memref<128xi32, #tpu.memory_space<vmem>>) semaphore(%arg9 : memref<!tpu.dma_semaphore, #tpu.memory_space<semaphore_mem>>)
      %dma_start3A_919 = arith.constant 12 : i32
      %dma_start3A_920 = arith.constant 1536 : i32
      %dma_start3A_921 = arith.constant 0 : i32
      %dma_start3A_922 = tpu.memref_slice %arg7[%dma_start3A_920, %dma_start3A_921] : memref<3328x32xf32, #tpu.memory_space<vmem>> -> memref<128x32xf32, #tpu.memory_space<vmem>>
      %dma_start3A_923 = arith.constant 0 : i32
      %dma_start3A_924 = tpu.memref_slice %arg6[%dma_start3A_919, %dma_start3A_923] : memref<26x128xi32, #tpu.memory_space<vmem>> -> memref<1x128xi32, #tpu.memory_space<vmem>>
      %dma_start3A_925 = tpu.memref_squeeze %dma_start3A_924 : memref<1x128xi32, #tpu.memory_space<vmem>> -> memref<128xi32, #tpu.memory_space<vmem>>
      %dma_start3A_926 = arith.constant 0 : i32
      %dma_start3A_927 = arith.constant 0 : i32
      %dma_start3A_928 = tpu.memref_slice %arg4[%dma_start3A_926, %dma_start3A_927] : memref<425984x32xf32, #tpu.memory_space<hbm>> -> memref<425984x32xf32, #tpu.memory_space<hbm>>
      tpu.enqueue_indirect_dma source(%dma_start3A_922 : memref<128x32xf32, #tpu.memory_space<vmem>>) target(%dma_start3A_928 : memref<425984x32xf32, #tpu.memory_space<hbm>>) offsets(%dma_start3A_925 : memref<128xi32, #tpu.memory_space<vmem>>) semaphore(%arg9 : memref<!tpu.dma_semaphore, #tpu.memory_space<semaphore_mem>>)
      %dma_start3A_929 = arith.constant 13 : i32
      %dma_start3A_930 = arith.constant 1664 : i32
      %dma_start3A_931 = arith.constant 0 : i32
      %dma_start3A_932 = tpu.memref_slice %arg7[%dma_start3A_930, %dma_start3A_931] : memref<3328x32xf32, #tpu.memory_space<vmem>> -> memref<128x32xf32, #tpu.memory_space<vmem>>
      %dma_start3A_933 = arith.constant 0 : i32
      %dma_start3A_934 = tpu.memref_slice %arg6[%dma_start3A_929, %dma_start3A_933] : memref<26x128xi32, #tpu.memory_space<vmem>> -> memref<1x128xi32, #tpu.memory_space<vmem>>
      %dma_start3A_935 = tpu.memref_squeeze %dma_start3A_934 : memref<1x128xi32, #tpu.memory_space<vmem>> -> memref<128xi32, #tpu.memory_space<vmem>>
      %dma_start3A_936 = arith.constant 0 : i32
      %dma_start3A_937 = arith.constant 0 : i32
      %dma_start3A_938 = tpu.memref_slice %arg4[%dma_start3A_936, %dma_start3A_937] : memref<425984x32xf32, #tpu.memory_space<hbm>> -> memref<425984x32xf32, #tpu.memory_space<hbm>>
      tpu.enqueue_indirect_dma source(%dma_start3A_932 : memref<128x32xf32, #tpu.memory_space<vmem>>) target(%dma_start3A_938 : memref<425984x32xf32, #tpu.memory_space<hbm>>) offsets(%dma_start3A_935 : memref<128xi32, #tpu.memory_space<vmem>>) semaphore(%arg9 : memref<!tpu.dma_semaphore, #tpu.memory_space<semaphore_mem>>)
      %dma_start3A_939 = arith.constant 14 : i32
      %dma_start3A_940 = arith.constant 1792 : i32
      %dma_start3A_941 = arith.constant 0 : i32
      %dma_start3A_942 = tpu.memref_slice %arg7[%dma_start3A_940, %dma_start3A_941] : memref<3328x32xf32, #tpu.memory_space<vmem>> -> memref<128x32xf32, #tpu.memory_space<vmem>>
      %dma_start3A_943 = arith.constant 0 : i32
      %dma_start3A_944 = tpu.memref_slice %arg6[%dma_start3A_939, %dma_start3A_943] : memref<26x128xi32, #tpu.memory_space<vmem>> -> memref<1x128xi32, #tpu.memory_space<vmem>>
      %dma_start3A_945 = tpu.memref_squeeze %dma_start3A_944 : memref<1x128xi32, #tpu.memory_space<vmem>> -> memref<128xi32, #tpu.memory_space<vmem>>
      %dma_start3A_946 = arith.constant 0 : i32
      %dma_start3A_947 = arith.constant 0 : i32
      %dma_start3A_948 = tpu.memref_slice %arg4[%dma_start3A_946, %dma_start3A_947] : memref<425984x32xf32, #tpu.memory_space<hbm>> -> memref<425984x32xf32, #tpu.memory_space<hbm>>
      tpu.enqueue_indirect_dma source(%dma_start3A_942 : memref<128x32xf32, #tpu.memory_space<vmem>>) target(%dma_start3A_948 : memref<425984x32xf32, #tpu.memory_space<hbm>>) offsets(%dma_start3A_945 : memref<128xi32, #tpu.memory_space<vmem>>) semaphore(%arg9 : memref<!tpu.dma_semaphore, #tpu.memory_space<semaphore_mem>>)
      %dma_start3A_949 = arith.constant 15 : i32
      %dma_start3A_950 = arith.constant 1920 : i32
      %dma_start3A_951 = arith.constant 0 : i32
      %dma_start3A_952 = tpu.memref_slice %arg7[%dma_start3A_950, %dma_start3A_951] : memref<3328x32xf32, #tpu.memory_space<vmem>> -> memref<128x32xf32, #tpu.memory_space<vmem>>
      %dma_start3A_953 = arith.constant 0 : i32
      %dma_start3A_954 = tpu.memref_slice %arg6[%dma_start3A_949, %dma_start3A_953] : memref<26x128xi32, #tpu.memory_space<vmem>> -> memref<1x128xi32, #tpu.memory_space<vmem>>
      %dma_start3A_955 = tpu.memref_squeeze %dma_start3A_954 : memref<1x128xi32, #tpu.memory_space<vmem>> -> memref<128xi32, #tpu.memory_space<vmem>>
      %dma_start3A_956 = arith.constant 0 : i32
      %dma_start3A_957 = arith.constant 0 : i32
      %dma_start3A_958 = tpu.memref_slice %arg4[%dma_start3A_956, %dma_start3A_957] : memref<425984x32xf32, #tpu.memory_space<hbm>> -> memref<425984x32xf32, #tpu.memory_space<hbm>>
      tpu.enqueue_indirect_dma source(%dma_start3A_952 : memref<128x32xf32, #tpu.memory_space<vmem>>) target(%dma_start3A_958 : memref<425984x32xf32, #tpu.memory_space<hbm>>) offsets(%dma_start3A_955 : memref<128xi32, #tpu.memory_space<vmem>>) semaphore(%arg9 : memref<!tpu.dma_semaphore, #tpu.memory_space<semaphore_mem>>)
      %dma_start3A_959 = arith.constant 16 : i32
      %dma_start3A_960 = arith.constant 2048 : i32
      %dma_start3A_961 = arith.constant 0 : i32
      %dma_start3A_962 = tpu.memref_slice %arg7[%dma_start3A_960, %dma_start3A_961] : memref<3328x32xf32, #tpu.memory_space<vmem>> -> memref<128x32xf32, #tpu.memory_space<vmem>>
      %dma_start3A_963 = arith.constant 0 : i32
      %dma_start3A_964 = tpu.memref_slice %arg6[%dma_start3A_959, %dma_start3A_963] : memref<26x128xi32, #tpu.memory_space<vmem>> -> memref<1x128xi32, #tpu.memory_space<vmem>>
      %dma_start3A_965 = tpu.memref_squeeze %dma_start3A_964 : memref<1x128xi32, #tpu.memory_space<vmem>> -> memref<128xi32, #tpu.memory_space<vmem>>
      %dma_start3A_966 = arith.constant 0 : i32
      %dma_start3A_967 = arith.constant 0 : i32
      %dma_start3A_968 = tpu.memref_slice %arg4[%dma_start3A_966, %dma_start3A_967] : memref<425984x32xf32, #tpu.memory_space<hbm>> -> memref<425984x32xf32, #tpu.memory_space<hbm>>
      tpu.enqueue_indirect_dma source(%dma_start3A_962 : memref<128x32xf32, #tpu.memory_space<vmem>>) target(%dma_start3A_968 : memref<425984x32xf32, #tpu.memory_space<hbm>>) offsets(%dma_start3A_965 : memref<128xi32, #tpu.memory_space<vmem>>) semaphore(%arg9 : memref<!tpu.dma_semaphore, #tpu.memory_space<semaphore_mem>>)
      %dma_start3A_969 = arith.constant 17 : i32
      %dma_start3A_970 = arith.constant 2176 : i32
      %dma_start3A_971 = arith.constant 0 : i32
      %dma_start3A_972 = tpu.memref_slice %arg7[%dma_start3A_970, %dma_start3A_971] : memref<3328x32xf32, #tpu.memory_space<vmem>> -> memref<128x32xf32, #tpu.memory_space<vmem>>
      %dma_start3A_973 = arith.constant 0 : i32
      %dma_start3A_974 = tpu.memref_slice %arg6[%dma_start3A_969, %dma_start3A_973] : memref<26x128xi32, #tpu.memory_space<vmem>> -> memref<1x128xi32, #tpu.memory_space<vmem>>
      %dma_start3A_975 = tpu.memref_squeeze %dma_start3A_974 : memref<1x128xi32, #tpu.memory_space<vmem>> -> memref<128xi32, #tpu.memory_space<vmem>>
      %dma_start3A_976 = arith.constant 0 : i32
      %dma_start3A_977 = arith.constant 0 : i32
      %dma_start3A_978 = tpu.memref_slice %arg4[%dma_start3A_976, %dma_start3A_977] : memref<425984x32xf32, #tpu.memory_space<hbm>> -> memref<425984x32xf32, #tpu.memory_space<hbm>>
      tpu.enqueue_indirect_dma source(%dma_start3A_972 : memref<128x32xf32, #tpu.memory_space<vmem>>) target(%dma_start3A_978 : memref<425984x32xf32, #tpu.memory_space<hbm>>) offsets(%dma_start3A_975 : memref<128xi32, #tpu.memory_space<vmem>>) semaphore(%arg9 : memref<!tpu.dma_semaphore, #tpu.memory_space<semaphore_mem>>)
      %dma_start3A_979 = arith.constant 18 : i32
      %dma_start3A_980 = arith.constant 2304 : i32
      %dma_start3A_981 = arith.constant 0 : i32
      %dma_start3A_982 = tpu.memref_slice %arg7[%dma_start3A_980, %dma_start3A_981] : memref<3328x32xf32, #tpu.memory_space<vmem>> -> memref<128x32xf32, #tpu.memory_space<vmem>>
      %dma_start3A_983 = arith.constant 0 : i32
      %dma_start3A_984 = tpu.memref_slice %arg6[%dma_start3A_979, %dma_start3A_983] : memref<26x128xi32, #tpu.memory_space<vmem>> -> memref<1x128xi32, #tpu.memory_space<vmem>>
      %dma_start3A_985 = tpu.memref_squeeze %dma_start3A_984 : memref<1x128xi32, #tpu.memory_space<vmem>> -> memref<128xi32, #tpu.memory_space<vmem>>
      %dma_start3A_986 = arith.constant 0 : i32
      %dma_start3A_987 = arith.constant 0 : i32
      %dma_start3A_988 = tpu.memref_slice %arg4[%dma_start3A_986, %dma_start3A_987] : memref<425984x32xf32, #tpu.memory_space<hbm>> -> memref<425984x32xf32, #tpu.memory_space<hbm>>
      tpu.enqueue_indirect_dma source(%dma_start3A_982 : memref<128x32xf32, #tpu.memory_space<vmem>>) target(%dma_start3A_988 : memref<425984x32xf32, #tpu.memory_space<hbm>>) offsets(%dma_start3A_985 : memref<128xi32, #tpu.memory_space<vmem>>) semaphore(%arg9 : memref<!tpu.dma_semaphore, #tpu.memory_space<semaphore_mem>>)
      %dma_start3A_989 = arith.constant 19 : i32
      %dma_start3A_990 = arith.constant 2432 : i32
      %dma_start3A_991 = arith.constant 0 : i32
      %dma_start3A_992 = tpu.memref_slice %arg7[%dma_start3A_990, %dma_start3A_991] : memref<3328x32xf32, #tpu.memory_space<vmem>> -> memref<128x32xf32, #tpu.memory_space<vmem>>
      %dma_start3A_993 = arith.constant 0 : i32
      %dma_start3A_994 = tpu.memref_slice %arg6[%dma_start3A_989, %dma_start3A_993] : memref<26x128xi32, #tpu.memory_space<vmem>> -> memref<1x128xi32, #tpu.memory_space<vmem>>
      %dma_start3A_995 = tpu.memref_squeeze %dma_start3A_994 : memref<1x128xi32, #tpu.memory_space<vmem>> -> memref<128xi32, #tpu.memory_space<vmem>>
      %dma_start3A_996 = arith.constant 0 : i32
      %dma_start3A_997 = arith.constant 0 : i32
      %dma_start3A_998 = tpu.memref_slice %arg4[%dma_start3A_996, %dma_start3A_997] : memref<425984x32xf32, #tpu.memory_space<hbm>> -> memref<425984x32xf32, #tpu.memory_space<hbm>>
      tpu.enqueue_indirect_dma source(%dma_start3A_992 : memref<128x32xf32, #tpu.memory_space<vmem>>) target(%dma_start3A_998 : memref<425984x32xf32, #tpu.memory_space<hbm>>) offsets(%dma_start3A_995 : memref<128xi32, #tpu.memory_space<vmem>>) semaphore(%arg9 : memref<!tpu.dma_semaphore, #tpu.memory_space<semaphore_mem>>)
      %dma_start3A_999 = arith.constant 20 : i32
      %dma_start3A_1000 = arith.constant 2560 : i32
      %dma_start3A_1001 = arith.constant 0 : i32
      %dma_start3A_1002 = tpu.memref_slice %arg7[%dma_start3A_1000, %dma_start3A_1001] : memref<3328x32xf32, #tpu.memory_space<vmem>> -> memref<128x32xf32, #tpu.memory_space<vmem>>
      %dma_start3A_1003 = arith.constant 0 : i32
      %dma_start3A_1004 = tpu.memref_slice %arg6[%dma_start3A_999, %dma_start3A_1003] : memref<26x128xi32, #tpu.memory_space<vmem>> -> memref<1x128xi32, #tpu.memory_space<vmem>>
      %dma_start3A_1005 = tpu.memref_squeeze %dma_start3A_1004 : memref<1x128xi32, #tpu.memory_space<vmem>> -> memref<128xi32, #tpu.memory_space<vmem>>
      %dma_start3A_1006 = arith.constant 0 : i32
      %dma_start3A_1007 = arith.constant 0 : i32
      %dma_start3A_1008 = tpu.memref_slice %arg4[%dma_start3A_1006, %dma_start3A_1007] : memref<425984x32xf32, #tpu.memory_space<hbm>> -> memref<425984x32xf32, #tpu.memory_space<hbm>>
      tpu.enqueue_indirect_dma source(%dma_start3A_1002 : memref<128x32xf32, #tpu.memory_space<vmem>>) target(%dma_start3A_1008 : memref<425984x32xf32, #tpu.memory_space<hbm>>) offsets(%dma_start3A_1005 : memref<128xi32, #tpu.memory_space<vmem>>) semaphore(%arg9 : memref<!tpu.dma_semaphore, #tpu.memory_space<semaphore_mem>>)
      %dma_start3A_1009 = arith.constant 21 : i32
      %dma_start3A_1010 = arith.constant 2688 : i32
      %dma_start3A_1011 = arith.constant 0 : i32
      %dma_start3A_1012 = tpu.memref_slice %arg7[%dma_start3A_1010, %dma_start3A_1011] : memref<3328x32xf32, #tpu.memory_space<vmem>> -> memref<128x32xf32, #tpu.memory_space<vmem>>
      %dma_start3A_1013 = arith.constant 0 : i32
      %dma_start3A_1014 = tpu.memref_slice %arg6[%dma_start3A_1009, %dma_start3A_1013] : memref<26x128xi32, #tpu.memory_space<vmem>> -> memref<1x128xi32, #tpu.memory_space<vmem>>
      %dma_start3A_1015 = tpu.memref_squeeze %dma_start3A_1014 : memref<1x128xi32, #tpu.memory_space<vmem>> -> memref<128xi32, #tpu.memory_space<vmem>>
      %dma_start3A_1016 = arith.constant 0 : i32
      %dma_start3A_1017 = arith.constant 0 : i32
      %dma_start3A_1018 = tpu.memref_slice %arg4[%dma_start3A_1016, %dma_start3A_1017] : memref<425984x32xf32, #tpu.memory_space<hbm>> -> memref<425984x32xf32, #tpu.memory_space<hbm>>
      tpu.enqueue_indirect_dma source(%dma_start3A_1012 : memref<128x32xf32, #tpu.memory_space<vmem>>) target(%dma_start3A_1018 : memref<425984x32xf32, #tpu.memory_space<hbm>>) offsets(%dma_start3A_1015 : memref<128xi32, #tpu.memory_space<vmem>>) semaphore(%arg9 : memref<!tpu.dma_semaphore, #tpu.memory_space<semaphore_mem>>)
      %dma_start3A_1019 = arith.constant 22 : i32
      %dma_start3A_1020 = arith.constant 2816 : i32
      %dma_start3A_1021 = arith.constant 0 : i32
      %dma_start3A_1022 = tpu.memref_slice %arg7[%dma_start3A_1020, %dma_start3A_1021] : memref<3328x32xf32, #tpu.memory_space<vmem>> -> memref<128x32xf32, #tpu.memory_space<vmem>>
      %dma_start3A_1023 = arith.constant 0 : i32
      %dma_start3A_1024 = tpu.memref_slice %arg6[%dma_start3A_1019, %dma_start3A_1023] : memref<26x128xi32, #tpu.memory_space<vmem>> -> memref<1x128xi32, #tpu.memory_space<vmem>>
      %dma_start3A_1025 = tpu.memref_squeeze %dma_start3A_1024 : memref<1x128xi32, #tpu.memory_space<vmem>> -> memref<128xi32, #tpu.memory_space<vmem>>
      %dma_start3A_1026 = arith.constant 0 : i32
      %dma_start3A_1027 = arith.constant 0 : i32
      %dma_start3A_1028 = tpu.memref_slice %arg4[%dma_start3A_1026, %dma_start3A_1027] : memref<425984x32xf32, #tpu.memory_space<hbm>> -> memref<425984x32xf32, #tpu.memory_space<hbm>>
      tpu.enqueue_indirect_dma source(%dma_start3A_1022 : memref<128x32xf32, #tpu.memory_space<vmem>>) target(%dma_start3A_1028 : memref<425984x32xf32, #tpu.memory_space<hbm>>) offsets(%dma_start3A_1025 : memref<128xi32, #tpu.memory_space<vmem>>) semaphore(%arg9 : memref<!tpu.dma_semaphore, #tpu.memory_space<semaphore_mem>>)
      %dma_start3A_1029 = arith.constant 23 : i32
      %dma_start3A_1030 = arith.constant 2944 : i32
      %dma_start3A_1031 = arith.constant 0 : i32
      %dma_start3A_1032 = tpu.memref_slice %arg7[%dma_start3A_1030, %dma_start3A_1031] : memref<3328x32xf32, #tpu.memory_space<vmem>> -> memref<128x32xf32, #tpu.memory_space<vmem>>
      %dma_start3A_1033 = arith.constant 0 : i32
      %dma_start3A_1034 = tpu.memref_slice %arg6[%dma_start3A_1029, %dma_start3A_1033] : memref<26x128xi32, #tpu.memory_space<vmem>> -> memref<1x128xi32, #tpu.memory_space<vmem>>
      %dma_start3A_1035 = tpu.memref_squeeze %dma_start3A_1034 : memref<1x128xi32, #tpu.memory_space<vmem>> -> memref<128xi32, #tpu.memory_space<vmem>>
      %dma_start3A_1036 = arith.constant 0 : i32
      %dma_start3A_1037 = arith.constant 0 : i32
      %dma_start3A_1038 = tpu.memref_slice %arg4[%dma_start3A_1036, %dma_start3A_1037] : memref<425984x32xf32, #tpu.memory_space<hbm>> -> memref<425984x32xf32, #tpu.memory_space<hbm>>
      tpu.enqueue_indirect_dma source(%dma_start3A_1032 : memref<128x32xf32, #tpu.memory_space<vmem>>) target(%dma_start3A_1038 : memref<425984x32xf32, #tpu.memory_space<hbm>>) offsets(%dma_start3A_1035 : memref<128xi32, #tpu.memory_space<vmem>>) semaphore(%arg9 : memref<!tpu.dma_semaphore, #tpu.memory_space<semaphore_mem>>)
      %dma_start3A_1039 = arith.constant 24 : i32
      %dma_start3A_1040 = arith.constant 3072 : i32
      %dma_start3A_1041 = arith.constant 0 : i32
      %dma_start3A_1042 = tpu.memref_slice %arg7[%dma_start3A_1040, %dma_start3A_1041] : memref<3328x32xf32, #tpu.memory_space<vmem>> -> memref<128x32xf32, #tpu.memory_space<vmem>>
      %dma_start3A_1043 = arith.constant 0 : i32
      %dma_start3A_1044 = tpu.memref_slice %arg6[%dma_start3A_1039, %dma_start3A_1043] : memref<26x128xi32, #tpu.memory_space<vmem>> -> memref<1x128xi32, #tpu.memory_space<vmem>>
      %dma_start3A_1045 = tpu.memref_squeeze %dma_start3A_1044 : memref<1x128xi32, #tpu.memory_space<vmem>> -> memref<128xi32, #tpu.memory_space<vmem>>
      %dma_start3A_1046 = arith.constant 0 : i32
      %dma_start3A_1047 = arith.constant 0 : i32
      %dma_start3A_1048 = tpu.memref_slice %arg4[%dma_start3A_1046, %dma_start3A_1047] : memref<425984x32xf32, #tpu.memory_space<hbm>> -> memref<425984x32xf32, #tpu.memory_space<hbm>>
      tpu.enqueue_indirect_dma source(%dma_start3A_1042 : memref<128x32xf32, #tpu.memory_space<vmem>>) target(%dma_start3A_1048 : memref<425984x32xf32, #tpu.memory_space<hbm>>) offsets(%dma_start3A_1045 : memref<128xi32, #tpu.memory_space<vmem>>) semaphore(%arg9 : memref<!tpu.dma_semaphore, #tpu.memory_space<semaphore_mem>>)
      %dma_start3A_1049 = arith.constant 25 : i32
      %dma_start3A_1050 = arith.constant 3200 : i32
      %dma_start3A_1051 = arith.constant 0 : i32
      %dma_start3A_1052 = tpu.memref_slice %arg7[%dma_start3A_1050, %dma_start3A_1051] : memref<3328x32xf32, #tpu.memory_space<vmem>> -> memref<128x32xf32, #tpu.memory_space<vmem>>
      %dma_start3A_1053 = arith.constant 0 : i32
      %dma_start3A_1054 = tpu.memref_slice %arg6[%dma_start3A_1049, %dma_start3A_1053] : memref<26x128xi32, #tpu.memory_space<vmem>> -> memref<1x128xi32, #tpu.memory_space<vmem>>
      %dma_start3A_1055 = tpu.memref_squeeze %dma_start3A_1054 : memref<1x128xi32, #tpu.memory_space<vmem>> -> memref<128xi32, #tpu.memory_space<vmem>>
      %dma_start3A_1056 = arith.constant 0 : i32
      %dma_start3A_1057 = arith.constant 0 : i32
      %dma_start3A_1058 = tpu.memref_slice %arg4[%dma_start3A_1056, %dma_start3A_1057] : memref<425984x32xf32, #tpu.memory_space<hbm>> -> memref<425984x32xf32, #tpu.memory_space<hbm>>
      tpu.enqueue_indirect_dma source(%dma_start3A_1052 : memref<128x32xf32, #tpu.memory_space<vmem>>) target(%dma_start3A_1058 : memref<425984x32xf32, #tpu.memory_space<hbm>>) offsets(%dma_start3A_1055 : memref<128xi32, #tpu.memory_space<vmem>>) semaphore(%arg9 : memref<!tpu.dma_semaphore, #tpu.memory_space<semaphore_mem>>)
      %dma_wait3A_1059 = arith.constant 0 : i32
      %dma_wait3A_1060 = arith.constant 0 : i32
      %dma_wait3A_1061 = arith.constant 0 : i32
      %dma_wait3A_1062 = tpu.memref_slice %arg7[%dma_wait3A_1060, %dma_wait3A_1061] : memref<3328x32xf32, #tpu.memory_space<vmem>> -> memref<128x32xf32, #tpu.memory_space<vmem>>
      %dma_wait3A_1063 = arith.constant 0 : i32
      %dma_wait3A_1064 = tpu.memref_slice %arg6[%dma_wait3A_1059, %dma_wait3A_1063] : memref<26x128xi32, #tpu.memory_space<vmem>> -> memref<1x128xi32, #tpu.memory_space<vmem>>
      %dma_wait3A_1065 = tpu.memref_squeeze %dma_wait3A_1064 : memref<1x128xi32, #tpu.memory_space<vmem>> -> memref<128xi32, #tpu.memory_space<vmem>>
      %dma_wait3A_1066 = arith.constant 0 : i32
      %dma_wait3A_1067 = arith.constant 0 : i32
      %dma_wait3A_1068 = tpu.memref_slice %arg4[%dma_wait3A_1066, %dma_wait3A_1067] : memref<425984x32xf32, #tpu.memory_space<hbm>> -> memref<425984x32xf32, #tpu.memory_space<hbm>>
      tpu.wait_indirect_dma semaphore(%arg9 : memref<!tpu.dma_semaphore, #tpu.memory_space<semaphore_mem>>) src(%dma_wait3A_1062 : memref<128x32xf32, #tpu.memory_space<vmem>>) dst(%dma_wait3A_1068 : memref<425984x32xf32, #tpu.memory_space<hbm>>)
      %dma_wait3A_1069 = arith.constant 1 : i32
      %dma_wait3A_1070 = arith.constant 128 : i32
      %dma_wait3A_1071 = arith.constant 0 : i32
      %dma_wait3A_1072 = tpu.memref_slice %arg7[%dma_wait3A_1070, %dma_wait3A_1071] : memref<3328x32xf32, #tpu.memory_space<vmem>> -> memref<128x32xf32, #tpu.memory_space<vmem>>
      %dma_wait3A_1073 = arith.constant 0 : i32
      %dma_wait3A_1074 = tpu.memref_slice %arg6[%dma_wait3A_1069, %dma_wait3A_1073] : memref<26x128xi32, #tpu.memory_space<vmem>> -> memref<1x128xi32, #tpu.memory_space<vmem>>
      %dma_wait3A_1075 = tpu.memref_squeeze %dma_wait3A_1074 : memref<1x128xi32, #tpu.memory_space<vmem>> -> memref<128xi32, #tpu.memory_space<vmem>>
      %dma_wait3A_1076 = arith.constant 0 : i32
      %dma_wait3A_1077 = arith.constant 0 : i32
      %dma_wait3A_1078 = tpu.memref_slice %arg4[%dma_wait3A_1076, %dma_wait3A_1077] : memref<425984x32xf32, #tpu.memory_space<hbm>> -> memref<425984x32xf32, #tpu.memory_space<hbm>>
      tpu.wait_indirect_dma semaphore(%arg9 : memref<!tpu.dma_semaphore, #tpu.memory_space<semaphore_mem>>) src(%dma_wait3A_1072 : memref<128x32xf32, #tpu.memory_space<vmem>>) dst(%dma_wait3A_1078 : memref<425984x32xf32, #tpu.memory_space<hbm>>)
      %dma_wait3A_1079 = arith.constant 2 : i32
      %dma_wait3A_1080 = arith.constant 256 : i32
      %dma_wait3A_1081 = arith.constant 0 : i32
      %dma_wait3A_1082 = tpu.memref_slice %arg7[%dma_wait3A_1080, %dma_wait3A_1081] : memref<3328x32xf32, #tpu.memory_space<vmem>> -> memref<128x32xf32, #tpu.memory_space<vmem>>
      %dma_wait3A_1083 = arith.constant 0 : i32
      %dma_wait3A_1084 = tpu.memref_slice %arg6[%dma_wait3A_1079, %dma_wait3A_1083] : memref<26x128xi32, #tpu.memory_space<vmem>> -> memref<1x128xi32, #tpu.memory_space<vmem>>
      %dma_wait3A_1085 = tpu.memref_squeeze %dma_wait3A_1084 : memref<1x128xi32, #tpu.memory_space<vmem>> -> memref<128xi32, #tpu.memory_space<vmem>>
      %dma_wait3A_1086 = arith.constant 0 : i32
      %dma_wait3A_1087 = arith.constant 0 : i32
      %dma_wait3A_1088 = tpu.memref_slice %arg4[%dma_wait3A_1086, %dma_wait3A_1087] : memref<425984x32xf32, #tpu.memory_space<hbm>> -> memref<425984x32xf32, #tpu.memory_space<hbm>>
      tpu.wait_indirect_dma semaphore(%arg9 : memref<!tpu.dma_semaphore, #tpu.memory_space<semaphore_mem>>) src(%dma_wait3A_1082 : memref<128x32xf32, #tpu.memory_space<vmem>>) dst(%dma_wait3A_1088 : memref<425984x32xf32, #tpu.memory_space<hbm>>)
      %dma_wait3A_1089 = arith.constant 3 : i32
      %dma_wait3A_1090 = arith.constant 384 : i32
      %dma_wait3A_1091 = arith.constant 0 : i32
      %dma_wait3A_1092 = tpu.memref_slice %arg7[%dma_wait3A_1090, %dma_wait3A_1091] : memref<3328x32xf32, #tpu.memory_space<vmem>> -> memref<128x32xf32, #tpu.memory_space<vmem>>
      %dma_wait3A_1093 = arith.constant 0 : i32
      %dma_wait3A_1094 = tpu.memref_slice %arg6[%dma_wait3A_1089, %dma_wait3A_1093] : memref<26x128xi32, #tpu.memory_space<vmem>> -> memref<1x128xi32, #tpu.memory_space<vmem>>
      %dma_wait3A_1095 = tpu.memref_squeeze %dma_wait3A_1094 : memref<1x128xi32, #tpu.memory_space<vmem>> -> memref<128xi32, #tpu.memory_space<vmem>>
      %dma_wait3A_1096 = arith.constant 0 : i32
      %dma_wait3A_1097 = arith.constant 0 : i32
      %dma_wait3A_1098 = tpu.memref_slice %arg4[%dma_wait3A_1096, %dma_wait3A_1097] : memref<425984x32xf32, #tpu.memory_space<hbm>> -> memref<425984x32xf32, #tpu.memory_space<hbm>>
      tpu.wait_indirect_dma semaphore(%arg9 : memref<!tpu.dma_semaphore, #tpu.memory_space<semaphore_mem>>) src(%dma_wait3A_1092 : memref<128x32xf32, #tpu.memory_space<vmem>>) dst(%dma_wait3A_1098 : memref<425984x32xf32, #tpu.memory_space<hbm>>)
      %dma_wait3A_1099 = arith.constant 4 : i32
      %dma_wait3A_1100 = arith.constant 512 : i32
      %dma_wait3A_1101 = arith.constant 0 : i32
      %dma_wait3A_1102 = tpu.memref_slice %arg7[%dma_wait3A_1100, %dma_wait3A_1101] : memref<3328x32xf32, #tpu.memory_space<vmem>> -> memref<128x32xf32, #tpu.memory_space<vmem>>
      %dma_wait3A_1103 = arith.constant 0 : i32
      %dma_wait3A_1104 = tpu.memref_slice %arg6[%dma_wait3A_1099, %dma_wait3A_1103] : memref<26x128xi32, #tpu.memory_space<vmem>> -> memref<1x128xi32, #tpu.memory_space<vmem>>
      %dma_wait3A_1105 = tpu.memref_squeeze %dma_wait3A_1104 : memref<1x128xi32, #tpu.memory_space<vmem>> -> memref<128xi32, #tpu.memory_space<vmem>>
      %dma_wait3A_1106 = arith.constant 0 : i32
      %dma_wait3A_1107 = arith.constant 0 : i32
      %dma_wait3A_1108 = tpu.memref_slice %arg4[%dma_wait3A_1106, %dma_wait3A_1107] : memref<425984x32xf32, #tpu.memory_space<hbm>> -> memref<425984x32xf32, #tpu.memory_space<hbm>>
      tpu.wait_indirect_dma semaphore(%arg9 : memref<!tpu.dma_semaphore, #tpu.memory_space<semaphore_mem>>) src(%dma_wait3A_1102 : memref<128x32xf32, #tpu.memory_space<vmem>>) dst(%dma_wait3A_1108 : memref<425984x32xf32, #tpu.memory_space<hbm>>)
      %dma_wait3A_1109 = arith.constant 5 : i32
      %dma_wait3A_1110 = arith.constant 640 : i32
      %dma_wait3A_1111 = arith.constant 0 : i32
      %dma_wait3A_1112 = tpu.memref_slice %arg7[%dma_wait3A_1110, %dma_wait3A_1111] : memref<3328x32xf32, #tpu.memory_space<vmem>> -> memref<128x32xf32, #tpu.memory_space<vmem>>
      %dma_wait3A_1113 = arith.constant 0 : i32
      %dma_wait3A_1114 = tpu.memref_slice %arg6[%dma_wait3A_1109, %dma_wait3A_1113] : memref<26x128xi32, #tpu.memory_space<vmem>> -> memref<1x128xi32, #tpu.memory_space<vmem>>
      %dma_wait3A_1115 = tpu.memref_squeeze %dma_wait3A_1114 : memref<1x128xi32, #tpu.memory_space<vmem>> -> memref<128xi32, #tpu.memory_space<vmem>>
      %dma_wait3A_1116 = arith.constant 0 : i32
      %dma_wait3A_1117 = arith.constant 0 : i32
      %dma_wait3A_1118 = tpu.memref_slice %arg4[%dma_wait3A_1116, %dma_wait3A_1117] : memref<425984x32xf32, #tpu.memory_space<hbm>> -> memref<425984x32xf32, #tpu.memory_space<hbm>>
      tpu.wait_indirect_dma semaphore(%arg9 : memref<!tpu.dma_semaphore, #tpu.memory_space<semaphore_mem>>) src(%dma_wait3A_1112 : memref<128x32xf32, #tpu.memory_space<vmem>>) dst(%dma_wait3A_1118 : memref<425984x32xf32, #tpu.memory_space<hbm>>)
      %dma_wait3A_1119 = arith.constant 6 : i32
      %dma_wait3A_1120 = arith.constant 768 : i32
      %dma_wait3A_1121 = arith.constant 0 : i32
      %dma_wait3A_1122 = tpu.memref_slice %arg7[%dma_wait3A_1120, %dma_wait3A_1121] : memref<3328x32xf32, #tpu.memory_space<vmem>> -> memref<128x32xf32, #tpu.memory_space<vmem>>
      %dma_wait3A_1123 = arith.constant 0 : i32
      %dma_wait3A_1124 = tpu.memref_slice %arg6[%dma_wait3A_1119, %dma_wait3A_1123] : memref<26x128xi32, #tpu.memory_space<vmem>> -> memref<1x128xi32, #tpu.memory_space<vmem>>
      %dma_wait3A_1125 = tpu.memref_squeeze %dma_wait3A_1124 : memref<1x128xi32, #tpu.memory_space<vmem>> -> memref<128xi32, #tpu.memory_space<vmem>>
      %dma_wait3A_1126 = arith.constant 0 : i32
      %dma_wait3A_1127 = arith.constant 0 : i32
      %dma_wait3A_1128 = tpu.memref_slice %arg4[%dma_wait3A_1126, %dma_wait3A_1127] : memref<425984x32xf32, #tpu.memory_space<hbm>> -> memref<425984x32xf32, #tpu.memory_space<hbm>>
      tpu.wait_indirect_dma semaphore(%arg9 : memref<!tpu.dma_semaphore, #tpu.memory_space<semaphore_mem>>) src(%dma_wait3A_1122 : memref<128x32xf32, #tpu.memory_space<vmem>>) dst(%dma_wait3A_1128 : memref<425984x32xf32, #tpu.memory_space<hbm>>)
      %dma_wait3A_1129 = arith.constant 7 : i32
      %dma_wait3A_1130 = arith.constant 896 : i32
      %dma_wait3A_1131 = arith.constant 0 : i32
      %dma_wait3A_1132 = tpu.memref_slice %arg7[%dma_wait3A_1130, %dma_wait3A_1131] : memref<3328x32xf32, #tpu.memory_space<vmem>> -> memref<128x32xf32, #tpu.memory_space<vmem>>
      %dma_wait3A_1133 = arith.constant 0 : i32
      %dma_wait3A_1134 = tpu.memref_slice %arg6[%dma_wait3A_1129, %dma_wait3A_1133] : memref<26x128xi32, #tpu.memory_space<vmem>> -> memref<1x128xi32, #tpu.memory_space<vmem>>
      %dma_wait3A_1135 = tpu.memref_squeeze %dma_wait3A_1134 : memref<1x128xi32, #tpu.memory_space<vmem>> -> memref<128xi32, #tpu.memory_space<vmem>>
      %dma_wait3A_1136 = arith.constant 0 : i32
      %dma_wait3A_1137 = arith.constant 0 : i32
      %dma_wait3A_1138 = tpu.memref_slice %arg4[%dma_wait3A_1136, %dma_wait3A_1137] : memref<425984x32xf32, #tpu.memory_space<hbm>> -> memref<425984x32xf32, #tpu.memory_space<hbm>>
      tpu.wait_indirect_dma semaphore(%arg9 : memref<!tpu.dma_semaphore, #tpu.memory_space<semaphore_mem>>) src(%dma_wait3A_1132 : memref<128x32xf32, #tpu.memory_space<vmem>>) dst(%dma_wait3A_1138 : memref<425984x32xf32, #tpu.memory_space<hbm>>)
      %dma_wait3A_1139 = arith.constant 8 : i32
      %dma_wait3A_1140 = arith.constant 1024 : i32
      %dma_wait3A_1141 = arith.constant 0 : i32
      %dma_wait3A_1142 = tpu.memref_slice %arg7[%dma_wait3A_1140, %dma_wait3A_1141] : memref<3328x32xf32, #tpu.memory_space<vmem>> -> memref<128x32xf32, #tpu.memory_space<vmem>>
      %dma_wait3A_1143 = arith.constant 0 : i32
      %dma_wait3A_1144 = tpu.memref_slice %arg6[%dma_wait3A_1139, %dma_wait3A_1143] : memref<26x128xi32, #tpu.memory_space<vmem>> -> memref<1x128xi32, #tpu.memory_space<vmem>>
      %dma_wait3A_1145 = tpu.memref_squeeze %dma_wait3A_1144 : memref<1x128xi32, #tpu.memory_space<vmem>> -> memref<128xi32, #tpu.memory_space<vmem>>
      %dma_wait3A_1146 = arith.constant 0 : i32
      %dma_wait3A_1147 = arith.constant 0 : i32
      %dma_wait3A_1148 = tpu.memref_slice %arg4[%dma_wait3A_1146, %dma_wait3A_1147] : memref<425984x32xf32, #tpu.memory_space<hbm>> -> memref<425984x32xf32, #tpu.memory_space<hbm>>
      tpu.wait_indirect_dma semaphore(%arg9 : memref<!tpu.dma_semaphore, #tpu.memory_space<semaphore_mem>>) src(%dma_wait3A_1142 : memref<128x32xf32, #tpu.memory_space<vmem>>) dst(%dma_wait3A_1148 : memref<425984x32xf32, #tpu.memory_space<hbm>>)
      %dma_wait3A_1149 = arith.constant 9 : i32
      %dma_wait3A_1150 = arith.constant 1152 : i32
      %dma_wait3A_1151 = arith.constant 0 : i32
      %dma_wait3A_1152 = tpu.memref_slice %arg7[%dma_wait3A_1150, %dma_wait3A_1151] : memref<3328x32xf32, #tpu.memory_space<vmem>> -> memref<128x32xf32, #tpu.memory_space<vmem>>
      %dma_wait3A_1153 = arith.constant 0 : i32
      %dma_wait3A_1154 = tpu.memref_slice %arg6[%dma_wait3A_1149, %dma_wait3A_1153] : memref<26x128xi32, #tpu.memory_space<vmem>> -> memref<1x128xi32, #tpu.memory_space<vmem>>
      %dma_wait3A_1155 = tpu.memref_squeeze %dma_wait3A_1154 : memref<1x128xi32, #tpu.memory_space<vmem>> -> memref<128xi32, #tpu.memory_space<vmem>>
      %dma_wait3A_1156 = arith.constant 0 : i32
      %dma_wait3A_1157 = arith.constant 0 : i32
      %dma_wait3A_1158 = tpu.memref_slice %arg4[%dma_wait3A_1156, %dma_wait3A_1157] : memref<425984x32xf32, #tpu.memory_space<hbm>> -> memref<425984x32xf32, #tpu.memory_space<hbm>>
      tpu.wait_indirect_dma semaphore(%arg9 : memref<!tpu.dma_semaphore, #tpu.memory_space<semaphore_mem>>) src(%dma_wait3A_1152 : memref<128x32xf32, #tpu.memory_space<vmem>>) dst(%dma_wait3A_1158 : memref<425984x32xf32, #tpu.memory_space<hbm>>)
      %dma_wait3A_1159 = arith.constant 10 : i32
      %dma_wait3A_1160 = arith.constant 1280 : i32
      %dma_wait3A_1161 = arith.constant 0 : i32
      %dma_wait3A_1162 = tpu.memref_slice %arg7[%dma_wait3A_1160, %dma_wait3A_1161] : memref<3328x32xf32, #tpu.memory_space<vmem>> -> memref<128x32xf32, #tpu.memory_space<vmem>>
      %dma_wait3A_1163 = arith.constant 0 : i32
      %dma_wait3A_1164 = tpu.memref_slice %arg6[%dma_wait3A_1159, %dma_wait3A_1163] : memref<26x128xi32, #tpu.memory_space<vmem>> -> memref<1x128xi32, #tpu.memory_space<vmem>>
      %dma_wait3A_1165 = tpu.memref_squeeze %dma_wait3A_1164 : memref<1x128xi32, #tpu.memory_space<vmem>> -> memref<128xi32, #tpu.memory_space<vmem>>
      %dma_wait3A_1166 = arith.constant 0 : i32
      %dma_wait3A_1167 = arith.constant 0 : i32
      %dma_wait3A_1168 = tpu.memref_slice %arg4[%dma_wait3A_1166, %dma_wait3A_1167] : memref<425984x32xf32, #tpu.memory_space<hbm>> -> memref<425984x32xf32, #tpu.memory_space<hbm>>
      tpu.wait_indirect_dma semaphore(%arg9 : memref<!tpu.dma_semaphore, #tpu.memory_space<semaphore_mem>>) src(%dma_wait3A_1162 : memref<128x32xf32, #tpu.memory_space<vmem>>) dst(%dma_wait3A_1168 : memref<425984x32xf32, #tpu.memory_space<hbm>>)
      %dma_wait3A_1169 = arith.constant 11 : i32
      %dma_wait3A_1170 = arith.constant 1408 : i32
      %dma_wait3A_1171 = arith.constant 0 : i32
      %dma_wait3A_1172 = tpu.memref_slice %arg7[%dma_wait3A_1170, %dma_wait3A_1171] : memref<3328x32xf32, #tpu.memory_space<vmem>> -> memref<128x32xf32, #tpu.memory_space<vmem>>
      %dma_wait3A_1173 = arith.constant 0 : i32
      %dma_wait3A_1174 = tpu.memref_slice %arg6[%dma_wait3A_1169, %dma_wait3A_1173] : memref<26x128xi32, #tpu.memory_space<vmem>> -> memref<1x128xi32, #tpu.memory_space<vmem>>
      %dma_wait3A_1175 = tpu.memref_squeeze %dma_wait3A_1174 : memref<1x128xi32, #tpu.memory_space<vmem>> -> memref<128xi32, #tpu.memory_space<vmem>>
      %dma_wait3A_1176 = arith.constant 0 : i32
      %dma_wait3A_1177 = arith.constant 0 : i32
      %dma_wait3A_1178 = tpu.memref_slice %arg4[%dma_wait3A_1176, %dma_wait3A_1177] : memref<425984x32xf32, #tpu.memory_space<hbm>> -> memref<425984x32xf32, #tpu.memory_space<hbm>>
      tpu.wait_indirect_dma semaphore(%arg9 : memref<!tpu.dma_semaphore, #tpu.memory_space<semaphore_mem>>) src(%dma_wait3A_1172 : memref<128x32xf32, #tpu.memory_space<vmem>>) dst(%dma_wait3A_1178 : memref<425984x32xf32, #tpu.memory_space<hbm>>)
      %dma_wait3A_1179 = arith.constant 12 : i32
      %dma_wait3A_1180 = arith.constant 1536 : i32
      %dma_wait3A_1181 = arith.constant 0 : i32
      %dma_wait3A_1182 = tpu.memref_slice %arg7[%dma_wait3A_1180, %dma_wait3A_1181] : memref<3328x32xf32, #tpu.memory_space<vmem>> -> memref<128x32xf32, #tpu.memory_space<vmem>>
      %dma_wait3A_1183 = arith.constant 0 : i32
      %dma_wait3A_1184 = tpu.memref_slice %arg6[%dma_wait3A_1179, %dma_wait3A_1183] : memref<26x128xi32, #tpu.memory_space<vmem>> -> memref<1x128xi32, #tpu.memory_space<vmem>>
      %dma_wait3A_1185 = tpu.memref_squeeze %dma_wait3A_1184 : memref<1x128xi32, #tpu.memory_space<vmem>> -> memref<128xi32, #tpu.memory_space<vmem>>
      %dma_wait3A_1186 = arith.constant 0 : i32
      %dma_wait3A_1187 = arith.constant 0 : i32
      %dma_wait3A_1188 = tpu.memref_slice %arg4[%dma_wait3A_1186, %dma_wait3A_1187] : memref<425984x32xf32, #tpu.memory_space<hbm>> -> memref<425984x32xf32, #tpu.memory_space<hbm>>
      tpu.wait_indirect_dma semaphore(%arg9 : memref<!tpu.dma_semaphore, #tpu.memory_space<semaphore_mem>>) src(%dma_wait3A_1182 : memref<128x32xf32, #tpu.memory_space<vmem>>) dst(%dma_wait3A_1188 : memref<425984x32xf32, #tpu.memory_space<hbm>>)
      %dma_wait3A_1189 = arith.constant 13 : i32
      %dma_wait3A_1190 = arith.constant 1664 : i32
      %dma_wait3A_1191 = arith.constant 0 : i32
      %dma_wait3A_1192 = tpu.memref_slice %arg7[%dma_wait3A_1190, %dma_wait3A_1191] : memref<3328x32xf32, #tpu.memory_space<vmem>> -> memref<128x32xf32, #tpu.memory_space<vmem>>
      %dma_wait3A_1193 = arith.constant 0 : i32
      %dma_wait3A_1194 = tpu.memref_slice %arg6[%dma_wait3A_1189, %dma_wait3A_1193] : memref<26x128xi32, #tpu.memory_space<vmem>> -> memref<1x128xi32, #tpu.memory_space<vmem>>
      %dma_wait3A_1195 = tpu.memref_squeeze %dma_wait3A_1194 : memref<1x128xi32, #tpu.memory_space<vmem>> -> memref<128xi32, #tpu.memory_space<vmem>>
      %dma_wait3A_1196 = arith.constant 0 : i32
      %dma_wait3A_1197 = arith.constant 0 : i32
      %dma_wait3A_1198 = tpu.memref_slice %arg4[%dma_wait3A_1196, %dma_wait3A_1197] : memref<425984x32xf32, #tpu.memory_space<hbm>> -> memref<425984x32xf32, #tpu.memory_space<hbm>>
      tpu.wait_indirect_dma semaphore(%arg9 : memref<!tpu.dma_semaphore, #tpu.memory_space<semaphore_mem>>) src(%dma_wait3A_1192 : memref<128x32xf32, #tpu.memory_space<vmem>>) dst(%dma_wait3A_1198 : memref<425984x32xf32, #tpu.memory_space<hbm>>)
      %dma_wait3A_1199 = arith.constant 14 : i32
      %dma_wait3A_1200 = arith.constant 1792 : i32
      %dma_wait3A_1201 = arith.constant 0 : i32
      %dma_wait3A_1202 = tpu.memref_slice %arg7[%dma_wait3A_1200, %dma_wait3A_1201] : memref<3328x32xf32, #tpu.memory_space<vmem>> -> memref<128x32xf32, #tpu.memory_space<vmem>>
      %dma_wait3A_1203 = arith.constant 0 : i32
      %dma_wait3A_1204 = tpu.memref_slice %arg6[%dma_wait3A_1199, %dma_wait3A_1203] : memref<26x128xi32, #tpu.memory_space<vmem>> -> memref<1x128xi32, #tpu.memory_space<vmem>>
      %dma_wait3A_1205 = tpu.memref_squeeze %dma_wait3A_1204 : memref<1x128xi32, #tpu.memory_space<vmem>> -> memref<128xi32, #tpu.memory_space<vmem>>
      %dma_wait3A_1206 = arith.constant 0 : i32
      %dma_wait3A_1207 = arith.constant 0 : i32
      %dma_wait3A_1208 = tpu.memref_slice %arg4[%dma_wait3A_1206, %dma_wait3A_1207] : memref<425984x32xf32, #tpu.memory_space<hbm>> -> memref<425984x32xf32, #tpu.memory_space<hbm>>
      tpu.wait_indirect_dma semaphore(%arg9 : memref<!tpu.dma_semaphore, #tpu.memory_space<semaphore_mem>>) src(%dma_wait3A_1202 : memref<128x32xf32, #tpu.memory_space<vmem>>) dst(%dma_wait3A_1208 : memref<425984x32xf32, #tpu.memory_space<hbm>>)
      %dma_wait3A_1209 = arith.constant 15 : i32
      %dma_wait3A_1210 = arith.constant 1920 : i32
      %dma_wait3A_1211 = arith.constant 0 : i32
      %dma_wait3A_1212 = tpu.memref_slice %arg7[%dma_wait3A_1210, %dma_wait3A_1211] : memref<3328x32xf32, #tpu.memory_space<vmem>> -> memref<128x32xf32, #tpu.memory_space<vmem>>
      %dma_wait3A_1213 = arith.constant 0 : i32
      %dma_wait3A_1214 = tpu.memref_slice %arg6[%dma_wait3A_1209, %dma_wait3A_1213] : memref<26x128xi32, #tpu.memory_space<vmem>> -> memref<1x128xi32, #tpu.memory_space<vmem>>
      %dma_wait3A_1215 = tpu.memref_squeeze %dma_wait3A_1214 : memref<1x128xi32, #tpu.memory_space<vmem>> -> memref<128xi32, #tpu.memory_space<vmem>>
      %dma_wait3A_1216 = arith.constant 0 : i32
      %dma_wait3A_1217 = arith.constant 0 : i32
      %dma_wait3A_1218 = tpu.memref_slice %arg4[%dma_wait3A_1216, %dma_wait3A_1217] : memref<425984x32xf32, #tpu.memory_space<hbm>> -> memref<425984x32xf32, #tpu.memory_space<hbm>>
      tpu.wait_indirect_dma semaphore(%arg9 : memref<!tpu.dma_semaphore, #tpu.memory_space<semaphore_mem>>) src(%dma_wait3A_1212 : memref<128x32xf32, #tpu.memory_space<vmem>>) dst(%dma_wait3A_1218 : memref<425984x32xf32, #tpu.memory_space<hbm>>)
      %dma_wait3A_1219 = arith.constant 16 : i32
      %dma_wait3A_1220 = arith.constant 2048 : i32
      %dma_wait3A_1221 = arith.constant 0 : i32
      %dma_wait3A_1222 = tpu.memref_slice %arg7[%dma_wait3A_1220, %dma_wait3A_1221] : memref<3328x32xf32, #tpu.memory_space<vmem>> -> memref<128x32xf32, #tpu.memory_space<vmem>>
      %dma_wait3A_1223 = arith.constant 0 : i32
      %dma_wait3A_1224 = tpu.memref_slice %arg6[%dma_wait3A_1219, %dma_wait3A_1223] : memref<26x128xi32, #tpu.memory_space<vmem>> -> memref<1x128xi32, #tpu.memory_space<vmem>>
      %dma_wait3A_1225 = tpu.memref_squeeze %dma_wait3A_1224 : memref<1x128xi32, #tpu.memory_space<vmem>> -> memref<128xi32, #tpu.memory_space<vmem>>
      %dma_wait3A_1226 = arith.constant 0 : i32
      %dma_wait3A_1227 = arith.constant 0 : i32
      %dma_wait3A_1228 = tpu.memref_slice %arg4[%dma_wait3A_1226, %dma_wait3A_1227] : memref<425984x32xf32, #tpu.memory_space<hbm>> -> memref<425984x32xf32, #tpu.memory_space<hbm>>
      tpu.wait_indirect_dma semaphore(%arg9 : memref<!tpu.dma_semaphore, #tpu.memory_space<semaphore_mem>>) src(%dma_wait3A_1222 : memref<128x32xf32, #tpu.memory_space<vmem>>) dst(%dma_wait3A_1228 : memref<425984x32xf32, #tpu.memory_space<hbm>>)
      %dma_wait3A_1229 = arith.constant 17 : i32
      %dma_wait3A_1230 = arith.constant 2176 : i32
      %dma_wait3A_1231 = arith.constant 0 : i32
      %dma_wait3A_1232 = tpu.memref_slice %arg7[%dma_wait3A_1230, %dma_wait3A_1231] : memref<3328x32xf32, #tpu.memory_space<vmem>> -> memref<128x32xf32, #tpu.memory_space<vmem>>
      %dma_wait3A_1233 = arith.constant 0 : i32
      %dma_wait3A_1234 = tpu.memref_slice %arg6[%dma_wait3A_1229, %dma_wait3A_1233] : memref<26x128xi32, #tpu.memory_space<vmem>> -> memref<1x128xi32, #tpu.memory_space<vmem>>
      %dma_wait3A_1235 = tpu.memref_squeeze %dma_wait3A_1234 : memref<1x128xi32, #tpu.memory_space<vmem>> -> memref<128xi32, #tpu.memory_space<vmem>>
      %dma_wait3A_1236 = arith.constant 0 : i32
      %dma_wait3A_1237 = arith.constant 0 : i32
      %dma_wait3A_1238 = tpu.memref_slice %arg4[%dma_wait3A_1236, %dma_wait3A_1237] : memref<425984x32xf32, #tpu.memory_space<hbm>> -> memref<425984x32xf32, #tpu.memory_space<hbm>>
      tpu.wait_indirect_dma semaphore(%arg9 : memref<!tpu.dma_semaphore, #tpu.memory_space<semaphore_mem>>) src(%dma_wait3A_1232 : memref<128x32xf32, #tpu.memory_space<vmem>>) dst(%dma_wait3A_1238 : memref<425984x32xf32, #tpu.memory_space<hbm>>)
      %dma_wait3A_1239 = arith.constant 18 : i32
      %dma_wait3A_1240 = arith.constant 2304 : i32
      %dma_wait3A_1241 = arith.constant 0 : i32
      %dma_wait3A_1242 = tpu.memref_slice %arg7[%dma_wait3A_1240, %dma_wait3A_1241] : memref<3328x32xf32, #tpu.memory_space<vmem>> -> memref<128x32xf32, #tpu.memory_space<vmem>>
      %dma_wait3A_1243 = arith.constant 0 : i32
      %dma_wait3A_1244 = tpu.memref_slice %arg6[%dma_wait3A_1239, %dma_wait3A_1243] : memref<26x128xi32, #tpu.memory_space<vmem>> -> memref<1x128xi32, #tpu.memory_space<vmem>>
      %dma_wait3A_1245 = tpu.memref_squeeze %dma_wait3A_1244 : memref<1x128xi32, #tpu.memory_space<vmem>> -> memref<128xi32, #tpu.memory_space<vmem>>
      %dma_wait3A_1246 = arith.constant 0 : i32
      %dma_wait3A_1247 = arith.constant 0 : i32
      %dma_wait3A_1248 = tpu.memref_slice %arg4[%dma_wait3A_1246, %dma_wait3A_1247] : memref<425984x32xf32, #tpu.memory_space<hbm>> -> memref<425984x32xf32, #tpu.memory_space<hbm>>
      tpu.wait_indirect_dma semaphore(%arg9 : memref<!tpu.dma_semaphore, #tpu.memory_space<semaphore_mem>>) src(%dma_wait3A_1242 : memref<128x32xf32, #tpu.memory_space<vmem>>) dst(%dma_wait3A_1248 : memref<425984x32xf32, #tpu.memory_space<hbm>>)
      %dma_wait3A_1249 = arith.constant 19 : i32
      %dma_wait3A_1250 = arith.constant 2432 : i32
      %dma_wait3A_1251 = arith.constant 0 : i32
      %dma_wait3A_1252 = tpu.memref_slice %arg7[%dma_wait3A_1250, %dma_wait3A_1251] : memref<3328x32xf32, #tpu.memory_space<vmem>> -> memref<128x32xf32, #tpu.memory_space<vmem>>
      %dma_wait3A_1253 = arith.constant 0 : i32
      %dma_wait3A_1254 = tpu.memref_slice %arg6[%dma_wait3A_1249, %dma_wait3A_1253] : memref<26x128xi32, #tpu.memory_space<vmem>> -> memref<1x128xi32, #tpu.memory_space<vmem>>
      %dma_wait3A_1255 = tpu.memref_squeeze %dma_wait3A_1254 : memref<1x128xi32, #tpu.memory_space<vmem>> -> memref<128xi32, #tpu.memory_space<vmem>>
      %dma_wait3A_1256 = arith.constant 0 : i32
      %dma_wait3A_1257 = arith.constant 0 : i32
      %dma_wait3A_1258 = tpu.memref_slice %arg4[%dma_wait3A_1256, %dma_wait3A_1257] : memref<425984x32xf32, #tpu.memory_space<hbm>> -> memref<425984x32xf32, #tpu.memory_space<hbm>>
      tpu.wait_indirect_dma semaphore(%arg9 : memref<!tpu.dma_semaphore, #tpu.memory_space<semaphore_mem>>) src(%dma_wait3A_1252 : memref<128x32xf32, #tpu.memory_space<vmem>>) dst(%dma_wait3A_1258 : memref<425984x32xf32, #tpu.memory_space<hbm>>)
      %dma_wait3A_1259 = arith.constant 20 : i32
      %dma_wait3A_1260 = arith.constant 2560 : i32
      %dma_wait3A_1261 = arith.constant 0 : i32
      %dma_wait3A_1262 = tpu.memref_slice %arg7[%dma_wait3A_1260, %dma_wait3A_1261] : memref<3328x32xf32, #tpu.memory_space<vmem>> -> memref<128x32xf32, #tpu.memory_space<vmem>>
      %dma_wait3A_1263 = arith.constant 0 : i32
      %dma_wait3A_1264 = tpu.memref_slice %arg6[%dma_wait3A_1259, %dma_wait3A_1263] : memref<26x128xi32, #tpu.memory_space<vmem>> -> memref<1x128xi32, #tpu.memory_space<vmem>>
      %dma_wait3A_1265 = tpu.memref_squeeze %dma_wait3A_1264 : memref<1x128xi32, #tpu.memory_space<vmem>> -> memref<128xi32, #tpu.memory_space<vmem>>
      %dma_wait3A_1266 = arith.constant 0 : i32
      %dma_wait3A_1267 = arith.constant 0 : i32
      %dma_wait3A_1268 = tpu.memref_slice %arg4[%dma_wait3A_1266, %dma_wait3A_1267] : memref<425984x32xf32, #tpu.memory_space<hbm>> -> memref<425984x32xf32, #tpu.memory_space<hbm>>
      tpu.wait_indirect_dma semaphore(%arg9 : memref<!tpu.dma_semaphore, #tpu.memory_space<semaphore_mem>>) src(%dma_wait3A_1262 : memref<128x32xf32, #tpu.memory_space<vmem>>) dst(%dma_wait3A_1268 : memref<425984x32xf32, #tpu.memory_space<hbm>>)
      %dma_wait3A_1269 = arith.constant 21 : i32
      %dma_wait3A_1270 = arith.constant 2688 : i32
      %dma_wait3A_1271 = arith.constant 0 : i32
      %dma_wait3A_1272 = tpu.memref_slice %arg7[%dma_wait3A_1270, %dma_wait3A_1271] : memref<3328x32xf32, #tpu.memory_space<vmem>> -> memref<128x32xf32, #tpu.memory_space<vmem>>
      %dma_wait3A_1273 = arith.constant 0 : i32
      %dma_wait3A_1274 = tpu.memref_slice %arg6[%dma_wait3A_1269, %dma_wait3A_1273] : memref<26x128xi32, #tpu.memory_space<vmem>> -> memref<1x128xi32, #tpu.memory_space<vmem>>
      %dma_wait3A_1275 = tpu.memref_squeeze %dma_wait3A_1274 : memref<1x128xi32, #tpu.memory_space<vmem>> -> memref<128xi32, #tpu.memory_space<vmem>>
      %dma_wait3A_1276 = arith.constant 0 : i32
      %dma_wait3A_1277 = arith.constant 0 : i32
      %dma_wait3A_1278 = tpu.memref_slice %arg4[%dma_wait3A_1276, %dma_wait3A_1277] : memref<425984x32xf32, #tpu.memory_space<hbm>> -> memref<425984x32xf32, #tpu.memory_space<hbm>>
      tpu.wait_indirect_dma semaphore(%arg9 : memref<!tpu.dma_semaphore, #tpu.memory_space<semaphore_mem>>) src(%dma_wait3A_1272 : memref<128x32xf32, #tpu.memory_space<vmem>>) dst(%dma_wait3A_1278 : memref<425984x32xf32, #tpu.memory_space<hbm>>)
      %dma_wait3A_1279 = arith.constant 22 : i32
      %dma_wait3A_1280 = arith.constant 2816 : i32
      %dma_wait3A_1281 = arith.constant 0 : i32
      %dma_wait3A_1282 = tpu.memref_slice %arg7[%dma_wait3A_1280, %dma_wait3A_1281] : memref<3328x32xf32, #tpu.memory_space<vmem>> -> memref<128x32xf32, #tpu.memory_space<vmem>>
      %dma_wait3A_1283 = arith.constant 0 : i32
      %dma_wait3A_1284 = tpu.memref_slice %arg6[%dma_wait3A_1279, %dma_wait3A_1283] : memref<26x128xi32, #tpu.memory_space<vmem>> -> memref<1x128xi32, #tpu.memory_space<vmem>>
      %dma_wait3A_1285 = tpu.memref_squeeze %dma_wait3A_1284 : memref<1x128xi32, #tpu.memory_space<vmem>> -> memref<128xi32, #tpu.memory_space<vmem>>
      %dma_wait3A_1286 = arith.constant 0 : i32
      %dma_wait3A_1287 = arith.constant 0 : i32
      %dma_wait3A_1288 = tpu.memref_slice %arg4[%dma_wait3A_1286, %dma_wait3A_1287] : memref<425984x32xf32, #tpu.memory_space<hbm>> -> memref<425984x32xf32, #tpu.memory_space<hbm>>
      tpu.wait_indirect_dma semaphore(%arg9 : memref<!tpu.dma_semaphore, #tpu.memory_space<semaphore_mem>>) src(%dma_wait3A_1282 : memref<128x32xf32, #tpu.memory_space<vmem>>) dst(%dma_wait3A_1288 : memref<425984x32xf32, #tpu.memory_space<hbm>>)
      %dma_wait3A_1289 = arith.constant 23 : i32
      %dma_wait3A_1290 = arith.constant 2944 : i32
      %dma_wait3A_1291 = arith.constant 0 : i32
      %dma_wait3A_1292 = tpu.memref_slice %arg7[%dma_wait3A_1290, %dma_wait3A_1291] : memref<3328x32xf32, #tpu.memory_space<vmem>> -> memref<128x32xf32, #tpu.memory_space<vmem>>
      %dma_wait3A_1293 = arith.constant 0 : i32
      %dma_wait3A_1294 = tpu.memref_slice %arg6[%dma_wait3A_1289, %dma_wait3A_1293] : memref<26x128xi32, #tpu.memory_space<vmem>> -> memref<1x128xi32, #tpu.memory_space<vmem>>
      %dma_wait3A_1295 = tpu.memref_squeeze %dma_wait3A_1294 : memref<1x128xi32, #tpu.memory_space<vmem>> -> memref<128xi32, #tpu.memory_space<vmem>>
      %dma_wait3A_1296 = arith.constant 0 : i32
      %dma_wait3A_1297 = arith.constant 0 : i32
      %dma_wait3A_1298 = tpu.memref_slice %arg4[%dma_wait3A_1296, %dma_wait3A_1297] : memref<425984x32xf32, #tpu.memory_space<hbm>> -> memref<425984x32xf32, #tpu.memory_space<hbm>>
      tpu.wait_indirect_dma semaphore(%arg9 : memref<!tpu.dma_semaphore, #tpu.memory_space<semaphore_mem>>) src(%dma_wait3A_1292 : memref<128x32xf32, #tpu.memory_space<vmem>>) dst(%dma_wait3A_1298 : memref<425984x32xf32, #tpu.memory_space<hbm>>)
      %dma_wait3A_1299 = arith.constant 24 : i32
      %dma_wait3A_1300 = arith.constant 3072 : i32
      %dma_wait3A_1301 = arith.constant 0 : i32
      %dma_wait3A_1302 = tpu.memref_slice %arg7[%dma_wait3A_1300, %dma_wait3A_1301] : memref<3328x32xf32, #tpu.memory_space<vmem>> -> memref<128x32xf32, #tpu.memory_space<vmem>>
      %dma_wait3A_1303 = arith.constant 0 : i32
      %dma_wait3A_1304 = tpu.memref_slice %arg6[%dma_wait3A_1299, %dma_wait3A_1303] : memref<26x128xi32, #tpu.memory_space<vmem>> -> memref<1x128xi32, #tpu.memory_space<vmem>>
      %dma_wait3A_1305 = tpu.memref_squeeze %dma_wait3A_1304 : memref<1x128xi32, #tpu.memory_space<vmem>> -> memref<128xi32, #tpu.memory_space<vmem>>
      %dma_wait3A_1306 = arith.constant 0 : i32
      %dma_wait3A_1307 = arith.constant 0 : i32
      %dma_wait3A_1308 = tpu.memref_slice %arg4[%dma_wait3A_1306, %dma_wait3A_1307] : memref<425984x32xf32, #tpu.memory_space<hbm>> -> memref<425984x32xf32, #tpu.memory_space<hbm>>
      tpu.wait_indirect_dma semaphore(%arg9 : memref<!tpu.dma_semaphore, #tpu.memory_space<semaphore_mem>>) src(%dma_wait3A_1302 : memref<128x32xf32, #tpu.memory_space<vmem>>) dst(%dma_wait3A_1308 : memref<425984x32xf32, #tpu.memory_space<hbm>>)
      %dma_wait3A_1309 = arith.constant 25 : i32
      %dma_wait3A_1310 = arith.constant 3200 : i32
      %dma_wait3A_1311 = arith.constant 0 : i32
      %dma_wait3A_1312 = tpu.memref_slice %arg7[%dma_wait3A_1310, %dma_wait3A_1311] : memref<3328x32xf32, #tpu.memory_space<vmem>> -> memref<128x32xf32, #tpu.memory_space<vmem>>
      %dma_wait3A_1313 = arith.constant 0 : i32
      %dma_wait3A_1314 = tpu.memref_slice %arg6[%dma_wait3A_1309, %dma_wait3A_1313] : memref<26x128xi32, #tpu.memory_space<vmem>> -> memref<1x128xi32, #tpu.memory_space<vmem>>
      %dma_wait3A_1315 = tpu.memref_squeeze %dma_wait3A_1314 : memref<1x128xi32, #tpu.memory_space<vmem>> -> memref<128xi32, #tpu.memory_space<vmem>>
      %dma_wait3A_1316 = arith.constant 0 : i32
      %dma_wait3A_1317 = arith.constant 0 : i32
      %dma_wait3A_1318 = tpu.memref_slice %arg4[%dma_wait3A_1316, %dma_wait3A_1317] : memref<425984x32xf32, #tpu.memory_space<hbm>> -> memref<425984x32xf32, #tpu.memory_space<hbm>>
      tpu.wait_indirect_dma semaphore(%arg9 : memref<!tpu.dma_semaphore, #tpu.memory_space<semaphore_mem>>) src(%dma_wait3A_1312 : memref<128x32xf32, #tpu.memory_space<vmem>>) dst(%dma_wait3A_1318 : memref<425984x32xf32, #tpu.memory_space<hbm>>)
      %scan3A_1319 = arith.constant 0 : i32
      scf.yield %scan3A_1319 : i32
    }
    %scan3A_8 = arith.constant 4 : i32
    return
  }
}

</mosaic_0001>

<sc_bundles>
// kernel: _embed.3.cloned.1.call-start
scs
__scs_entry_jumppad:
0x0: {  	(pc) =	sbr.rel $0x88, $3  }
0x1: {  	(tag) =	ssettag $0x0;
	lr =	simm.s32 $0x1  }
0x2: {  	[smem:$0x3F9F] =	sst lr;
	_ =	strace $0xD0000000  }
0x3: {  	_ = 	snop  }
0x4: {  	_ = 	snop  }
0x5: {  	_ = 	snop  }
0x6: {  	_ = 	snop  }
0x7: {  	_ = 	snop  }
__scs_overlays_trampoline_lowered:
0x8: {  	[smem:$0x3FAE] =	sst s0  }
0x9: {  	[smem:$0x3FAF] =	sst s1  }
0xa: {  	[smem:$0x3FB0] =	sst s2  }
0xb: {  	[smem:$0x3FB1] =	sst s3  }
0xc: {  	[smem:$0x3FB2] =	sst s4  }
0xd: {  	[smem:$0x3FB3] =	sst s5  }
0xe: {  	[smem:$0x3FB4] =	sst s6  }
0xf: {  	[smem:$0x3FB5] =	sst s7  }
0x10: {  	[smem:$0x3FB6] =	sst s8  }
0x11: {  	[smem:$0x3FB7] =	sst s9;
	s0 =	simm.s32 @!p0 $0x0  }
0x12: {  	s1 =	sld [smem:$0x3F9D];
	s0 =	simm.s32 @p0 $0x1  }
0x13: {  	[smem:$0x3FB8] =	sst s0;
	s0 =	simm.s32 @!p1 $0x0  }
0x14: {  	s2 =	sld [smem:$0x3F9C];
	s0 =	simm.s32 @p1 $0x1  }
0x15: {  	[smem:$0x3FB9] =	sst s0;
	s0 =	simm.s32 @!p2 $0x0  }
0x16: {  	s3 =	sld [smem:$0x3FDB];
	s0 =	simm.s32 @p2 $0x1  }
0x17: {  	s4 =	simm.s32 $0x1BF5;
	[smem:$0x3FBB] =	sst s0  }
0x18: {  	s0 =	sld [smem:$0x3F9E];
	_ =	swait.ge [sflag:s4], $0x0  }
0x19: {  	s7 =	sld [smem:$0x3F9F]  }
0x1a: {  	s8 =	sadd.s32 $0xFFFFE003, lr  }
0x1b: {  	s9 =	sadd.s32 $0xFFFFFEF7, lr;
	s5 =	simm.s32 $0xFFFFFFFF;
	p2 =	slt.u32 s8, $0xFFFFF086  }
0x1c: {  	p1 =	slt.u32 s9, $0xF7A;
	s5 =	simm.s32 @!p2 $0x0  }
0x1d: {  	s5 =	simm.s32 @p1 $0x1;
	p0 =	seq.s32 s7, s2  }
0x1e: {  	s7 =	smul.u32 @!p0 $0xF7A, s2;
	p2 =	seq.s32 @!p0 s5, $0x0  }
0x1f: {  	s9 =	smul.u32 $0xF7A, s1;
	s8 =	simm.s32 @!p0 $0x1BF5;
	p2 =	por !p2, p0  }
0x20: {  	[sflag:s8] =	ssyncset.s32 @!p0 $0xFFFFF086;
	s6 =	sadd.s32 @!p0 s3, s7;
	s7 =	simm.s32 @!p0 $0x108  }
0x21: {  	s3 =	sadd.s32 s3, s9;
	s6 =	sadd.s32 @!p0 $0x88, s6;
	s7 =	simm.s32 @p2 $0x1082  }
0x22: {  	[simem:s7], [sflag:s8] =	dma.local @!p0 [hbm:s6], $0xF7A  }
0x23: {  	s9 =	sor.u32 $0xD0000000, s2;
	s6 =	simm.s32 $0x108;
	_ =	swait.ge @!p0 [sflag:s8], $0x0  }
0x24: {  	s3 =	sadd.s32 $0x88, s3;
	s6 =	simm.s32 @!p1 $0x1082;
	[sflag:s4] =	ssyncset.s32 $0xFFFFF086  }
0x25: {  	[simem:s6], [sflag:s4] =	dma.local [hbm:s3], $0xF7A  }
0x26: {  	[smem:$0x3F9F] =	sst s1;
	(tag) =	ssettag s2;
	_ =	strace s9  }
0x27: {  	s1 =	sld [smem:$0x3FAF]  }
0x28: {  	s2 =	sld [smem:$0x3FB0]  }
0x29: {  	s4 =	sld [smem:$0x3FB2]  }
0x2a: {  	p0 =	seq.s32 s5, $0x0;
	s5 =	sld [smem:$0x3FB3]  }
0x2b: {  	s6 =	sld [smem:$0x3FB4]  }
0x2c: {  	s7 =	sld [smem:$0x3FB5]  }
0x2d: {  	s3 =	simm.s32 $0x108;
	s8 =	sld [smem:$0x3FB6]  }
0x2e: {  	s3 =	simm.s32 @!p0 $0x1082;
	s9 =	sld [smem:$0x3FB7]  }
0x2f: {  	lr =	sadd.s32 s0, s3;
	s0 =	sld [smem:$0x3FAE]  }
0x30: {  	s3 =	sld [smem:$0x3FB1]  }
0x31: {  	[smem:$0x3FBA] =	sst s10  }
0x32: {  	s10 =	sld [smem:$0x3FB8];
	_ =	sdelay $0x3  }
0x33: {  	p0 =	seq.s32 s10, $0x1;
	s10 =	sld [smem:$0x3FBA];
	_ =	sdelay $0x3  }
0x34: {  	[smem:$0x3FBA] =	sst s10  }
0x35: {  	s10 =	sld [smem:$0x3FB9];
	_ =	sdelay $0x3  }
0x36: {  	p1 =	seq.s32 s10, $0x1;
	s10 =	sld [smem:$0x3FBA];
	_ =	sdelay $0x3  }
0x37: {  	[smem:$0x3FBA] =	sst s10  }
0x38: {  	s10 =	sld [smem:$0x3FBB]  }
0x39: {  	_ = 	snop;
	(pc) =	sbr.ind lr, $3  }
0x3a: {  	_ = 	snop  }
0x3b: {  	_ = 	snop  }
0x3c: {  	p2 =	seq.s32 s10, $0x1;
	s10 =	sld [smem:$0x3FBA]  }
0x3d: {  	_ =	shalt  }
0x3e: {  	_ =	shalt  }
0x3f: {  	_ =	shalt  }
0x40: {  	_ =	shalt  }
0x41: {  	_ =	shalt  }
0x42: {  	_ =	shalt  }
0x43: {  	_ =	shalt  }
0x44: {  	_ =	shalt  }
0x45: {  	_ =	shalt  }
0x46: {  	_ =	shalt  }
0x47: {  	_ =	shalt  }
0x48: {  	_ =	shalt  }
0x49: {  	_ =	shalt  }
0x4a: {  	_ =	shalt  }
0x4b: {  	_ =	shalt  }
0x4c: {  	_ =	shalt  }
0x4d: {  	_ =	shalt  }
0x4e: {  	_ =	shalt  }
0x4f: {  	_ =	shalt  }
0x50: {  	_ =	shalt  }
0x51: {  	_ =	shalt  }
0x52: {  	_ =	shalt  }
0x53: {  	_ =	shalt  }
0x54: {  	_ =	shalt  }
0x55: {  	_ =	shalt  }
0x56: {  	_ =	shalt  }
0x57: {  	_ =	shalt  }
0x58: {  	_ =	shalt  }
0x59: {  	_ =	shalt  }
0x5a: {  	_ =	shalt  }
0x5b: {  	_ =	shalt  }
0x5c: {  	_ =	shalt  }
0x5d: {  	_ =	shalt  }
0x5e: {  	_ =	shalt  }
0x5f: {  	_ =	shalt  }
0x60: {  	_ =	shalt  }
0x61: {  	_ =	shalt  }
0x62: {  	_ =	shalt  }
0x63: {  	_ =	shalt  }
0x64: {  	_ =	shalt  }
0x65: {  	_ =	shalt  }
0x66: {  	_ =	shalt  }
0x67: {  	_ =	shalt  }
0x68: {  	_ =	shalt  }
0x69: {  	_ =	shalt  }
0x6a: {  	_ =	shalt  }
0x6b: {  	_ =	shalt  }
0x6c: {  	_ =	shalt  }
0x6d: {  	_ =	shalt  }
0x6e: {  	_ =	shalt  }
0x6f: {  	_ =	shalt  }
0x70: {  	_ =	shalt  }
0x71: {  	_ =	shalt  }
0x72: {  	_ =	shalt  }
0x73: {  	_ =	shalt  }
0x74: {  	_ =	shalt  }
0x75: {  	_ =	shalt  }
0x76: {  	_ =	shalt  }
0x77: {  	_ =	shalt  }
0x78: {  	_ =	shalt  }
0x79: {  	_ =	shalt  }
0x7a: {  	_ =	shalt  }
0x7b: {  	_ =	shalt  }
0x7c: {  	_ =	shalt  }
0x7d: {  	_ =	shalt  }
0x7e: {  	_ =	shalt  }
0x7f: {  	_ =	shalt  }
0x80: {  	_ =	shalt  }
0x81: {  	_ =	shalt  }
0x82: {  	_ =	shalt  }
0x83: {  	_ =	shalt  }
0x84: {  	_ =	shalt  }
0x85: {  	_ =	shalt  }
0x86: {  	_ =	shalt  }
0x87: {  	_ =	shalt  }
.Lfunc_end0:
.L_simem_size_0:
called_computation.1_lowered:
.L_overlay_start_0:
0x88: {  	s2 =	sld [smem:$0x3FD9]  }
0x89: {  	s3 =	sld [smem:$0x3FFE];
	_ =	sdelay $0x1  }
0x8a: {  	s1 =	srdreg.scid  }
0x8b: {  	s0 =	sand.u32 $0x1, s1  }
0x8c: {  	s17 =	sshll.u32 s0, $0xA;
	s2 =	sadd.s32 s3, s2  }
0x8d: {  	s2 =	sadd.s32 s2, s17  }
0x8e: {  	[smem:$0x3FC6] =	sst s2  }
0x8f: {  	_ = 	snop  }
0x90: {  	s2 =	sld [smem:$0x3FD0];
	(tm) =	ssettm $0x1  }
0x91: {  	s18 =	sld [smem:$0x3FFB];
	_ =	sdelay $0x3  }
0x92: {  	_ =	strace s18  }
0x93: {  	s3 =	sld [smem:$0x3FFC];
	_ =	sdelay $0x3  }
0x94: {  	_ =	strace s3  }
0x95: {  	s3 =	sld [smem:$0x3FFD];
	_ =	sdelay $0x3  }
0x96: {  	_ =	strace s3  }
0x97: {  	_ =	strace $0x8FFFFFFF  }
0x98: {  	s19 =	sld [smem:$0x3FDB];
	_ =	sdelay $0x1  }
0x99: {  	s4 =	simm.s32 $_scs_section_size  }
0x9a: {  	s5 =	simm.s32 $_size__tile_overlayer_lowered;
	s6 =	simm.s32 $_tile_overlayer_lowered  }
0x9b: {  	s22 =	simm.s32 $0x1BFF;
	s21 =	sshll.u32 s6, $0x1;
	s3 =	sadd.s32 s4, s19  }
0x9c: {  	s7 =	simm.s32 $0x0;
	s20 =	sshll.u32 s5, $0x1;
	s5 =	sadd.s32 s21, s3  }
0x9d: {  	[timem:s7], [sflag:s22] =	dma.local [hbm:s5], s20  }
0x9e: {  	_ =	swait.ge [sflag:s22], s20  }
0x9f: {  	s4 =	ssub.s32 $0x0, s20;
	[sflag:s22] =	ssyncset.done $0x0  }
0xa0: {  	[sflag:s22] =	ssyncadd.s32 s4;
	_ =	sdelay $0x1  }
0xa1: {  	s23 =	simm.s32 $0x1B8B  }
0xa2: {  	_ =	swait.ge [sflag:s23], $0x1  }
0xa3: {  	[sflag:s23] =	ssyncset.done $0x0  }
0xa4: {  	s25 =	simm.s32 $0x1B8E;
	s24 =	sld [smem:$0x3FFE];
	[sflag:s23] =	ssyncadd.s32 $0xFFFFFFFF  }
0xa5: {  	s26 =	simm.s32 $execute0_lowered;
	[smem:$0x3FD2] =	sst s25  }
0xa6: {  	s5 =	sshll.u32 s26, $0x1;
	_ =	strace $0x80000046;
	[dreg:$0x1] =	wrdreg $0xFFFFFFFF  }
0xa7: {  	s28 =	simm.s32 $_size_execute0_lowered;
	s3 =	sadd.s32 s3, s5;
	[dreg:$0x0] =	wrdreg $0x0  }
0xa8: {  	s5 =	sshll.u32 s28, $0x1;
	[dreg:$0x2] =	wrdreg s3  }
0xa9: {  	[dreg:$0x3] =	wrdreg s5  }
0xaa: {  	[dreg:$0x4] =	wrdreg $0xC0  }
0xab: {  	_ =	task [dreg:s7], $0x5FFFF  }
0xac: {  	[dreg:$0x1] =	wrdreg $0xFFFFFFFF  }
0xad: {  	[dreg:$0x0] =	wrdreg $0x60  }
0xae: {  	[dreg:$0x2] =	wrdreg s24  }
0xaf: {  	[dreg:$0x3] =	wrdreg s2  }
0xb0: {  	[dreg:$0x4] =	wrdreg $0x9  }
0xb1: {  	_ =	task.clear_ibuf [dreg:s7], $0x5FFFF;
	_ =	strace $0x90000046  }
0xb2: {  	s29 =	simm.s32 $0x9;
	_ =	strace $0x80000048  }
0xb3: {  	_ =	swait.ge [sflag:s29], $0x1  }
0xb4: {  	[sflag:s29] =	ssyncadd.s32 $0xFFFFFFFF  }
0xb5: {  	_ =	strace $0x90000048  }
0xb6: {  	_ =	sfence  }
0xb7: {  	s30 =	sld [smem:$0x0];
	_ =	sdelay $0x2  }
0xb8: {  	s31 =	sshll.u32 s1, $0xD;
	s1 =	sshrl.u32 s1, $0x2  }
0xb9: {  	s3 =	sand.u32 $0x4000, s31;
	s1 =	sadd.s32 s1, s30  }
0xba: {  	s0 =	sor.u32 s3, s0;
	s1 =	sshll.u32 s1, $0x11  }
0xbb: {  	s0 =	sor.u32 s1, s0  }
0xbc: {  	s0 =	sadd.s32 $0x8F2B, s0  }
0xbd: {  	[sflag:s0] =	ssyncadd.remote.s32 $0x1  }
0xbe: {  	_ =	sfence.sel $0xFFFF  }
0xbf: {  	[dreg:$0x0] =	wrdreg $0xFFFFFFFF;
	(pc) =	sbr.abs _section_cstart, $3  }
0xc0: {  	[dreg:$0x1] =	wrdreg $0xFFFFFFFF  }
0xc1: {  	_ =	task.clear_ibuf [dreg:s7], $0x2FFFF;
	_ =	strace $0x9FFFFFFF  }
0xc2: {  	(tm) =	ssettm $0x7FFFFFFF  }
0xc3: {  	_ =	shalt  }
tec
execute0_lowered:
.L_overlay_start_1:
0x0: {  	(tag) =	ssettag $0x1  }
0x1: {  	s0 =	rddreg [dreg:$0x0]  }
0x2: {  	s1 =	rddreg [dreg:$0x1];
	s2 =	simm.s32 $0x0  }
0x3: {  	[smem:$0x7FF] =	sst s2;
	s5 =	sadd.s32 $0x27ACE00, s0  }
0x4: {  	s22 =	sadd.s32 $0x280E880, s0;
	_ =	strace $0x80000047;
	[dreg:$0x3] =	wrdreg s5  }
0x5: {  	s23 =	sadd.s32 $0x2870300, s0;
	[dreg:$0x4] =	wrdreg s22  }
0x6: {  	s24 =	sadd.s32 $0x28D1D80, s0;
	[dreg:$0x5] =	wrdreg s23  }
0x7: {  	s25 =	sadd.s32 $0x2933800, s0;
	[dreg:$0x6] =	wrdreg s24  }
0x8: {  	s26 =	sadd.s32 $0x2995280, s0;
	[dreg:$0x7] =	wrdreg s25  }
0x9: {  	s6 =	sadd.s32 $0x29F6D00, s0;
	[dreg:$0x8] =	wrdreg s26  }
0xa: {  	s7 =	sadd.s32 $0x2A58780, s0;
	[dreg:$0x9] =	wrdreg s6  }
0xb: {  	s8 =	sadd.s32 $0x2ABA200, s0;
	[dreg:$0xa] =	wrdreg s7  }
0xc: {  	s9 =	sadd.s32 $0x2B1BC80, s0;
	[dreg:$0xb] =	wrdreg s8  }
0xd: {  	s21 =	srdreg.scid;
	s10 =	sadd.s32 $0x2B7D700, s0;
	[dreg:$0xc] =	wrdreg s9  }
0xe: {  	s3 =	stileid.u32;
	s11 =	sadd.s32 $0x2BDF180, s0;
	[dreg:$0xd] =	wrdreg s10  }
0xf: {  	s30 =	simm.s32 $0x1;
	s12 =	sadd.s32 $0x2C40C00, s0;
	[dreg:$0xf] =	wrdreg s11  }
0x10: {  	s31 =	simm.s32 $0x2;
	s13 =	sadd.s32 $0x2CA2680, s0;
	[dreg:$0x10] =	wrdreg s12  }
0x11: {  	s28 =	simm.s32 $0x19100;
	s14 =	sadd.s32 $0x2D04100, s0;
	[dreg:$0x11] =	wrdreg s13  }
0x12: {  	s29 =	simm.s32 $0x1A100;
	s15 =	sadd.s32 $0x2D65B80, s0;
	[dreg:$0x12] =	wrdreg s14  }
0x13: {  	s2 =	sand.u32 $0x1, s21;
	s16 =	sadd.s32 $0x2DC7600, s0;
	[dreg:$0x13] =	wrdreg s15  }
0x14: {  	s3 =	sshll.u32 s3, $0xA;
	s17 =	sadd.s32 $0x2E29080, s0;
	[dreg:$0x14] =	wrdreg s16  }
0x15: {  	s18 =	sadd.s32 $0x2E8AB00, s0;
	s19 =	sadd.s32 $0x2EEC580, s0;
	[dreg:$0x15] =	wrdreg s17  }
0x16: {  	s20 =	sadd.s32 $0x2F4E000, s0;
	s4 =	sshll.u32 s2, $0x9;
	[dreg:$0x16] =	wrdreg s18  }
0x17: {  	s2 =	ssub.s32 $0x2, s2;
	[dreg:$0x18] =	wrdreg s19;
	s22 =	sadd.s32 $0x2FAFA80, s0  }
0x18: {  	[dreg:$0x19] =	wrdreg s20;
	s23 =	sadd.s32 $0x3011500, s0;
	s24 =	sadd.s32 $0x3072F80, s0  }
0x19: {  	s25 =	sadd.s32 $0x30D4A00, s0;
	s7 =	simm.s32 $0x6100;
	s8 =	simm.s32 $0x7100  }
0x1a: {  	s9 =	simm.s32 $0x8100;
	s10 =	simm.s32 $0x9100;
	s11 =	simm.s32 $0xA100  }
0x1b: {  	s12 =	simm.s32 $0xB100;
	s13 =	simm.s32 $0xC100;
	s14 =	simm.s32 $0xD100  }
0x1c: {  	s15 =	simm.s32 $0xE100;
	s16 =	simm.s32 $0xF100;
	s17 =	simm.s32 $0x10100  }
0x1d: {  	s18 =	simm.s32 $0x11100;
	s19 =	simm.s32 $0x12100;
	[dreg:$0x1a] =	wrdreg s22  }
0x1e: {  	s20 =	simm.s32 $0x13100;
	s6 =	simm.s32 $0x1B100;
	[dreg:$0x1b] =	wrdreg s23  }
0x1f: {  	s3 =	sor.u32 s4, s3;
	s21 =	sshrl.u32 s2, $0x1;
	[dreg:$0x1c] =	wrdreg s24  }
0x20: {  	v0 =	vlaneseq.u32;
	[dreg:$0x1d] =	wrdreg s25;
	s22 =	simm.s32 $0x15100;
	s23 =	simm.s32 $0x16100  }
0x21: {  	v0 =	vmul.u32 $0x1A, v0;
	s25 =	simm.s32 $0x17100;
	[dreg:$0xe] =	wrdreg s3;
	s3 =	sshrl.u32 s3, $0x3  }
0x22: {  	s2 =	ssub.s32 s2, s21;
	s3 =	sadd.s32 s3, s0;
	s0 =	sadd.s32 $0x3136480, s0  }
0x23: {  	v1 =	vadd.s32 $0x1A0, v0;
	s21 =	simm.s32 $0x14100;
	s26 =	smax.u32 s2, $0x1;
	[dreg:$0x1e] =	wrdreg s0  }
0x24: {  	v2 =	vadd.s32 $0x340, v0;
	v3 =	vadd.s32 $0x4E0, v0;
	v4 =	vadd.s32 $0x680, v0;
	s2 =	simm.s32 $0x80;
	s3 =	sadd.s32 $0xA00, s3;
	[dreg:$0x1f] =	wrdreg s26  }
0x25: {  	v5 =	vadd.s32 $0x820, v0;
	v6 =	vadd.s32 $0x9C0, v0;
	v7 =	vadd.s32 $0xB60, v0;
	s26 =	simm.s32 $0x18100;
	[dreg:$0x17] =	wrdreg s3;
	s3 =	simm.s32 $0x0  }
.LBB2_1:
0x26: {  	s0 =	simm.s32 $0x0  }
0x27: {  	s24 =	rddreg [dreg:$0x17];
	s4 =	simm.s32 $0x200;
	s5 =	simm.s32 $0x4000  }
0x28: {  	[tilespmem:s0], [sflag:$0x3] =	stream.strided.gather [hbm4b:s24+s4], $0x3400, s5, s4, $0x38;
	[tilespmem:$0x1E100] =	vst v63  }
0x29: {  	[smem:$0x7FD] =	sst s3;
	s24 =	simm.s32 $0x3  }
0x2a: {  	_ =	swait.ge [sflag:s24], $0x3400  }
0x2b: {  	[sflag:s24] =	ssyncset.done $0x0  }
0x2c: {  	s0 =	simm.s32 $0x0;
	[sflag:s24] =	ssyncadd.s32 $0xFFFFCC00  }
.LBB2_2:
0x2d: {  	s24 =	sshll.u32 s0, $0x7;
	s3 =	rddreg [dreg:$0xe]  }
0x2e: {  	s3 =	sor.u32 s3, s24  }
0x2f: {  	v8 =	vmov s3  }
0x30: {  	v8 =	vmul.u32 $0x1A, v8;
	_ =	sdelay $0x1  }
0x31: {  	v11 =	vbroadcast v8, $0x0;
	_ =	sdelay $0x1  }
0x32: {  	v14 =	vadd.s32 v0, v11;
	v13 =	vadd.s32 v1, v11;
	v12 =	vadd.s32 v2, v11  }
0x33: {  	s3 =	simm.s32 $0x0;
	v9 =	vadd.s32 v3, v11;
	v8 =	vadd.s32 v4, v11;
	v15 =	vadd.s32 v7, v11  }
0x34: {  	s4 =	simm.s32 $0x3440;
	s5 =	simm.s32 $0x1;
	v10 =	vadd.s32 v5, v11;
	v11 =	vadd.s32 v6, v11;
	v16 =	vadd.s32 s3, v15  }
.LBB2_3:
0x35: {  	p0 =	sne.s32 s5, $0x19;
	v17 =	vadd.s32 s3, v14;
	[tilespmem:s4+$0x30] =	vst v16  }
0x36: {  	v16 =	vadd.s32 s3, v13;
	[tilespmem:s4+$0xFFFFFFC0] =	vst v17  }
0x37: {  	[tilespmem:s4+$0xFFFFFFD0] =	vst v16;
	v16 =	vadd.s32 s3, v12  }
.Ltmp0:
0x38: {  	[tilespmem:s4+$0xFFFFFFE0] =	vst v16;
	v16 =	vadd.s32 s3, v9;
	(pc) =	sbr.rel @p0 .LBB2_3-.Ltmp0, $4  }
0x39: {  	[tilespmem:s4+$0xFFFFFFF0] =	vst v16;
	v16 =	vadd.s32 s3, v8  }
0x3a: {  	[tilespmem:s4+$0x0] =	vst v16;
	v16 =	vadd.s32 s3, v10  }
0x3b: {  	v17 =	vadd.s32 s3, v11;
	s3 =	smov.u32 s5;
	[tilespmem:s4+$0x10] =	vst v16  }
0x3c: {  	s5 =	sadd.s32 $0x1, s5;
	v16 =	vadd.s32 s3, v15;
	[tilespmem:s4+$0x20] =	vst v17;
	s4 =	sadd.s32 $0x80, s4  }
0x3d: {  	v14 =	vadd.s32 s3, v14;
	[tilespmem:s4+$0x30] =	vst v16  }
0x3e: {  	v13 =	vadd.s32 s3, v13;
	[tilespmem:s4+$0xFFFFFFC0] =	vst v14  }
0x3f: {  	v12 =	vadd.s32 s3, v12;
	[tilespmem:s4+$0xFFFFFFD0] =	vst v13  }
0x40: {  	v9 =	vadd.s32 s3, v9;
	[tilespmem:s4+$0xFFFFFFE0] =	vst v12  }
0x41: {  	v8 =	vadd.s32 s3, v8;
	[tilespmem:s4+$0xFFFFFFF0] =	vst v9  }
0x42: {  	v63 =	vadd.s32 s3, v11;
	[tilespmem:s4+$0x0] =	vst v8  }
0x43: {  	v8 =	vadd.s32 s3, v10;
	[tilespmem:s4+$0x20] =	vst v63  }
0x44: {  	s5 =	simm.s32 $0x4100;
	[tilespmem:s4+$0x10] =	vst v8;
	s4 =	rddreg [dreg:$0x3]  }
0x45: {  	[tilespmem:s5], [sflag:$0x1] =	stream.indirect.gather [hbm4b:s4+s2], $0x20, s24, s2, $0xb8;
	[tilespmem:$0x1E100] =	vst v63  }
0x46: {  	s3 =	sadd.s32 $0x200, s24;
	s4 =	rddreg [dreg:$0x4];
	s5 =	simm.s32 $0x5100  }
0x47: {  	[tilespmem:s5], [sflag:$0x1] =	stream.indirect.gather [hbm4b:s4+s2], $0x20, s3, s2, $0xb8;
	[tilespmem:$0x1E100] =	vst v63  }
0x48: {  	s4 =	sadd.s32 $0x400, s24;
	s5 =	rddreg [dreg:$0x5]  }
0x49: {  	[tilespmem:s7], [sflag:$0x1] =	stream.indirect.gather [hbm4b:s5+s2], $0x20, s4, s2, $0xb8;
	[tilespmem:$0x1E100] =	vst v63  }
0x4a: {  	s4 =	sadd.s32 $0x600, s24;
	s5 =	rddreg [dreg:$0x6]  }
0x4b: {  	[tilespmem:s8], [sflag:$0x1] =	stream.indirect.gather [hbm4b:s5+s2], $0x20, s4, s2, $0xb8;
	[tilespmem:$0x1E100] =	vst v63  }
0x4c: {  	s4 =	sadd.s32 $0x800, s24;
	s5 =	rddreg [dreg:$0x7]  }
0x4d: {  	[tilespmem:s9], [sflag:$0x1] =	stream.indirect.gather [hbm4b:s5+s2], $0x20, s4, s2, $0xb8;
	[tilespmem:$0x1E100] =	vst v63  }
0x4e: {  	s4 =	sadd.s32 $0xA00, s24;
	s5 =	rddreg [dreg:$0x8]  }
0x4f: {  	[tilespmem:s10], [sflag:$0x1] =	stream.indirect.gather [hbm4b:s5+s2], $0x20, s4, s2, $0xb8;
	[tilespmem:$0x1E100] =	vst v63  }
0x50: {  	s4 =	sadd.s32 $0xC00, s24;
	s5 =	rddreg [dreg:$0x9]  }
0x51: {  	[tilespmem:s11], [sflag:$0x1] =	stream.indirect.gather [hbm4b:s5+s2], $0x20, s4, s2, $0xb8;
	[tilespmem:$0x1E100] =	vst v63  }
0x52: {  	s4 =	sadd.s32 $0xE00, s24;
	s5 =	rddreg [dreg:$0xa]  }
0x53: {  	[tilespmem:s12], [sflag:$0x1] =	stream.indirect.gather [hbm4b:s5+s2], $0x20, s4, s2, $0xb8;
	[tilespmem:$0x1E100] =	vst v63  }
0x54: {  	s4 =	sadd.s32 $0x1000, s24;
	s5 =	rddreg [dreg:$0xb]  }
0x55: {  	[tilespmem:s13], [sflag:$0x1] =	stream.indirect.gather [hbm4b:s5+s2], $0x20, s4, s2, $0xb8;
	[tilespmem:$0x1E100] =	vst v63  }
0x56: {  	s4 =	sadd.s32 $0x1200, s24;
	s5 =	rddreg [dreg:$0xc]  }
0x57: {  	[tilespmem:s14], [sflag:$0x1] =	stream.indirect.gather [hbm4b:s5+s2], $0x20, s4, s2, $0xb8;
	[tilespmem:$0x1E100] =	vst v63  }
0x58: {  	s4 =	sadd.s32 $0x1400, s24;
	s5 =	rddreg [dreg:$0xd]  }
0x59: {  	[tilespmem:s15], [sflag:$0x1] =	stream.indirect.gather [hbm4b:s5+s2], $0x20, s4, s2, $0xb8;
	[tilespmem:$0x1E100] =	vst v63  }
0x5a: {  	s4 =	sadd.s32 $0x1600, s24;
	s5 =	rddreg [dreg:$0xf]  }
0x5b: {  	[tilespmem:s16], [sflag:$0x1] =	stream.indirect.gather [hbm4b:s5+s2], $0x20, s4, s2, $0xb8;
	[tilespmem:$0x1E100] =	vst v63  }
0x5c: {  	s4 =	sadd.s32 $0x1800, s24;
	s5 =	rddreg [dreg:$0x10]  }
0x5d: {  	[tilespmem:s17], [sflag:$0x1] =	stream.indirect.gather [hbm4b:s5+s2], $0x20, s4, s2, $0xb8;
	[tilespmem:$0x1E100] =	vst v63  }
0x5e: {  	s4 =	sadd.s32 $0x1A00, s24;
	s5 =	rddreg [dreg:$0x11]  }
0x5f: {  	[tilespmem:s18], [sflag:$0x1] =	stream.indirect.gather [hbm4b:s5+s2], $0x20, s4, s2, $0xb8;
	[tilespmem:$0x1E100] =	vst v63  }
0x60: {  	s4 =	sadd.s32 $0x1C00, s24;
	s5 =	rddreg [dreg:$0x12]  }
0x61: {  	[tilespmem:s19], [sflag:$0x1] =	stream.indirect.gather [hbm4b:s5+s2], $0x20, s4, s2, $0xb8;
	[tilespmem:$0x1E100] =	vst v63  }
0x62: {  	s4 =	sadd.s32 $0x1E00, s24;
	s5 =	rddreg [dreg:$0x13]  }
0x63: {  	[tilespmem:s20], [sflag:$0x1] =	stream.indirect.gather [hbm4b:s5+s2], $0x20, s4, s2, $0xb8;
	[tilespmem:$0x1E100] =	vst v63  }
0x64: {  	s4 =	sadd.s32 $0x2000, s24;
	s5 =	rddreg [dreg:$0x14]  }
0x65: {  	[tilespmem:s21], [sflag:$0x1] =	stream.indirect.gather [hbm4b:s5+s2], $0x20, s4, s2, $0xb8;
	[tilespmem:$0x1E100] =	vst v63  }
0x66: {  	s4 =	sadd.s32 $0x2200, s24;
	s5 =	rddreg [dreg:$0x15]  }
0x67: {  	[tilespmem:s22], [sflag:$0x1] =	stream.indirect.gather [hbm4b:s5+s2], $0x20, s4, s2, $0xb8;
	[tilespmem:$0x1E100] =	vst v63  }
0x68: {  	s4 =	sadd.s32 $0x2400, s24;
	s5 =	rddreg [dreg:$0x16]  }
0x69: {  	[tilespmem:s23], [sflag:$0x1] =	stream.indirect.gather [hbm4b:s5+s2], $0x20, s4, s2, $0xb8;
	[tilespmem:$0x1E100] =	vst v63  }
0x6a: {  	s4 =	sadd.s32 $0x2600, s24;
	s5 =	rddreg [dreg:$0x18]  }
0x6b: {  	[tilespmem:s25], [sflag:$0x1] =	stream.indirect.gather [hbm4b:s5+s2], $0x20, s4, s2, $0xb8;
	[tilespmem:$0x1E100] =	vst v63  }
0x6c: {  	s4 =	sadd.s32 $0x2800, s24;
	s5 =	rddreg [dreg:$0x19]  }
0x6d: {  	[tilespmem:s26], [sflag:$0x1] =	stream.indirect.gather [hbm4b:s5+s2], $0x20, s4, s2, $0xb8;
	[tilespmem:$0x1E100] =	vst v63  }
0x6e: {  	s4 =	sadd.s32 $0x2A00, s24;
	s5 =	rddreg [dreg:$0x1a]  }
0x6f: {  	[tilespmem:s28], [sflag:$0x1] =	stream.indirect.gather [hbm4b:s5+s2], $0x20, s4, s2, $0xb8;
	[tilespmem:$0x1E100] =	vst v63  }
0x70: {  	s4 =	sadd.s32 $0x2C00, s24;
	s5 =	rddreg [dreg:$0x1b]  }
0x71: {  	[tilespmem:s29], [sflag:$0x1] =	stream.indirect.gather [hbm4b:s5+s2], $0x20, s4, s2, $0xb8;
	[tilespmem:$0x1E100] =	vst v63  }
0x72: {  	s4 =	sadd.s32 $0x2E00, s24;
	s5 =	rddreg [dreg:$0x1c]  }
0x73: {  	[tilespmem:s6], [sflag:$0x1] =	stream.indirect.gather [hbm4b:s5+s2], $0x20, s4, s2, $0xb8;
	[tilespmem:$0x1E100] =	vst v63  }
0x74: {  	s3 =	sadd.s32 $0x3000, s24;
	s4 =	rddreg [dreg:$0x1d];
	s5 =	simm.s32 $0x1C100  }
0x75: {  	[tilespmem:s5], [sflag:$0x1] =	stream.indirect.gather [hbm4b:s4+s2], $0x20, s3, s2, $0xb8;
	[tilespmem:$0x1E100] =	vst v63  }
0x76: {  	s3 =	sadd.s32 $0x3200, s24;
	s4 =	rddreg [dreg:$0x1e];
	s24 =	simm.s32 $0x1D100  }
0x77: {  	[tilespmem:s24], [sflag:$0x1] =	stream.indirect.gather [hbm4b:s4+s2], $0x20, s3, s2, $0xb8;
	[tilespmem:$0x1E100] =	vst v63  }
0x78: {  	_ =	swait.ge [sflag:s30], $0x1000  }
0x79: {  	[sflag:s30] =	ssyncset.done $0x0  }
0x7a: {  	[sflag:s30] =	ssyncadd.s32 $0xFFFFF000  }
0x7b: {  	_ =	swait.ge [sflag:s30], $0x1000  }
0x7c: {  	[sflag:s30] =	ssyncset.done $0x0  }
0x7d: {  	[sflag:s30] =	ssyncadd.s32 $0xFFFFF000  }
0x7e: {  	_ =	swait.ge [sflag:s30], $0x1000  }
0x7f: {  	[sflag:s30] =	ssyncset.done $0x0  }
0x80: {  	[sflag:s30] =	ssyncadd.s32 $0xFFFFF000  }
0x81: {  	_ =	swait.ge [sflag:s30], $0x1000  }
0x82: {  	[sflag:s30] =	ssyncset.done $0x0  }
0x83: {  	[sflag:s30] =	ssyncadd.s32 $0xFFFFF000  }
0x84: {  	_ =	swait.ge [sflag:s30], $0x1000  }
0x85: {  	[sflag:s30] =	ssyncset.done $0x0  }
0x86: {  	[sflag:s30] =	ssyncadd.s32 $0xFFFFF000  }
0x87: {  	_ =	swait.ge [sflag:s30], $0x1000  }
0x88: {  	[sflag:s30] =	ssyncset.done $0x0  }
0x89: {  	[sflag:s30] =	ssyncadd.s32 $0xFFFFF000  }
0x8a: {  	_ =	swait.ge [sflag:s30], $0x1000  }
0x8b: {  	[sflag:s30] =	ssyncset.done $0x0  }
0x8c: {  	[sflag:s30] =	ssyncadd.s32 $0xFFFFF000  }
0x8d: {  	_ =	swait.ge [sflag:s30], $0x1000  }
0x8e: {  	[sflag:s30] =	ssyncset.done $0x0  }
0x8f: {  	[sflag:s30] =	ssyncadd.s32 $0xFFFFF000  }
0x90: {  	_ =	swait.ge [sflag:s30], $0x1000  }
0x91: {  	[sflag:s30] =	ssyncset.done $0x0  }
0x92: {  	[sflag:s30] =	ssyncadd.s32 $0xFFFFF000  }
0x93: {  	_ =	swait.ge [sflag:s30], $0x1000  }
0x94: {  	[sflag:s30] =	ssyncset.done $0x0  }
0x95: {  	[sflag:s30] =	ssyncadd.s32 $0xFFFFF000  }
0x96: {  	_ =	swait.ge [sflag:s30], $0x1000  }
0x97: {  	[sflag:s30] =	ssyncset.done $0x0  }
0x98: {  	[sflag:s30] =	ssyncadd.s32 $0xFFFFF000  }
0x99: {  	_ =	swait.ge [sflag:s30], $0x1000  }
0x9a: {  	[sflag:s30] =	ssyncset.done $0x0  }
0x9b: {  	[sflag:s30] =	ssyncadd.s32 $0xFFFFF000  }
0x9c: {  	_ =	swait.ge [sflag:s30], $0x1000  }
0x9d: {  	[sflag:s30] =	ssyncset.done $0x0  }
0x9e: {  	[sflag:s30] =	ssyncadd.s32 $0xFFFFF000  }
0x9f: {  	_ =	swait.ge [sflag:s30], $0x1000  }
0xa0: {  	[sflag:s30] =	ssyncset.done $0x0  }
0xa1: {  	[sflag:s30] =	ssyncadd.s32 $0xFFFFF000  }
0xa2: {  	_ =	swait.ge [sflag:s30], $0x1000  }
0xa3: {  	[sflag:s30] =	ssyncset.done $0x0  }
0xa4: {  	[sflag:s30] =	ssyncadd.s32 $0xFFFFF000  }
0xa5: {  	_ =	swait.ge [sflag:s30], $0x1000  }
0xa6: {  	[sflag:s30] =	ssyncset.done $0x0  }
0xa7: {  	[sflag:s30] =	ssyncadd.s32 $0xFFFFF000  }
0xa8: {  	_ =	swait.ge [sflag:s30], $0x1000  }
0xa9: {  	[sflag:s30] =	ssyncset.done $0x0  }
0xaa: {  	[sflag:s30] =	ssyncadd.s32 $0xFFFFF000  }
0xab: {  	_ =	swait.ge [sflag:s30], $0x1000  }
0xac: {  	[sflag:s30] =	ssyncset.done $0x0  }
0xad: {  	[sflag:s30] =	ssyncadd.s32 $0xFFFFF000  }
0xae: {  	_ =	swait.ge [sflag:s30], $0x1000  }
0xaf: {  	[sflag:s30] =	ssyncset.done $0x0  }
0xb0: {  	[sflag:s30] =	ssyncadd.s32 $0xFFFFF000  }
0xb1: {  	_ =	swait.ge [sflag:s30], $0x1000  }
0xb2: {  	[sflag:s30] =	ssyncset.done $0x0  }
0xb3: {  	[sflag:s30] =	ssyncadd.s32 $0xFFFFF000  }
0xb4: {  	_ =	swait.ge [sflag:s30], $0x1000  }
0xb5: {  	[sflag:s30] =	ssyncset.done $0x0  }
0xb6: {  	[sflag:s30] =	ssyncadd.s32 $0xFFFFF000  }
0xb7: {  	_ =	swait.ge [sflag:s30], $0x1000  }
0xb8: {  	[sflag:s30] =	ssyncset.done $0x0  }
0xb9: {  	[sflag:s30] =	ssyncadd.s32 $0xFFFFF000  }
0xba: {  	_ =	swait.ge [sflag:s30], $0x1000  }
0xbb: {  	[sflag:s30] =	ssyncset.done $0x0  }
0xbc: {  	[sflag:s30] =	ssyncadd.s32 $0xFFFFF000  }
0xbd: {  	_ =	swait.ge [sflag:s30], $0x1000  }
0xbe: {  	[sflag:s30] =	ssyncset.done $0x0  }
0xbf: {  	[sflag:s30] =	ssyncadd.s32 $0xFFFFF000  }
0xc0: {  	_ =	swait.ge [sflag:s30], $0x1000  }
0xc1: {  	[sflag:s30] =	ssyncset.done $0x0  }
0xc2: {  	[sflag:s30] =	ssyncadd.s32 $0xFFFFF000  }
0xc3: {  	_ =	swait.ge [sflag:s30], $0x1000  }
0xc4: {  	[sflag:s30] =	ssyncset.done $0x0  }
0xc5: {  	s3 =	simm.s32 $0x3400;
	s4 =	simm.s32 $0x4100;
	[sflag:s30] =	ssyncadd.s32 $0xFFFFF000  }
0xc6: {  	[hbm4b:s1+s2] =	stream.indirect.scatter [tilespmem:s4], [sflag:$0x2], $0x20, s3, s2, $0xb8;
	[tilespmem:$0x1E100] =	vst v63  }
0xc7: {  	s3 =	simm.s32 $0x3480;
	s4 =	simm.s32 $0x5100  }
0xc8: {  	[hbm4b:s1+s2] =	stream.indirect.scatter [tilespmem:s4], [sflag:$0x2], $0x20, s3, s2, $0xb8;
	[tilespmem:$0x1E100] =	vst v63  }
0xc9: {  	s4 =	simm.s32 $0x3500  }
0xca: {  	[hbm4b:s1+s2] =	stream.indirect.scatter [tilespmem:s7], [sflag:$0x2], $0x20, s4, s2, $0xb8;
	[tilespmem:$0x1E100] =	vst v63  }
0xcb: {  	s4 =	simm.s32 $0x3580  }
0xcc: {  	[hbm4b:s1+s2] =	stream.indirect.scatter [tilespmem:s8], [sflag:$0x2], $0x20, s4, s2, $0xb8;
	[tilespmem:$0x1E100] =	vst v63  }
0xcd: {  	s4 =	simm.s32 $0x3600  }
0xce: {  	[hbm4b:s1+s2] =	stream.indirect.scatter [tilespmem:s9], [sflag:$0x2], $0x20, s4, s2, $0xb8;
	[tilespmem:$0x1E100] =	vst v63  }
0xcf: {  	s4 =	simm.s32 $0x3680  }
0xd0: {  	[hbm4b:s1+s2] =	stream.indirect.scatter [tilespmem:s10], [sflag:$0x2], $0x20, s4, s2, $0xb8;
	[tilespmem:$0x1E100] =	vst v63  }
0xd1: {  	s4 =	simm.s32 $0x3700  }
0xd2: {  	[hbm4b:s1+s2] =	stream.indirect.scatter [tilespmem:s11], [sflag:$0x2], $0x20, s4, s2, $0xb8;
	[tilespmem:$0x1E100] =	vst v63  }
0xd3: {  	s4 =	simm.s32 $0x3780  }
0xd4: {  	[hbm4b:s1+s2] =	stream.indirect.scatter [tilespmem:s12], [sflag:$0x2], $0x20, s4, s2, $0xb8;
	[tilespmem:$0x1E100] =	vst v63  }
0xd5: {  	s4 =	simm.s32 $0x3800  }
0xd6: {  	[hbm4b:s1+s2] =	stream.indirect.scatter [tilespmem:s13], [sflag:$0x2], $0x20, s4, s2, $0xb8;
	[tilespmem:$0x1E100] =	vst v63  }
0xd7: {  	s4 =	simm.s32 $0x3880  }
0xd8: {  	[hbm4b:s1+s2] =	stream.indirect.scatter [tilespmem:s14], [sflag:$0x2], $0x20, s4, s2, $0xb8;
	[tilespmem:$0x1E100] =	vst v63  }
0xd9: {  	s4 =	simm.s32 $0x3900  }
0xda: {  	[hbm4b:s1+s2] =	stream.indirect.scatter [tilespmem:s15], [sflag:$0x2], $0x20, s4, s2, $0xb8;
	[tilespmem:$0x1E100] =	vst v63  }
0xdb: {  	s4 =	simm.s32 $0x3980  }
0xdc: {  	[hbm4b:s1+s2] =	stream.indirect.scatter [tilespmem:s16], [sflag:$0x2], $0x20, s4, s2, $0xb8;
	[tilespmem:$0x1E100] =	vst v63  }
0xdd: {  	s4 =	simm.s32 $0x3A00  }
0xde: {  	[hbm4b:s1+s2] =	stream.indirect.scatter [tilespmem:s17], [sflag:$0x2], $0x20, s4, s2, $0xb8;
	[tilespmem:$0x1E100] =	vst v63  }
0xdf: {  	s4 =	simm.s32 $0x3A80  }
0xe0: {  	[hbm4b:s1+s2] =	stream.indirect.scatter [tilespmem:s18], [sflag:$0x2], $0x20, s4, s2, $0xb8;
	[tilespmem:$0x1E100] =	vst v63  }
0xe1: {  	s4 =	simm.s32 $0x3B00  }
0xe2: {  	[hbm4b:s1+s2] =	stream.indirect.scatter [tilespmem:s19], [sflag:$0x2], $0x20, s4, s2, $0xb8;
	[tilespmem:$0x1E100] =	vst v63  }
0xe3: {  	s4 =	simm.s32 $0x3B80  }
0xe4: {  	[hbm4b:s1+s2] =	stream.indirect.scatter [tilespmem:s20], [sflag:$0x2], $0x20, s4, s2, $0xb8;
	[tilespmem:$0x1E100] =	vst v63  }
0xe5: {  	s4 =	simm.s32 $0x3C00  }
0xe6: {  	[hbm4b:s1+s2] =	stream.indirect.scatter [tilespmem:s21], [sflag:$0x2], $0x20, s4, s2, $0xb8;
	[tilespmem:$0x1E100] =	vst v63  }
0xe7: {  	s4 =	simm.s32 $0x3C80  }
0xe8: {  	[hbm4b:s1+s2] =	stream.indirect.scatter [tilespmem:s22], [sflag:$0x2], $0x20, s4, s2, $0xb8;
	[tilespmem:$0x1E100] =	vst v63  }
0xe9: {  	s4 =	simm.s32 $0x3D00  }
0xea: {  	[hbm4b:s1+s2] =	stream.indirect.scatter [tilespmem:s23], [sflag:$0x2], $0x20, s4, s2, $0xb8;
	[tilespmem:$0x1E100] =	vst v63  }
0xeb: {  	s4 =	simm.s32 $0x3D80  }
0xec: {  	[hbm4b:s1+s2] =	stream.indirect.scatter [tilespmem:s25], [sflag:$0x2], $0x20, s4, s2, $0xb8;
	[tilespmem:$0x1E100] =	vst v63  }
0xed: {  	s4 =	simm.s32 $0x3E00  }
0xee: {  	[hbm4b:s1+s2] =	stream.indirect.scatter [tilespmem:s26], [sflag:$0x2], $0x20, s4, s2, $0xb8;
	[tilespmem:$0x1E100] =	vst v63  }
0xef: {  	s4 =	simm.s32 $0x3E80  }
0xf0: {  	[hbm4b:s1+s2] =	stream.indirect.scatter [tilespmem:s28], [sflag:$0x2], $0x20, s4, s2, $0xb8;
	[tilespmem:$0x1E100] =	vst v63  }
0xf1: {  	s4 =	simm.s32 $0x3F00  }
0xf2: {  	[hbm4b:s1+s2] =	stream.indirect.scatter [tilespmem:s29], [sflag:$0x2], $0x20, s4, s2, $0xb8;
	[tilespmem:$0x1E100] =	vst v63  }
0xf3: {  	s4 =	simm.s32 $0x3F80  }
0xf4: {  	[hbm4b:s1+s2] =	stream.indirect.scatter [tilespmem:s6], [sflag:$0x2], $0x20, s4, s2, $0xb8;
	[tilespmem:$0x1E100] =	vst v63  }
0xf5: {  	s4 =	simm.s32 $0x4000  }
0xf6: {  	[hbm4b:s1+s2] =	stream.indirect.scatter [tilespmem:s5], [sflag:$0x2], $0x20, s4, s2, $0xb8;
	[tilespmem:$0x1E100] =	vst v63  }
0xf7: {  	s5 =	simm.s32 $0x4080  }
0xf8: {  	[hbm4b:s1+s2] =	stream.indirect.scatter [tilespmem:s24], [sflag:$0x2], $0x20, s5, s2, $0xb8;
	[tilespmem:$0x1E100] =	vst v63  }
0xf9: {  	_ =	swait.ge [sflag:s31], $0x1000  }
0xfa: {  	[sflag:s31] =	ssyncset.done $0x0  }
0xfb: {  	[sflag:s31] =	ssyncadd.s32 $0xFFFFF000  }
0xfc: {  	_ =	swait.ge [sflag:s31], $0x1000  }
0xfd: {  	[sflag:s31] =	ssyncset.done $0x0  }
0xfe: {  	[sflag:s31] =	ssyncadd.s32 $0xFFFFF000  }
0xff: {  	_ =	swait.ge [sflag:s31], $0x1000  }
0x100: {  	[sflag:s31] =	ssyncset.done $0x0  }
0x101: {  	[sflag:s31] =	ssyncadd.s32 $0xFFFFF000  }
0x102: {  	_ =	swait.ge [sflag:s31], $0x1000  }
0x103: {  	[sflag:s31] =	ssyncset.done $0x0  }
0x104: {  	[sflag:s31] =	ssyncadd.s32 $0xFFFFF000  }
0x105: {  	_ =	swait.ge [sflag:s31], $0x1000  }
0x106: {  	[sflag:s31] =	ssyncset.done $0x0  }
0x107: {  	[sflag:s31] =	ssyncadd.s32 $0xFFFFF000  }
0x108: {  	_ =	swait.ge [sflag:s31], $0x1000  }
0x109: {  	[sflag:s31] =	ssyncset.done $0x0  }
0x10a: {  	[sflag:s31] =	ssyncadd.s32 $0xFFFFF000  }
0x10b: {  	_ =	swait.ge [sflag:s31], $0x1000  }
0x10c: {  	[sflag:s31] =	ssyncset.done $0x0  }
0x10d: {  	[sflag:s31] =	ssyncadd.s32 $0xFFFFF000  }
0x10e: {  	_ =	swait.ge [sflag:s31], $0x1000  }
0x10f: {  	[sflag:s31] =	ssyncset.done $0x0  }
0x110: {  	[sflag:s31] =	ssyncadd.s32 $0xFFFFF000  }
0x111: {  	_ =	swait.ge [sflag:s31], $0x1000  }
0x112: {  	[sflag:s31] =	ssyncset.done $0x0  }
0x113: {  	[sflag:s31] =	ssyncadd.s32 $0xFFFFF000  }
0x114: {  	_ =	swait.ge [sflag:s31], $0x1000  }
0x115: {  	[sflag:s31] =	ssyncset.done $0x0  }
0x116: {  	[sflag:s31] =	ssyncadd.s32 $0xFFFFF000  }
0x117: {  	_ =	swait.ge [sflag:s31], $0x1000  }
0x118: {  	[sflag:s31] =	ssyncset.done $0x0  }
0x119: {  	[sflag:s31] =	ssyncadd.s32 $0xFFFFF000  }
0x11a: {  	_ =	swait.ge [sflag:s31], $0x1000  }
0x11b: {  	[sflag:s31] =	ssyncset.done $0x0  }
0x11c: {  	[sflag:s31] =	ssyncadd.s32 $0xFFFFF000  }
0x11d: {  	_ =	swait.ge [sflag:s31], $0x1000  }
0x11e: {  	[sflag:s31] =	ssyncset.done $0x0  }
0x11f: {  	[sflag:s31] =	ssyncadd.s32 $0xFFFFF000  }
0x120: {  	_ =	swait.ge [sflag:s31], $0x1000  }
0x121: {  	[sflag:s31] =	ssyncset.done $0x0  }
0x122: {  	[sflag:s31] =	ssyncadd.s32 $0xFFFFF000  }
0x123: {  	_ =	swait.ge [sflag:s31], $0x1000  }
0x124: {  	[sflag:s31] =	ssyncset.done $0x0  }
0x125: {  	[sflag:s31] =	ssyncadd.s32 $0xFFFFF000  }
0x126: {  	_ =	swait.ge [sflag:s31], $0x1000  }
0x127: {  	[sflag:s31] =	ssyncset.done $0x0  }
0x128: {  	[sflag:s31] =	ssyncadd.s32 $0xFFFFF000  }
0x129: {  	_ =	swait.ge [sflag:s31], $0x1000  }
0x12a: {  	[sflag:s31] =	ssyncset.done $0x0  }
0x12b: {  	[sflag:s31] =	ssyncadd.s32 $0xFFFFF000  }
0x12c: {  	_ =	swait.ge [sflag:s31], $0x1000  }
0x12d: {  	[sflag:s31] =	ssyncset.done $0x0  }
0x12e: {  	[sflag:s31] =	ssyncadd.s32 $0xFFFFF000  }
0x12f: {  	_ =	swait.ge [sflag:s31], $0x1000  }
0x130: {  	[sflag:s31] =	ssyncset.done $0x0  }
0x131: {  	[sflag:s31] =	ssyncadd.s32 $0xFFFFF000  }
0x132: {  	_ =	swait.ge [sflag:s31], $0x1000  }
0x133: {  	[sflag:s31] =	ssyncset.done $0x0  }
0x134: {  	[sflag:s31] =	ssyncadd.s32 $0xFFFFF000  }
0x135: {  	_ =	swait.ge [sflag:s31], $0x1000  }
0x136: {  	[sflag:s31] =	ssyncset.done $0x0  }
0x137: {  	[sflag:s31] =	ssyncadd.s32 $0xFFFFF000  }
0x138: {  	_ =	swait.ge [sflag:s31], $0x1000  }
0x139: {  	[sflag:s31] =	ssyncset.done $0x0  }
0x13a: {  	[sflag:s31] =	ssyncadd.s32 $0xFFFFF000  }
0x13b: {  	_ =	swait.ge [sflag:s31], $0x1000  }
0x13c: {  	[sflag:s31] =	ssyncset.done $0x0  }
0x13d: {  	[sflag:s31] =	ssyncadd.s32 $0xFFFFF000  }
0x13e: {  	_ =	swait.ge [sflag:s31], $0x1000  }
0x13f: {  	[sflag:s31] =	ssyncset.done $0x0  }
0x140: {  	s0 =	sadd.s32 $0x1, s0;
	[sflag:s31] =	ssyncadd.s32 $0xFFFFF000  }
0x141: {  	p0 =	sne.s32 s0, $0x4;
	_ =	swait.ge [sflag:s31], $0x1000  }
.Ltmp1:
0x142: {  	[sflag:s31] =	ssyncset.done $0x0;
	(pc) =	sbr.rel @p0 .LBB2_2-.Ltmp1, $4  }
0x143: {  	[sflag:s31] =	ssyncadd.s32 $0xFFFFF000  }
0x144: {  	_ =	swait.ge [sflag:s31], $0x1000  }
0x145: {  	[sflag:s31] =	ssyncset.done $0x0  }
0x146: {  	[sflag:s31] =	ssyncadd.s32 $0xFFFFF000  }
0x147: {  	s3 =	sld [smem:$0x7FD];
	_ =	sdelay $0x2  }
0x148: {  	s0 =	rddreg [dreg:$0x1f];
	s3 =	sadd.s32 $0x1, s3  }
0x149: {  	p0 =	sne.s32 s3, s0  }
.Ltmp2:
0x14a: {  	_ = 	snop;
	(pc) =	sbr.rel @p0 .LBB2_1-.Ltmp2, $1  }
0x14b: {  	_ =	sdelay $0x3  }
0x14c: {  	_ =	sfence.sel $0x180000  }
0x14d: {  	[bflag:$0x0] =	sbarrier.arrive $0xFFFF  }
0x14e: {  	_ =	strace $0x90000047  }
0x14f: {  	s0 =	stileid.u32;
	[bflag:$0x2] =	sbarrier.arrive $0xFFFF  }
0x150: {  	p0 =	sne.s32 s0, $0x0;
	s0 =	rddreg [dreg:$0x2]  }
0x151: {  	s0 =	sadd.s32 @!p0 $0x100000, s0  }
0x152: {  	[sflag:s0] =	ssyncadd.tile.s32 @!p0 $0x1;
	_ =	shalt  }
.Lfunc_end2:
_tile_overlayer_lowered:
.L_overlay_start_2:
0x153: {  	(tag) =	ssettag $0x2  }
0x154: {  	s0 =	rddreg [dreg:$0x0];
	s2 =	stileid.u32  }
0x155: {  	s1 =	rddreg [dreg:$0x1];
	p0 =	sne.s32 s2, $0x0  }
0x156: {  	s3 =	rddreg [dreg:$0x2];
	[bflag:$0x3] =	sbarrier.arrive $0xFFFF;
	s2 =	simm.s32 @!p0 $0x1C03  }
0x157: {  	[timem:s3], [sflag:s2] =	dma.local @!p0 [hbm:s0], s1  }
0x158: {  	s0 =	simm.s32 @!p0 $0x3  }
0x159: {  	_ =	swait.ge @!p0 [sflag:s0], s1  }
0x15a: {  	s1 =	ssub.s32 @!p0 $0x0, s1;
	[sflag:s0] =	ssyncset.done @!p0 $0x0  }
0x15b: {  	[sflag:s0] =	ssyncadd.s32 @!p0 s1  }
0x15c: {  	[bflag:$0x3] =	sbarrier.arrive $0xFFFF  }
0x15d: {  	_ =	shalt  }

// kernel: sparse-core-data-format-call.cloned.1.call-start
scs
called_computation_lowered:
.L_overlay_start_0:
0x0: {  	s2 =	sld [smem:$0x3FD9]  }
0x1: {  	s3 =	sld [smem:$0x3FFE];
	_ =	sdelay $0x1  }
0x2: {  	s1 =	srdreg.scid  }
0x3: {  	s0 =	sand.u32 $0x1, s1  }
0x4: {  	s18 =	sshll.u32 s0, $0xA;
	s2 =	sadd.s32 s3, s2  }
0x5: {  	s2 =	sadd.s32 s2, s18  }
0x6: {  	[smem:$0x3FC6] =	sst s2  }
0x7: {  	_ = 	snop  }
0x8: {  	s2 =	sld [smem:$0x3FD0];
	(tm) =	ssettm $0x1  }
0x9: {  	s19 =	sld [smem:$0x3FFB];
	_ =	sdelay $0x3  }
0xa: {  	_ =	strace s19  }
0xb: {  	s3 =	sld [smem:$0x3FFC];
	_ =	sdelay $0x3  }
0xc: {  	_ =	strace s3  }
0xd: {  	s3 =	sld [smem:$0x3FFD];
	_ =	sdelay $0x3  }
0xe: {  	_ =	strace s3  }
0xf: {  	_ =	strace $0x8FFFFFFF  }
0x10: {  	s20 =	sld [smem:$0x3FDB];
	_ =	sdelay $0x1  }
0x11: {  	s4 =	simm.s32 $_scs_section_size  }
0x12: {  	s5 =	simm.s32 $_size__tile_overlayer_lowered;
	s6 =	simm.s32 $_tile_overlayer_lowered  }
0x13: {  	s23 =	simm.s32 $0x1BFF;
	s22 =	sshll.u32 s6, $0x1;
	s3 =	sadd.s32 s4, s20  }
0x14: {  	s7 =	simm.s32 $0x0;
	s21 =	sshll.u32 s5, $0x1;
	s5 =	sadd.s32 s22, s3  }
0x15: {  	[timem:s7], [sflag:s23] =	dma.local [hbm:s5], s21  }
0x16: {  	_ =	swait.ge [sflag:s23], s21  }
0x17: {  	s4 =	ssub.s32 $0x0, s21;
	[sflag:s23] =	ssyncset.done $0x0  }
0x18: {  	[sflag:s23] =	ssyncadd.s32 s4;
	_ =	sdelay $0x1  }
0x19: {  	s24 =	simm.s32 $0x1B8B  }
0x1a: {  	_ =	swait.ge [sflag:s24], $0x1  }
0x1b: {  	[sflag:s24] =	ssyncset.done $0x0  }
0x1c: {  	s26 =	simm.s32 $0x1B8E;
	s25 =	sld [smem:$0x3FFE];
	[sflag:s24] =	ssyncadd.s32 $0xFFFFFFFF  }
0x1d: {  	s27 =	simm.s32 $execute0_lowered;
	[smem:$0x3FD2] =	sst s26  }
0x1e: {  	s5 =	sshll.u32 s27, $0x1;
	_ =	strace $0x80000049;
	[dreg:$0x1] =	wrdreg $0xFFFFFFFF  }
0x1f: {  	s28 =	simm.s32 $_size_execute0_lowered;
	s3 =	sadd.s32 s3, s5;
	[dreg:$0x0] =	wrdreg $0x0  }
0x20: {  	s5 =	sshll.u32 s28, $0x1;
	[dreg:$0x2] =	wrdreg s3  }
0x21: {  	[dreg:$0x3] =	wrdreg s5  }
0x22: {  	[dreg:$0x4] =	wrdreg $0xC0  }
0x23: {  	_ =	task [dreg:s7], $0x5FFFF  }
0x24: {  	[dreg:$0x1] =	wrdreg $0xFFFFFFFF  }
0x25: {  	[dreg:$0x0] =	wrdreg $0x60  }
0x26: {  	[dreg:$0x2] =	wrdreg s25  }
0x27: {  	[dreg:$0x3] =	wrdreg s2  }
0x28: {  	[dreg:$0x4] =	wrdreg $0x9  }
0x29: {  	_ =	task.clear_ibuf [dreg:s7], $0x5FFFF;
	_ =	strace $0x90000049  }
0x2a: {  	s29 =	simm.s32 $0x9;
	_ =	strace $0x8000004B  }
0x2b: {  	_ =	swait.ge [sflag:s29], $0x1  }
0x2c: {  	[sflag:s29] =	ssyncadd.s32 $0xFFFFFFFF  }
0x2d: {  	_ =	strace $0x9000004B  }
0x2e: {  	_ =	sfence  }
0x2f: {  	s30 =	sld [smem:$0x0];
	_ =	sdelay $0x2  }
0x30: {  	s31 =	sshll.u32 s1, $0xD;
	s1 =	sshrl.u32 s1, $0x2  }
0x31: {  	s3 =	sand.u32 $0x4000, s31;
	s1 =	sadd.s32 s1, s30  }
0x32: {  	s0 =	sor.u32 s3, s0;
	s1 =	sshll.u32 s1, $0x11  }
0x33: {  	s0 =	sor.u32 s1, s0  }
0x34: {  	s0 =	sadd.s32 $0x8F2B, s0  }
0x35: {  	[sflag:s0] =	ssyncadd.remote.s32 $0x1  }
0x36: {  	_ =	sfence.sel $0xFFFF  }
0x37: {  	[dreg:$0x0] =	wrdreg $0xFFFFFFFF;
	(pc) =	sbr.abs _section_cstart, $3  }
0x38: {  	[dreg:$0x1] =	wrdreg $0xFFFFFFFF  }
0x39: {  	_ =	task.clear_ibuf [dreg:s7], $0x2FFFF;
	_ =	strace $0x9FFFFFFF  }
0x3a: {  	(tm) =	ssettm $0x7FFFFFFF  }
0x3b: {  	_ =	shalt  }
tec
execute0_lowered:
.L_overlay_start_1:
0x0: {  	(tag) =	ssettag $0x1  }
0x1: {  	s0 =	srdreg.scid  }
0x2: {  	s1 =	sshll.u32 s0, $0x4  }
0x3: {  	s4 =	rddreg [dreg:$0x0];
	s0 =	stileid.u32;
	s1 =	sand.u32 $0x10, s1  }
0x4: {  	s2 =	rddreg [dreg:$0x1];
	s7 =	simm.s32 $0x1;
	s1 =	sor.u32 s0, s1  }
0x5: {  	s8 =	simm.s32 $0x2;
	s11 =	simm.s32 $0x0;
	s3 =	sshll.u32 s1, $0x7  }
0x6: {  	s10 =	simm.s32 $0x0;
	s4 =	sadd.s32 $0xA00, s4;
	s6 =	ssub.s32 $0x68000, s3  }
.Ltmp0:
0x7: {  	s1 =	rddreg [dreg:$0x2];
	s5 =	sand.u32 $0xF80, s6;
	(pc) =	sbr.rel .LBB1_1-.Ltmp0, $4  }
0x8: {  	_ =	strace $0x8000004A;
	s9 =	smov.u32 s3;
	p0 =	sne.s32 s5, $0x0  }
0x9: {  	s6 =	sshrl.u32 s6, $0xC;
	s5 =	simm.s32 $0x1;
	s7 =	simm.s32 @!p0 $0x0  }
0xa: {  	[sflag:s5] =	ssyncpa.u1 $0x0;
	p0 =	por $0x0, $0x0;
	s6 =	sadd.s32 s7, s6  }
0xb: {  	[sflag:s8] =	ssyncpa.u1 $0x0;
	s8 =	simm.s32 $0x340000;
	s7 =	sadd.s32 $0x1, s6  }
.LBB1_4:
0xc: {  	s14 =	sshll.u32 s11, $0x3  }
0xd: {  	s30 =	sand.u32 $0x7F, s11;
	s15 =	sand.u32 $0xFFFFFC00, s14  }
0xe: {  	s11 =	sor.u32 s30, s15  }
0xf: {  	s15 =	smulhi.u32 $0x4EC4EC4F, s11  }
0x10: {  	s14 =	smulhi.u32 $0x4EC4EC4F, s14  }
0x11: {  	s15 =	sshrl.u32 s15, $0x11  }
0x12: {  	s14 =	sshrl.u32 s14, $0x11;
	s15 =	smul.u32 $0x68000, s15  }
0x13: {  	s14 =	sand.u32 $0x1F, s14  }
0x14: {  	s14 =	smul.u32 $0xD000, s14;
	s11 =	ssub.s32 s11, s15  }
0x15: {  	s15 =	sand.u32 $0x7, s11  }
0x16: {  	s14 =	sadd.s32 s2, s14;
	s11 =	sshrl.u32 s11, $0x3;
	s15 =	sshll.u32 s15, $0x12  }
0x17: {  	[tilespmem:s13+$0x0 ss:$0x81] =	vst.msk $0xffff, v0;
	s11 =	sadd.s32 s11, s14;
	s31 =	sor.u32 $0x400, s15  }
0x18: {  	[hbm4b:s11+s31] =	stream.strided.scatter [tilespmem:s12], [sflag:$0x2], $0x1000, s8, s31, $0x20;
	[tilespmem:$0x4040] =	vst v63  }
.LBB1_5:
0x19: {  	s13 =	sadd.s32 $0x1000, s9  }
0x1a: {  	p2 =	sgt.s32 s13, $0x67FFF  }
0x1b: {  	s13 =	smov.u32 @p2 s3;
	p2 =	sne.s32 s10, s7  }
.Ltmp1:
0x1c: {  	p1 =	slt.u32 s10, $0x2;
	(pc) =	sbr.rel @!p2 .LBB1_6-.Ltmp1, $4  }
0x1d: {  	s12 =	simm.s32 @!p1 $0x2  }
0x1e: {  	s14 =	sadd.s32 $0x1, s10;
	_ =	swait.ge @!p1 [sflag:s12], $0x1000  }
0x1f: {  	s11 =	smov.u32 s9;
	p0 =	por !p0, !p0;
	[sflag:s12] =	ssyncset.done @!p1 $0x0  }
0x20: {  	s10 =	smov.u32 s14;
	s9 =	smov.u32 s13;
	[sflag:s12] =	ssyncadd.s32 @!p1 $0xFFFFF000  }
.LBB1_1:
0x21: {  	p1 =	sge.u32 s10, s6  }
0x22: {  	s12 =	sand.u32 @!p1 $0x1FFFFFF, s9  }
0x23: {  	s13 =	smulhi.u32 @!p1 $0x2762763, s12;
	_ =	sdelay $0x1  }
0x24: {  	s13 =	sshrl.u32 @!p1 s13, $0xC  }
0x25: {  	s13 =	smul.u32 @!p1 $0x68000, s13;
	_ =	sdelay $0x1  }
0x26: {  	s31 =	sadd.s32 $0xFFFFFFFF, s10;
	s14 =	sxor.u32 @!p1 $0xFFFFFFFF, s10;
	s12 =	ssub.s32 @!p1 s12, s13  }
0x27: {  	s15 =	simm.s32 @!p1 $0x80;
	s14 =	sshll.u32 @!p1 s14, $0xC;
	s12 =	sshll.u32 @!p1 s12, $0x4  }
0x28: {  	s13 =	sand.u32 @!p1 $0x1000, s14;
	s14 =	simm.s32 @!p1 $0x20;
	s12 =	sadd.s32 @!p1 s4, s12  }
0x29: {  	[tilespmem:s13], [sflag:$0x1] =	stream.strided.gather @!p1 [hbm4b:s12+s14], $0x1000, s15, s14, $0x38;
	[tilespmem:$0x4040] =	vst v63  }
0x2a: {  	p1 =	sge.u32 s31, s6  }
.Ltmp2:
0x2b: {  	_ = 	snop;
	(pc) =	sbr.rel @p1 .LBB1_5-.Ltmp2, $1  }
0x2c: {  	_ =	sdelay $0x3  }
0x2d: {  	s12 =	simm.s32 $0x1  }
0x2e: {  	_ =	swait.ge [sflag:s5], $0x1000;
	s12 =	simm.s32 @!p0 $0x0  }
0x2f: {  	[sflag:s5] =	ssyncset.done $0x0;
	s13 =	sshll.u32 s12, $0xC  }
0x30: {  	[sflag:s5] =	ssyncadd.s32 $0xFFFFF000;
	s16 =	sor.u32 $0x10, s13  }
0x31: {  	s12 =	smul.u32 $0x4080, s12;
	v1 =	vld [tilespmem:s16+$0x0]  }
0x32: {  	s30 =	sand.u32 $0x1, s10;
	v0 =	vld [tilespmem:s16+$0xFFFFFFF0]  }
0x33: {  	s13 =	smul.u32 $0x4080, s30;
	s12 =	sshrl.u32 s12, $0x2  }
0x34: {  	s14 =	sor.u32 $0x2000, s12  }
0x35: {  	s31 =	sshrl.u32 s13, $0x2;
	s13 =	sadd.s32 $0x0, s14  }
0x36: {  	s15 =	simm.s32 $0x4;
	s16 =	sadd.s32 $0x20, s16;
	s12 =	sor.u32 $0x2000, s31;
	[tilespmem:s13+$0x810 ss:$0x81] =	vst.msk $0xffff, v1  }
.LBB1_3:
0x37: {  	v1 =	vld [tilespmem:s16+$0x0];
	p1 =	sne.s32 s15, $0x1FC;
	[tilespmem:s13+$0x0 ss:$0x81] =	vst.msk $0xffff, v0;
	s13 =	smov.u32 s15;
	s15 =	sadd.s32 $0x4, s15  }
.Ltmp3:
0x38: {  	v0 =	vld [tilespmem:s16+$0xFFFFFFF0];
	(pc) =	sbr.rel @p1 .LBB1_3-.Ltmp3, $4  }
0x39: {  	_ = 	snop  }
0x3a: {  	s13 =	sshra.s32 s13, $0x2  }
0x3b: {  	s13 =	sadd.s32 s13, s14  }
0x3c: {  	s16 =	sadd.s32 $0x20, s16;
	[tilespmem:s13+$0x810 ss:$0x81] =	vst.msk $0xffff, v1  }
.Ltmp4:
0x3d: {  	_ = 	snop;
	(pc) =	sbr.rel .LBB1_4-.Ltmp4, $1  }
0x3e: {  	_ =	sdelay $0x3  }
.LBB1_6:
0x3f: {  	_ =	sfence.sel $0x180000  }
0x40: {  	s2 =	simm.s32 $0x1;
	[bflag:$0x0] =	sbarrier.arrive $0xFFFF  }
0x41: {  	s31 =	simm.s32 $0x2;
	[sflag:s2] =	ssyncpa.u1 $0x1  }
0x42: {  	[sflag:s31] =	ssyncpa.u1 $0x1  }
0x43: {  	p0 =	sne.s32 s0, $0x0;
	_ =	strace $0x9000004A  }
0x44: {  	s0 =	sadd.s32 @!p0 $0x100000, s1;
	[bflag:$0x2] =	sbarrier.arrive $0xFFFF  }
0x45: {  	[sflag:s0] =	ssyncadd.tile.s32 @!p0 $0x1;
	_ =	shalt  }
.Lfunc_end1:
_tile_overlayer_lowered:
.L_overlay_start_2:
0x46: {  	(tag) =	ssettag $0x2  }
0x47: {  	s0 =	rddreg [dreg:$0x0];
	s2 =	stileid.u32  }
0x48: {  	s1 =	rddreg [dreg:$0x1];
	p0 =	sne.s32 s2, $0x0  }
0x49: {  	s3 =	rddreg [dreg:$0x2];
	[bflag:$0x3] =	sbarrier.arrive $0xFFFF;
	s2 =	simm.s32 @!p0 $0x1C01  }
0x4a: {  	[timem:s3], [sflag:s2] =	dma.local @!p0 [hbm:s0], s1  }
0x4b: {  	s0 =	simm.s32 @!p0 $0x1  }
0x4c: {  	_ =	swait.ge @!p0 [sflag:s0], s1  }
0x4d: {  	s1 =	ssub.s32 @!p0 $0x0, s1;
	[sflag:s0] =	ssyncset.done @!p0 $0x0  }
0x4e: {  	[sflag:s0] =	ssyncadd.s32 @!p0 s1  }
0x4f: {  	[bflag:$0x3] =	sbarrier.arrive $0xFFFF  }
0x50: {  	_ =	shalt  }

</sc_bundles>
